<compile_context>
chip_gen: v7x
topology: tpu7x:2x2x1
jax: 0.10.2.dev20260603
libtpu: 0.0.44.dev20260713+nightly
codegen_flags: <defaults>
</compile_context>

<pallas_src>
import functools

import jax
import jax.numpy as jnp
from jax import lax
from jax.experimental import pallas as pl
from jax.experimental.pallas import tpu as pltpu
from jax.experimental.pallas import tpu_sc as plsc

B = 16384
NU = 1000000
NI = 100000
F = 32
R = 16
NC = 2
NS = 16
NW = NC * NS
BPW = B // NW

BB = BPW
NB = B // BB


def _sc_gather_body(uid_hbm, iid_hbm, wut_hbm, wit_hbm, at_hbm,
                    ub_hbm, ib_hbm,
                    ue_out, wi_out, a_out, ub_out, ib_out,
                    uidx_v, iidx_v, ub2_v, ue_v, wiv_v, a_v, ub_v, ib_v, sem):
    wid = lax.axis_index("s") * NC + lax.axis_index("c")
    base = wid * BPW
    pltpu.sync_copy(uid_hbm.at[pl.ds(base, BPW)], uidx_v)
    pltpu.sync_copy(iid_hbm.at[pl.ds(base, BPW)], iidx_v)
    copies = [pltpu.async_copy(wut_hbm.at[uidx_v], ub2_v, sem)]
    for f in range(F):
        copies.append(pltpu.async_copy(
            wit_hbm.at[pl.ds(f * NI, NI)].at[iidx_v],
            wiv_v.at[pl.ds(f * BPW, BPW)], sem))
    for r in range(R):
        copies.append(pltpu.async_copy(
            at_hbm.at[pl.ds(r * NI, NI)].at[iidx_v],
            a_v.at[pl.ds(r * BPW, BPW)], sem))
    copies.append(pltpu.async_copy(ub_hbm.at[uidx_v], ub_v, sem))
    copies.append(pltpu.async_copy(ib_hbm.at[iidx_v], ib_v, sem))
    for c in copies:
        c.wait()
    iota16 = lax.iota(jnp.int32, 16)

    cols = [jnp.full((16,), f, jnp.int32) for f in range(F)]

    def _transpose_c(c, carry):
        rows = iota16 + c * 16
        for f in range(F):
            ue_v[pl.ds(f * BPW + c * 16, 16)] = plsc.load_gather(
                ub2_v, [rows, cols[f]])
        return carry

    lax.fori_loop(0, BPW // 16, _transpose_c, 0)
    pltpu.sync_copy(ue_v, ue_out.at[pl.ds(base * F, BPW * F)])
    pltpu.sync_copy(wiv_v, wi_out.at[pl.ds(base * F, BPW * F)])
    pltpu.sync_copy(a_v, a_out.at[pl.ds(base * R, BPW * R)])
    pltpu.sync_copy(ub_v, ub_out.at[pl.ds(base, BPW)])
    pltpu.sync_copy(ib_v, ib_out.at[pl.ds(base, BPW)])


@functools.cache
def _make_sc_gather():
    return pl.kernel(
        _sc_gather_body,
        out_type=(
            jax.ShapeDtypeStruct((B * F,), jnp.float32),
            jax.ShapeDtypeStruct((B * F,), jnp.float32),
            jax.ShapeDtypeStruct((B * R,), jnp.float32),
            jax.ShapeDtypeStruct((B,), jnp.float32),
            jax.ShapeDtypeStruct((B,), jnp.float32),
        ),
        mesh=plsc.VectorSubcoreMesh(core_axis_name="c", subcore_axis_name="s",
                                    num_cores=NC, num_subcores=NS),
        compiler_params=pltpu.CompilerParams(needs_layout_passes=False,
                                             use_tc_tiling_on_sc=False),
        scratch_types=[
            pltpu.VMEM((BPW,), jnp.int32),
            pltpu.VMEM((BPW,), jnp.int32),
            pltpu.VMEM((BPW, F), jnp.float32),
            pltpu.VMEM((BPW * F,), jnp.float32),
            pltpu.VMEM((BPW * F,), jnp.float32),
            pltpu.VMEM((BPW * R,), jnp.float32),
            pltpu.VMEM((BPW,), jnp.float32),
            pltpu.VMEM((BPW,), jnp.float32),
            pltpu.SemaphoreType.DMA,
        ],
    )


def _tc_body(uft_ref, ift_ref, ue_ref, wiv_ref, a_ref, ub_ref, ib_ref,
             wuf_ref, wif_ref, bmat_ref, ufb_ref, ifb_ref, off_ref, out_ref):
    uft = uft_ref[...]
    ift = ift_ref[...]
    ue = ue_ref[0]
    wiv = wiv_ref[0]
    a = a_ref[0]
    wuf = wuf_ref[...]
    wif = wif_ref[...]
    bmat = bmat_ref[...]

    dn = (((0,), (0,)), ((), ()))
    ie = wiv + lax.dot_general(bmat, a, dn,
                               preferred_element_type=jnp.float32)
    d = (lax.dot_general(wuf, uft, dn, preferred_element_type=jnp.float32)
         + lax.dot_general(wif, ift, dn, preferred_element_type=jnp.float32))
    s = ue + ie + d

    wuf2 = jnp.sum(wuf * wuf, axis=1, keepdims=True)
    wif2 = jnp.sum(wif * wif, axis=1, keepdims=True)
    sq = (jnp.sum(ue * ue, axis=0, keepdims=True)
          + jnp.sum(ie * ie, axis=0, keepdims=True)
          + jnp.sum(uft * uft * wuf2, axis=0, keepdims=True)
          + jnp.sum(ift * ift * wif2, axis=0, keepdims=True))
    quad = jnp.sum(s * s, axis=0, keepdims=True) - sq

    fb = (jnp.sum(uft * ufb_ref[...], axis=0, keepdims=True)
          + jnp.sum(ift * ifb_ref[...], axis=0, keepdims=True))
    out_ref[...] = (0.5 * quad + ub_ref[...] + ib_ref[...] + fb
                    + off_ref[0, 0])


def kernel(user_ids, item_ids, user_feats, item_feats, W_user, W_item,
           W_ufeat, W_ifeat, user_bias, item_bias, user_feat_bias,
           item_feat_bias, offset, A, Bmat):
    uid = user_ids.astype(jnp.int32)
    iid = item_ids.astype(jnp.int32)
    wu128 = lax.optimization_barrier(W_user.reshape(NU * F // 128, 128))
    wut = wu128.reshape(NU, F)
    wit = W_item.T.reshape(NI * F)
    at = A.T.reshape(NI * R)
    ue_f, wi_f, a_f, ub, ib = _make_sc_gather()(uid, iid, wut, wit, at,
                                                user_bias, item_bias)
    ue3 = ue_f.reshape(NW, F, BPW)
    wi3 = wi_f.reshape(NW, F, BPW)
    a3 = a_f.reshape(NW, R, BPW)

    nuf = user_feats.shape[1]
    nif = item_feats.shape[1]
    out = pl.pallas_call(
        _tc_body,
        grid=(NB,),
        in_specs=[
            pl.BlockSpec((nuf, BB), lambda i: (0, i)),
            pl.BlockSpec((nif, BB), lambda i: (0, i)),
            pl.BlockSpec((1, F, BB), lambda i: (i, 0, 0)),
            pl.BlockSpec((1, F, BB), lambda i: (i, 0, 0)),
            pl.BlockSpec((1, R, BB), lambda i: (i, 0, 0)),
            pl.BlockSpec((1, BB), lambda i: (0, i)),
            pl.BlockSpec((1, BB), lambda i: (0, i)),
            pl.BlockSpec((nuf, F), lambda i: (0, 0)),
            pl.BlockSpec((nif, F), lambda i: (0, 0)),
            pl.BlockSpec((R, F), lambda i: (0, 0)),
            pl.BlockSpec((nuf, 1), lambda i: (0, 0)),
            pl.BlockSpec((nif, 1), lambda i: (0, 0)),
            pl.BlockSpec((1, 1), lambda i: (0, 0)),
        ],
        out_specs=pl.BlockSpec((1, BB), lambda i: (0, i)),
        out_shape=jax.ShapeDtypeStruct((1, B), jnp.float32),
    )(user_feats.T, item_feats.T, ue3, wi3, a3,
      ub.reshape(1, B), ib.reshape(1, B),
      W_ufeat, W_ifeat, Bmat,
      user_feat_bias.reshape(nuf, 1), item_feat_bias.reshape(nif, 1),
      offset.reshape(1, 1))
    return out.reshape(B)

# --- scband reference (transcript-rebuilt; emitter-appended) ---
"""Pipeline reference for scband-fm-27436251087260 (READ-ONLY COPY).

The authoritative reference and input builder live on the scoring server;
editing this copy changes nothing except your own understanding.
"""

import jax, jax.numpy as jnp
import numpy as np

B = 16384
NU = 1000000
NI = 100000
NUF = 26
NIF = 100
F = 32
R = 16


def setup_inputs(seed: int = 0) -> dict:
    key = jax.random.key(seed)
    ks = jax.random.split(key, 10)
    # kaiming_normal_(mode='fan_out') on an [num, dim] embedding weight uses fan_out=num
    std_u = float(np.sqrt(2.0 / NU))
    std_i = float(np.sqrt(2.0 / NI))
    std_uf = float(np.sqrt(2.0 / NUF))
    std_if = float(np.sqrt(2.0 / NIF))
    return {
        'user_ids': jax.random.randint(ks[0], (B,), 0, NU),
        'item_ids': jax.random.randint(ks[1], (B,), 0, NI),
        'user_feats': jax.random.uniform(ks[2], (B, NUF), dtype=jnp.float32),
        'item_feats': jax.random.uniform(ks[3], (B, NIF), dtype=jnp.float32),
        'W_user': jax.random.normal(ks[4], (NU, F), dtype=jnp.float32) * std_u,
        'W_item': jax.random.normal(ks[5], (NI, F), dtype=jnp.float32) * std_i,
        'W_ufeat': jax.random.normal(ks[6], (NUF, F), dtype=jnp.float32) * std_uf,
        'W_ifeat': jax.random.normal(ks[7], (NIF, F), dtype=jnp.float32) * std_if,
        'user_bias': jnp.zeros((NU,), dtype=jnp.float32),
        'item_bias': jnp.zeros((NI,), dtype=jnp.float32),
        'user_feat_bias': jnp.zeros((NUF,), dtype=jnp.float32),
        'item_feat_bias': jnp.zeros((NIF,), dtype=jnp.float32),
        'offset': jnp.zeros((1,), dtype=jnp.float32),
        'A': jnp.zeros((NI, R), dtype=jnp.float32),
        'Bmat': jnp.zeros((R, F), dtype=jnp.float32),
    }


def reference(user_ids, item_ids, user_feats, item_feats, W_user, W_item,
              W_ufeat, W_ifeat, user_bias, item_bias, user_feat_bias,
              item_feat_bias, offset, A, Bmat):
    uid = user_ids[:, None]                       # [B,1]
    iid = item_ids[:, None]                       # [B,1]
    user_embs = W_user[uid]                       # [B,1,F] gather
    user_feat_embs = jnp.einsum('ij,ki->kij', W_ufeat, user_feats)  # [B,NUF,F]
    item_emb_mat = A @ Bmat + W_item              # low-rank update (train=True path)
    item_embs = item_emb_mat[iid]                 # [B,1,F] gather
    item_feat_embs = jnp.einsum('ij,ki->kij', W_ifeat, item_feats)  # [B,NIF,F]
    all_embs = jnp.concatenate([user_embs, item_embs, user_feat_embs, item_feat_embs], axis=1)
    pow_of_sum = jnp.sum(all_embs, axis=1) ** 2
    sum_of_pow = jnp.sum(all_embs ** 2, axis=1)
    fm_out = jnp.sum(pow_of_sum - sum_of_pow, axis=-1) * 0.5
    feat_bias = jnp.concatenate([
        user_feat_bias[None, :] * user_feats,
        item_feat_bias[None, :] * item_feats,
    ], axis=-1)                                   # [B, NUF+NIF]
    user_biases = user_bias[uid]                  # [B,1]
    x_biases = jnp.concatenate([user_biases, item_bias[iid], feat_bias], axis=-1).sum(axis=1)
    fm_out = fm_out + x_biases + offset           # offset [1] broadcasts
    return fm_out

if __name__ == "__main__":
    import jax
    _d = setup_inputs()
    print(jax.jit(kernel)(*tuple(_d.values())))

</pallas_src>

<mosaic_0001>
#map = affine_map<(d0, d1) -> (0)>
#map1 = affine_map<(d0, d1) -> (0, 0)>
module attributes {stable_mosaic.version = 14 : i64} {
  func.func @_sc_gather_body(%arg0: i32, %arg1: i32, %arg2: memref<16384xi32, #tpu.memory_space<hbm>>, %arg3: memref<16384xi32, #tpu.memory_space<hbm>>, %arg4: memref<1000000x32xf32, #tpu.memory_space<hbm>>, %arg5: memref<3200000xf32, #tpu.memory_space<hbm>>, %arg6: memref<1600000xf32, #tpu.memory_space<hbm>>, %arg7: memref<1000000xf32, #tpu.memory_space<hbm>>, %arg8: memref<100000xf32, #tpu.memory_space<hbm>>, %arg9: memref<524288xf32, #tpu.memory_space<hbm>>, %arg10: memref<524288xf32, #tpu.memory_space<hbm>>, %arg11: memref<262144xf32, #tpu.memory_space<hbm>>, %arg12: memref<16384xf32, #tpu.memory_space<hbm>>, %arg13: memref<16384xf32, #tpu.memory_space<hbm>>, %arg14: memref<512xi32, #tpu.memory_space<vmem>>, %arg15: memref<512xi32, #tpu.memory_space<vmem>>, %arg16: memref<512x32xf32, #tpu.memory_space<vmem>>, %arg17: memref<16384xf32, #tpu.memory_space<vmem>>, %arg18: memref<16384xf32, #tpu.memory_space<vmem>>, %arg19: memref<8192xf32, #tpu.memory_space<vmem>>, %arg20: memref<512xf32, #tpu.memory_space<vmem>>, %arg21: memref<512xf32, #tpu.memory_space<vmem>>, %arg22: memref<!tpu.dma_semaphore, #tpu.memory_space<semaphore_mem>>) attributes {dimension_semantics = [#tpu.dimension_semantics<core_parallel>, #tpu.dimension_semantics<subcore_parallel>], iteration_bounds = array<i64: 2, 16>, scalar_prefetch = 0 : i64, scratch_operands = 9 : i64, tpu.core_type = #tpu.core_type<sc_vector_subcore>, window_params = [{transform_indices = #map}, {transform_indices = #map}, {transform_indices = #map1}, {transform_indices = #map}, {transform_indices = #map}, {transform_indices = #map}, {transform_indices = #map}, {transform_indices = #map}, {transform_indices = #map}, {transform_indices = #map}, {transform_indices = #map}, {transform_indices = #map}]} {
    %mul3A = arith.constant 2 : i32
    %mul3A_0 = arith.muli %arg1, %mul3A : i32
    %add3A = arith.addi %mul3A_0, %arg0 : i32
    %mul3A_1 = arith.constant 512 : i32
    %mul3A_2 = arith.muli %add3A, %mul3A_1 : i32
    "tpu.region"() ({
      %run_scoped3A = tpu.sem_alloc : memref<!tpu.dma_semaphore, #tpu.memory_space<semaphore_mem>>
      %dma_start3A_665 = tpu.memref_slice %arg2[%mul3A_2] : memref<16384xi32, #tpu.memory_space<hbm>> -> memref<512xi32, #tpu.memory_space<hbm>>
      %dma_start3A_666 = tpu.memref_slice %arg2[%mul3A_2] : memref<16384xi32, #tpu.memory_space<hbm>> -> memref<512xi32, #tpu.memory_space<hbm>>
      tpu.enqueue_dma source(%dma_start3A_666 : memref<512xi32, #tpu.memory_space<hbm>>) target(%arg14 : memref<512xi32, #tpu.memory_space<vmem>>) target_semaphore(%run_scoped3A : memref<!tpu.dma_semaphore, #tpu.memory_space<semaphore_mem>>)
      %dma_wait3A_667 = tpu.memref_slice %arg2[%mul3A_2] : memref<16384xi32, #tpu.memory_space<hbm>> -> memref<512xi32, #tpu.memory_space<hbm>>
      %dma_wait3A_668 = tpu.memref_slice %arg2[%mul3A_2] : memref<16384xi32, #tpu.memory_space<hbm>> -> memref<512xi32, #tpu.memory_space<hbm>>
      tpu.wait_dma2 semaphore(%run_scoped3A : memref<!tpu.dma_semaphore, #tpu.memory_space<semaphore_mem>>) src(%dma_wait3A_668 : memref<512xi32, #tpu.memory_space<hbm>>) dst(%arg14 : memref<512xi32, #tpu.memory_space<vmem>>)
      tpu.yield
    }) : () -> ()
    "tpu.region"() ({
      %run_scoped3A = tpu.sem_alloc : memref<!tpu.dma_semaphore, #tpu.memory_space<semaphore_mem>>
      %dma_start3A_665 = tpu.memref_slice %arg3[%mul3A_2] : memref<16384xi32, #tpu.memory_space<hbm>> -> memref<512xi32, #tpu.memory_space<hbm>>
      %dma_start3A_666 = tpu.memref_slice %arg3[%mul3A_2] : memref<16384xi32, #tpu.memory_space<hbm>> -> memref<512xi32, #tpu.memory_space<hbm>>
      tpu.enqueue_dma source(%dma_start3A_666 : memref<512xi32, #tpu.memory_space<hbm>>) target(%arg15 : memref<512xi32, #tpu.memory_space<vmem>>) target_semaphore(%run_scoped3A : memref<!tpu.dma_semaphore, #tpu.memory_space<semaphore_mem>>)
      %dma_wait3A_667 = tpu.memref_slice %arg3[%mul3A_2] : memref<16384xi32, #tpu.memory_space<hbm>> -> memref<512xi32, #tpu.memory_space<hbm>>
      %dma_wait3A_668 = tpu.memref_slice %arg3[%mul3A_2] : memref<16384xi32, #tpu.memory_space<hbm>> -> memref<512xi32, #tpu.memory_space<hbm>>
      tpu.wait_dma2 semaphore(%run_scoped3A : memref<!tpu.dma_semaphore, #tpu.memory_space<semaphore_mem>>) src(%dma_wait3A_668 : memref<512xi32, #tpu.memory_space<hbm>>) dst(%arg15 : memref<512xi32, #tpu.memory_space<vmem>>)
      tpu.yield
    }) : () -> ()
    %dma_start3A = arith.constant 0 : i32
    %dma_start3A_3 = arith.constant 0 : i32
    %dma_start3A_4 = tpu.memref_slice %arg4[%dma_start3A, %dma_start3A_3] : memref<1000000x32xf32, #tpu.memory_space<hbm>> -> memref<1000000x32xf32, #tpu.memory_space<hbm>>
    tpu.enqueue_indirect_dma source(%dma_start3A_4 : memref<1000000x32xf32, #tpu.memory_space<hbm>>) target(%arg16 : memref<512x32xf32, #tpu.memory_space<vmem>>) offsets(%arg14 : memref<512xi32, #tpu.memory_space<vmem>>) semaphore(%arg22 : memref<!tpu.dma_semaphore, #tpu.memory_space<semaphore_mem>>)
    %dma_start3A_5 = arith.constant 0 : i32
    %dma_start3A_6 = tpu.memref_slice %arg18[%dma_start3A_5] : memref<16384xf32, #tpu.memory_space<vmem>> -> memref<512xf32, #tpu.memory_space<vmem>>
    %dma_start3A_7 = arith.constant 0 : i32
    %dma_start3A_8 = tpu.memref_slice %arg5[%dma_start3A_7] : memref<3200000xf32, #tpu.memory_space<hbm>> -> memref<100000xf32, #tpu.memory_space<hbm>>
    %dma_start3A_9 = arith.constant 0 : i32
    %dma_start3A_10 = tpu.memref_slice %dma_start3A_8[%dma_start3A_9] : memref<100000xf32, #tpu.memory_space<hbm>> -> memref<100000xf32, #tpu.memory_space<hbm>>
    tpu.enqueue_indirect_dma source(%dma_start3A_10 : memref<100000xf32, #tpu.memory_space<hbm>>) target(%dma_start3A_6 : memref<512xf32, #tpu.memory_space<vmem>>) offsets(%arg15 : memref<512xi32, #tpu.memory_space<vmem>>) semaphore(%arg22 : memref<!tpu.dma_semaphore, #tpu.memory_space<semaphore_mem>>)
    %dma_start3A_11 = arith.constant 512 : i32
    %dma_start3A_12 = tpu.memref_slice %arg18[%dma_start3A_11] : memref<16384xf32, #tpu.memory_space<vmem>> -> memref<512xf32, #tpu.memory_space<vmem>>
    %dma_start3A_13 = arith.constant 100000 : i32
    %dma_start3A_14 = tpu.memref_slice %arg5[%dma_start3A_13] : memref<3200000xf32, #tpu.memory_space<hbm>> -> memref<100000xf32, #tpu.memory_space<hbm>>
    %dma_start3A_15 = arith.constant 0 : i32
    %dma_start3A_16 = tpu.memref_slice %dma_start3A_14[%dma_start3A_15] : memref<100000xf32, #tpu.memory_space<hbm>> -> memref<100000xf32, #tpu.memory_space<hbm>>
    tpu.enqueue_indirect_dma source(%dma_start3A_16 : memref<100000xf32, #tpu.memory_space<hbm>>) target(%dma_start3A_12 : memref<512xf32, #tpu.memory_space<vmem>>) offsets(%arg15 : memref<512xi32, #tpu.memory_space<vmem>>) semaphore(%arg22 : memref<!tpu.dma_semaphore, #tpu.memory_space<semaphore_mem>>)
    %dma_start3A_17 = arith.constant 1024 : i32
    %dma_start3A_18 = tpu.memref_slice %arg18[%dma_start3A_17] : memref<16384xf32, #tpu.memory_space<vmem>> -> memref<512xf32, #tpu.memory_space<vmem>>
    %dma_start3A_19 = arith.constant 200000 : i32
    %dma_start3A_20 = tpu.memref_slice %arg5[%dma_start3A_19] : memref<3200000xf32, #tpu.memory_space<hbm>> -> memref<100000xf32, #tpu.memory_space<hbm>>
    %dma_start3A_21 = arith.constant 0 : i32
    %dma_start3A_22 = tpu.memref_slice %dma_start3A_20[%dma_start3A_21] : memref<100000xf32, #tpu.memory_space<hbm>> -> memref<100000xf32, #tpu.memory_space<hbm>>
    tpu.enqueue_indirect_dma source(%dma_start3A_22 : memref<100000xf32, #tpu.memory_space<hbm>>) target(%dma_start3A_18 : memref<512xf32, #tpu.memory_space<vmem>>) offsets(%arg15 : memref<512xi32, #tpu.memory_space<vmem>>) semaphore(%arg22 : memref<!tpu.dma_semaphore, #tpu.memory_space<semaphore_mem>>)
    %dma_start3A_23 = arith.constant 1536 : i32
    %dma_start3A_24 = tpu.memref_slice %arg18[%dma_start3A_23] : memref<16384xf32, #tpu.memory_space<vmem>> -> memref<512xf32, #tpu.memory_space<vmem>>
    %dma_start3A_25 = arith.constant 300000 : i32
    %dma_start3A_26 = tpu.memref_slice %arg5[%dma_start3A_25] : memref<3200000xf32, #tpu.memory_space<hbm>> -> memref<100000xf32, #tpu.memory_space<hbm>>
    %dma_start3A_27 = arith.constant 0 : i32
    %dma_start3A_28 = tpu.memref_slice %dma_start3A_26[%dma_start3A_27] : memref<100000xf32, #tpu.memory_space<hbm>> -> memref<100000xf32, #tpu.memory_space<hbm>>
    tpu.enqueue_indirect_dma source(%dma_start3A_28 : memref<100000xf32, #tpu.memory_space<hbm>>) target(%dma_start3A_24 : memref<512xf32, #tpu.memory_space<vmem>>) offsets(%arg15 : memref<512xi32, #tpu.memory_space<vmem>>) semaphore(%arg22 : memref<!tpu.dma_semaphore, #tpu.memory_space<semaphore_mem>>)
    %dma_start3A_29 = arith.constant 2048 : i32
    %dma_start3A_30 = tpu.memref_slice %arg18[%dma_start3A_29] : memref<16384xf32, #tpu.memory_space<vmem>> -> memref<512xf32, #tpu.memory_space<vmem>>
    %dma_start3A_31 = arith.constant 400000 : i32
    %dma_start3A_32 = tpu.memref_slice %arg5[%dma_start3A_31] : memref<3200000xf32, #tpu.memory_space<hbm>> -> memref<100000xf32, #tpu.memory_space<hbm>>
    %dma_start3A_33 = arith.constant 0 : i32
    %dma_start3A_34 = tpu.memref_slice %dma_start3A_32[%dma_start3A_33] : memref<100000xf32, #tpu.memory_space<hbm>> -> memref<100000xf32, #tpu.memory_space<hbm>>
    tpu.enqueue_indirect_dma source(%dma_start3A_34 : memref<100000xf32, #tpu.memory_space<hbm>>) target(%dma_start3A_30 : memref<512xf32, #tpu.memory_space<vmem>>) offsets(%arg15 : memref<512xi32, #tpu.memory_space<vmem>>) semaphore(%arg22 : memref<!tpu.dma_semaphore, #tpu.memory_space<semaphore_mem>>)
    %dma_start3A_35 = arith.constant 2560 : i32
    %dma_start3A_36 = tpu.memref_slice %arg18[%dma_start3A_35] : memref<16384xf32, #tpu.memory_space<vmem>> -> memref<512xf32, #tpu.memory_space<vmem>>
    %dma_start3A_37 = arith.constant 500000 : i32
    %dma_start3A_38 = tpu.memref_slice %arg5[%dma_start3A_37] : memref<3200000xf32, #tpu.memory_space<hbm>> -> memref<100000xf32, #tpu.memory_space<hbm>>
    %dma_start3A_39 = arith.constant 0 : i32
    %dma_start3A_40 = tpu.memref_slice %dma_start3A_38[%dma_start3A_39] : memref<100000xf32, #tpu.memory_space<hbm>> -> memref<100000xf32, #tpu.memory_space<hbm>>
    tpu.enqueue_indirect_dma source(%dma_start3A_40 : memref<100000xf32, #tpu.memory_space<hbm>>) target(%dma_start3A_36 : memref<512xf32, #tpu.memory_space<vmem>>) offsets(%arg15 : memref<512xi32, #tpu.memory_space<vmem>>) semaphore(%arg22 : memref<!tpu.dma_semaphore, #tpu.memory_space<semaphore_mem>>)
    %dma_start3A_41 = arith.constant 3072 : i32
    %dma_start3A_42 = tpu.memref_slice %arg18[%dma_start3A_41] : memref<16384xf32, #tpu.memory_space<vmem>> -> memref<512xf32, #tpu.memory_space<vmem>>
    %dma_start3A_43 = arith.constant 600000 : i32
    %dma_start3A_44 = tpu.memref_slice %arg5[%dma_start3A_43] : memref<3200000xf32, #tpu.memory_space<hbm>> -> memref<100000xf32, #tpu.memory_space<hbm>>
    %dma_start3A_45 = arith.constant 0 : i32
    %dma_start3A_46 = tpu.memref_slice %dma_start3A_44[%dma_start3A_45] : memref<100000xf32, #tpu.memory_space<hbm>> -> memref<100000xf32, #tpu.memory_space<hbm>>
    tpu.enqueue_indirect_dma source(%dma_start3A_46 : memref<100000xf32, #tpu.memory_space<hbm>>) target(%dma_start3A_42 : memref<512xf32, #tpu.memory_space<vmem>>) offsets(%arg15 : memref<512xi32, #tpu.memory_space<vmem>>) semaphore(%arg22 : memref<!tpu.dma_semaphore, #tpu.memory_space<semaphore_mem>>)
    %dma_start3A_47 = arith.constant 3584 : i32
    %dma_start3A_48 = tpu.memref_slice %arg18[%dma_start3A_47] : memref<16384xf32, #tpu.memory_space<vmem>> -> memref<512xf32, #tpu.memory_space<vmem>>
    %dma_start3A_49 = arith.constant 700000 : i32
    %dma_start3A_50 = tpu.memref_slice %arg5[%dma_start3A_49] : memref<3200000xf32, #tpu.memory_space<hbm>> -> memref<100000xf32, #tpu.memory_space<hbm>>
    %dma_start3A_51 = arith.constant 0 : i32
    %dma_start3A_52 = tpu.memref_slice %dma_start3A_50[%dma_start3A_51] : memref<100000xf32, #tpu.memory_space<hbm>> -> memref<100000xf32, #tpu.memory_space<hbm>>
    tpu.enqueue_indirect_dma source(%dma_start3A_52 : memref<100000xf32, #tpu.memory_space<hbm>>) target(%dma_start3A_48 : memref<512xf32, #tpu.memory_space<vmem>>) offsets(%arg15 : memref<512xi32, #tpu.memory_space<vmem>>) semaphore(%arg22 : memref<!tpu.dma_semaphore, #tpu.memory_space<semaphore_mem>>)
    %dma_start3A_53 = arith.constant 4096 : i32
    %dma_start3A_54 = tpu.memref_slice %arg18[%dma_start3A_53] : memref<16384xf32, #tpu.memory_space<vmem>> -> memref<512xf32, #tpu.memory_space<vmem>>
    %dma_start3A_55 = arith.constant 800000 : i32
    %dma_start3A_56 = tpu.memref_slice %arg5[%dma_start3A_55] : memref<3200000xf32, #tpu.memory_space<hbm>> -> memref<100000xf32, #tpu.memory_space<hbm>>
    %dma_start3A_57 = arith.constant 0 : i32
    %dma_start3A_58 = tpu.memref_slice %dma_start3A_56[%dma_start3A_57] : memref<100000xf32, #tpu.memory_space<hbm>> -> memref<100000xf32, #tpu.memory_space<hbm>>
    tpu.enqueue_indirect_dma source(%dma_start3A_58 : memref<100000xf32, #tpu.memory_space<hbm>>) target(%dma_start3A_54 : memref<512xf32, #tpu.memory_space<vmem>>) offsets(%arg15 : memref<512xi32, #tpu.memory_space<vmem>>) semaphore(%arg22 : memref<!tpu.dma_semaphore, #tpu.memory_space<semaphore_mem>>)
    %dma_start3A_59 = arith.constant 4608 : i32
    %dma_start3A_60 = tpu.memref_slice %arg18[%dma_start3A_59] : memref<16384xf32, #tpu.memory_space<vmem>> -> memref<512xf32, #tpu.memory_space<vmem>>
    %dma_start3A_61 = arith.constant 900000 : i32
    %dma_start3A_62 = tpu.memref_slice %arg5[%dma_start3A_61] : memref<3200000xf32, #tpu.memory_space<hbm>> -> memref<100000xf32, #tpu.memory_space<hbm>>
    %dma_start3A_63 = arith.constant 0 : i32
    %dma_start3A_64 = tpu.memref_slice %dma_start3A_62[%dma_start3A_63] : memref<100000xf32, #tpu.memory_space<hbm>> -> memref<100000xf32, #tpu.memory_space<hbm>>
    tpu.enqueue_indirect_dma source(%dma_start3A_64 : memref<100000xf32, #tpu.memory_space<hbm>>) target(%dma_start3A_60 : memref<512xf32, #tpu.memory_space<vmem>>) offsets(%arg15 : memref<512xi32, #tpu.memory_space<vmem>>) semaphore(%arg22 : memref<!tpu.dma_semaphore, #tpu.memory_space<semaphore_mem>>)
    %dma_start3A_65 = arith.constant 5120 : i32
    %dma_start3A_66 = tpu.memref_slice %arg18[%dma_start3A_65] : memref<16384xf32, #tpu.memory_space<vmem>> -> memref<512xf32, #tpu.memory_space<vmem>>
    %dma_start3A_67 = arith.constant 1000000 : i32
    %dma_start3A_68 = tpu.memref_slice %arg5[%dma_start3A_67] : memref<3200000xf32, #tpu.memory_space<hbm>> -> memref<100000xf32, #tpu.memory_space<hbm>>
    %dma_start3A_69 = arith.constant 0 : i32
    %dma_start3A_70 = tpu.memref_slice %dma_start3A_68[%dma_start3A_69] : memref<100000xf32, #tpu.memory_space<hbm>> -> memref<100000xf32, #tpu.memory_space<hbm>>
    tpu.enqueue_indirect_dma source(%dma_start3A_70 : memref<100000xf32, #tpu.memory_space<hbm>>) target(%dma_start3A_66 : memref<512xf32, #tpu.memory_space<vmem>>) offsets(%arg15 : memref<512xi32, #tpu.memory_space<vmem>>) semaphore(%arg22 : memref<!tpu.dma_semaphore, #tpu.memory_space<semaphore_mem>>)
    %dma_start3A_71 = arith.constant 5632 : i32
    %dma_start3A_72 = tpu.memref_slice %arg18[%dma_start3A_71] : memref<16384xf32, #tpu.memory_space<vmem>> -> memref<512xf32, #tpu.memory_space<vmem>>
    %dma_start3A_73 = arith.constant 1100000 : i32
    %dma_start3A_74 = tpu.memref_slice %arg5[%dma_start3A_73] : memref<3200000xf32, #tpu.memory_space<hbm>> -> memref<100000xf32, #tpu.memory_space<hbm>>
    %dma_start3A_75 = arith.constant 0 : i32
    %dma_start3A_76 = tpu.memref_slice %dma_start3A_74[%dma_start3A_75] : memref<100000xf32, #tpu.memory_space<hbm>> -> memref<100000xf32, #tpu.memory_space<hbm>>
    tpu.enqueue_indirect_dma source(%dma_start3A_76 : memref<100000xf32, #tpu.memory_space<hbm>>) target(%dma_start3A_72 : memref<512xf32, #tpu.memory_space<vmem>>) offsets(%arg15 : memref<512xi32, #tpu.memory_space<vmem>>) semaphore(%arg22 : memref<!tpu.dma_semaphore, #tpu.memory_space<semaphore_mem>>)
    %dma_start3A_77 = arith.constant 6144 : i32
    %dma_start3A_78 = tpu.memref_slice %arg18[%dma_start3A_77] : memref<16384xf32, #tpu.memory_space<vmem>> -> memref<512xf32, #tpu.memory_space<vmem>>
    %dma_start3A_79 = arith.constant 1200000 : i32
    %dma_start3A_80 = tpu.memref_slice %arg5[%dma_start3A_79] : memref<3200000xf32, #tpu.memory_space<hbm>> -> memref<100000xf32, #tpu.memory_space<hbm>>
    %dma_start3A_81 = arith.constant 0 : i32
    %dma_start3A_82 = tpu.memref_slice %dma_start3A_80[%dma_start3A_81] : memref<100000xf32, #tpu.memory_space<hbm>> -> memref<100000xf32, #tpu.memory_space<hbm>>
    tpu.enqueue_indirect_dma source(%dma_start3A_82 : memref<100000xf32, #tpu.memory_space<hbm>>) target(%dma_start3A_78 : memref<512xf32, #tpu.memory_space<vmem>>) offsets(%arg15 : memref<512xi32, #tpu.memory_space<vmem>>) semaphore(%arg22 : memref<!tpu.dma_semaphore, #tpu.memory_space<semaphore_mem>>)
    %dma_start3A_83 = arith.constant 6656 : i32
    %dma_start3A_84 = tpu.memref_slice %arg18[%dma_start3A_83] : memref<16384xf32, #tpu.memory_space<vmem>> -> memref<512xf32, #tpu.memory_space<vmem>>
    %dma_start3A_85 = arith.constant 1300000 : i32
    %dma_start3A_86 = tpu.memref_slice %arg5[%dma_start3A_85] : memref<3200000xf32, #tpu.memory_space<hbm>> -> memref<100000xf32, #tpu.memory_space<hbm>>
    %dma_start3A_87 = arith.constant 0 : i32
    %dma_start3A_88 = tpu.memref_slice %dma_start3A_86[%dma_start3A_87] : memref<100000xf32, #tpu.memory_space<hbm>> -> memref<100000xf32, #tpu.memory_space<hbm>>
    tpu.enqueue_indirect_dma source(%dma_start3A_88 : memref<100000xf32, #tpu.memory_space<hbm>>) target(%dma_start3A_84 : memref<512xf32, #tpu.memory_space<vmem>>) offsets(%arg15 : memref<512xi32, #tpu.memory_space<vmem>>) semaphore(%arg22 : memref<!tpu.dma_semaphore, #tpu.memory_space<semaphore_mem>>)
    %dma_start3A_89 = arith.constant 7168 : i32
    %dma_start3A_90 = tpu.memref_slice %arg18[%dma_start3A_89] : memref<16384xf32, #tpu.memory_space<vmem>> -> memref<512xf32, #tpu.memory_space<vmem>>
    %dma_start3A_91 = arith.constant 1400000 : i32
    %dma_start3A_92 = tpu.memref_slice %arg5[%dma_start3A_91] : memref<3200000xf32, #tpu.memory_space<hbm>> -> memref<100000xf32, #tpu.memory_space<hbm>>
    %dma_start3A_93 = arith.constant 0 : i32
    %dma_start3A_94 = tpu.memref_slice %dma_start3A_92[%dma_start3A_93] : memref<100000xf32, #tpu.memory_space<hbm>> -> memref<100000xf32, #tpu.memory_space<hbm>>
    tpu.enqueue_indirect_dma source(%dma_start3A_94 : memref<100000xf32, #tpu.memory_space<hbm>>) target(%dma_start3A_90 : memref<512xf32, #tpu.memory_space<vmem>>) offsets(%arg15 : memref<512xi32, #tpu.memory_space<vmem>>) semaphore(%arg22 : memref<!tpu.dma_semaphore, #tpu.memory_space<semaphore_mem>>)
    %dma_start3A_95 = arith.constant 7680 : i32
    %dma_start3A_96 = tpu.memref_slice %arg18[%dma_start3A_95] : memref<16384xf32, #tpu.memory_space<vmem>> -> memref<512xf32, #tpu.memory_space<vmem>>
    %dma_start3A_97 = arith.constant 1500000 : i32
    %dma_start3A_98 = tpu.memref_slice %arg5[%dma_start3A_97] : memref<3200000xf32, #tpu.memory_space<hbm>> -> memref<100000xf32, #tpu.memory_space<hbm>>
    %dma_start3A_99 = arith.constant 0 : i32
    %dma_start3A_100 = tpu.memref_slice %dma_start3A_98[%dma_start3A_99] : memref<100000xf32, #tpu.memory_space<hbm>> -> memref<100000xf32, #tpu.memory_space<hbm>>
    tpu.enqueue_indirect_dma source(%dma_start3A_100 : memref<100000xf32, #tpu.memory_space<hbm>>) target(%dma_start3A_96 : memref<512xf32, #tpu.memory_space<vmem>>) offsets(%arg15 : memref<512xi32, #tpu.memory_space<vmem>>) semaphore(%arg22 : memref<!tpu.dma_semaphore, #tpu.memory_space<semaphore_mem>>)
    %dma_start3A_101 = arith.constant 8192 : i32
    %dma_start3A_102 = tpu.memref_slice %arg18[%dma_start3A_101] : memref<16384xf32, #tpu.memory_space<vmem>> -> memref<512xf32, #tpu.memory_space<vmem>>
    %dma_start3A_103 = arith.constant 1600000 : i32
    %dma_start3A_104 = tpu.memref_slice %arg5[%dma_start3A_103] : memref<3200000xf32, #tpu.memory_space<hbm>> -> memref<100000xf32, #tpu.memory_space<hbm>>
    %dma_start3A_105 = arith.constant 0 : i32
    %dma_start3A_106 = tpu.memref_slice %dma_start3A_104[%dma_start3A_105] : memref<100000xf32, #tpu.memory_space<hbm>> -> memref<100000xf32, #tpu.memory_space<hbm>>
    tpu.enqueue_indirect_dma source(%dma_start3A_106 : memref<100000xf32, #tpu.memory_space<hbm>>) target(%dma_start3A_102 : memref<512xf32, #tpu.memory_space<vmem>>) offsets(%arg15 : memref<512xi32, #tpu.memory_space<vmem>>) semaphore(%arg22 : memref<!tpu.dma_semaphore, #tpu.memory_space<semaphore_mem>>)
    %dma_start3A_107 = arith.constant 8704 : i32
    %dma_start3A_108 = tpu.memref_slice %arg18[%dma_start3A_107] : memref<16384xf32, #tpu.memory_space<vmem>> -> memref<512xf32, #tpu.memory_space<vmem>>
    %dma_start3A_109 = arith.constant 1700000 : i32
    %dma_start3A_110 = tpu.memref_slice %arg5[%dma_start3A_109] : memref<3200000xf32, #tpu.memory_space<hbm>> -> memref<100000xf32, #tpu.memory_space<hbm>>
    %dma_start3A_111 = arith.constant 0 : i32
    %dma_start3A_112 = tpu.memref_slice %dma_start3A_110[%dma_start3A_111] : memref<100000xf32, #tpu.memory_space<hbm>> -> memref<100000xf32, #tpu.memory_space<hbm>>
    tpu.enqueue_indirect_dma source(%dma_start3A_112 : memref<100000xf32, #tpu.memory_space<hbm>>) target(%dma_start3A_108 : memref<512xf32, #tpu.memory_space<vmem>>) offsets(%arg15 : memref<512xi32, #tpu.memory_space<vmem>>) semaphore(%arg22 : memref<!tpu.dma_semaphore, #tpu.memory_space<semaphore_mem>>)
    %dma_start3A_113 = arith.constant 9216 : i32
    %dma_start3A_114 = tpu.memref_slice %arg18[%dma_start3A_113] : memref<16384xf32, #tpu.memory_space<vmem>> -> memref<512xf32, #tpu.memory_space<vmem>>
    %dma_start3A_115 = arith.constant 1800000 : i32
    %dma_start3A_116 = tpu.memref_slice %arg5[%dma_start3A_115] : memref<3200000xf32, #tpu.memory_space<hbm>> -> memref<100000xf32, #tpu.memory_space<hbm>>
    %dma_start3A_117 = arith.constant 0 : i32
    %dma_start3A_118 = tpu.memref_slice %dma_start3A_116[%dma_start3A_117] : memref<100000xf32, #tpu.memory_space<hbm>> -> memref<100000xf32, #tpu.memory_space<hbm>>
    tpu.enqueue_indirect_dma source(%dma_start3A_118 : memref<100000xf32, #tpu.memory_space<hbm>>) target(%dma_start3A_114 : memref<512xf32, #tpu.memory_space<vmem>>) offsets(%arg15 : memref<512xi32, #tpu.memory_space<vmem>>) semaphore(%arg22 : memref<!tpu.dma_semaphore, #tpu.memory_space<semaphore_mem>>)
    %dma_start3A_119 = arith.constant 9728 : i32
    %dma_start3A_120 = tpu.memref_slice %arg18[%dma_start3A_119] : memref<16384xf32, #tpu.memory_space<vmem>> -> memref<512xf32, #tpu.memory_space<vmem>>
    %dma_start3A_121 = arith.constant 1900000 : i32
    %dma_start3A_122 = tpu.memref_slice %arg5[%dma_start3A_121] : memref<3200000xf32, #tpu.memory_space<hbm>> -> memref<100000xf32, #tpu.memory_space<hbm>>
    %dma_start3A_123 = arith.constant 0 : i32
    %dma_start3A_124 = tpu.memref_slice %dma_start3A_122[%dma_start3A_123] : memref<100000xf32, #tpu.memory_space<hbm>> -> memref<100000xf32, #tpu.memory_space<hbm>>
    tpu.enqueue_indirect_dma source(%dma_start3A_124 : memref<100000xf32, #tpu.memory_space<hbm>>) target(%dma_start3A_120 : memref<512xf32, #tpu.memory_space<vmem>>) offsets(%arg15 : memref<512xi32, #tpu.memory_space<vmem>>) semaphore(%arg22 : memref<!tpu.dma_semaphore, #tpu.memory_space<semaphore_mem>>)
    %dma_start3A_125 = arith.constant 10240 : i32
    %dma_start3A_126 = tpu.memref_slice %arg18[%dma_start3A_125] : memref<16384xf32, #tpu.memory_space<vmem>> -> memref<512xf32, #tpu.memory_space<vmem>>
    %dma_start3A_127 = arith.constant 2000000 : i32
    %dma_start3A_128 = tpu.memref_slice %arg5[%dma_start3A_127] : memref<3200000xf32, #tpu.memory_space<hbm>> -> memref<100000xf32, #tpu.memory_space<hbm>>
    %dma_start3A_129 = arith.constant 0 : i32
    %dma_start3A_130 = tpu.memref_slice %dma_start3A_128[%dma_start3A_129] : memref<100000xf32, #tpu.memory_space<hbm>> -> memref<100000xf32, #tpu.memory_space<hbm>>
    tpu.enqueue_indirect_dma source(%dma_start3A_130 : memref<100000xf32, #tpu.memory_space<hbm>>) target(%dma_start3A_126 : memref<512xf32, #tpu.memory_space<vmem>>) offsets(%arg15 : memref<512xi32, #tpu.memory_space<vmem>>) semaphore(%arg22 : memref<!tpu.dma_semaphore, #tpu.memory_space<semaphore_mem>>)
    %dma_start3A_131 = arith.constant 10752 : i32
    %dma_start3A_132 = tpu.memref_slice %arg18[%dma_start3A_131] : memref<16384xf32, #tpu.memory_space<vmem>> -> memref<512xf32, #tpu.memory_space<vmem>>
    %dma_start3A_133 = arith.constant 2100000 : i32
    %dma_start3A_134 = tpu.memref_slice %arg5[%dma_start3A_133] : memref<3200000xf32, #tpu.memory_space<hbm>> -> memref<100000xf32, #tpu.memory_space<hbm>>
    %dma_start3A_135 = arith.constant 0 : i32
    %dma_start3A_136 = tpu.memref_slice %dma_start3A_134[%dma_start3A_135] : memref<100000xf32, #tpu.memory_space<hbm>> -> memref<100000xf32, #tpu.memory_space<hbm>>
    tpu.enqueue_indirect_dma source(%dma_start3A_136 : memref<100000xf32, #tpu.memory_space<hbm>>) target(%dma_start3A_132 : memref<512xf32, #tpu.memory_space<vmem>>) offsets(%arg15 : memref<512xi32, #tpu.memory_space<vmem>>) semaphore(%arg22 : memref<!tpu.dma_semaphore, #tpu.memory_space<semaphore_mem>>)
    %dma_start3A_137 = arith.constant 11264 : i32
    %dma_start3A_138 = tpu.memref_slice %arg18[%dma_start3A_137] : memref<16384xf32, #tpu.memory_space<vmem>> -> memref<512xf32, #tpu.memory_space<vmem>>
    %dma_start3A_139 = arith.constant 2200000 : i32
    %dma_start3A_140 = tpu.memref_slice %arg5[%dma_start3A_139] : memref<3200000xf32, #tpu.memory_space<hbm>> -> memref<100000xf32, #tpu.memory_space<hbm>>
    %dma_start3A_141 = arith.constant 0 : i32
    %dma_start3A_142 = tpu.memref_slice %dma_start3A_140[%dma_start3A_141] : memref<100000xf32, #tpu.memory_space<hbm>> -> memref<100000xf32, #tpu.memory_space<hbm>>
    tpu.enqueue_indirect_dma source(%dma_start3A_142 : memref<100000xf32, #tpu.memory_space<hbm>>) target(%dma_start3A_138 : memref<512xf32, #tpu.memory_space<vmem>>) offsets(%arg15 : memref<512xi32, #tpu.memory_space<vmem>>) semaphore(%arg22 : memref<!tpu.dma_semaphore, #tpu.memory_space<semaphore_mem>>)
    %dma_start3A_143 = arith.constant 11776 : i32
    %dma_start3A_144 = tpu.memref_slice %arg18[%dma_start3A_143] : memref<16384xf32, #tpu.memory_space<vmem>> -> memref<512xf32, #tpu.memory_space<vmem>>
    %dma_start3A_145 = arith.constant 2300000 : i32
    %dma_start3A_146 = tpu.memref_slice %arg5[%dma_start3A_145] : memref<3200000xf32, #tpu.memory_space<hbm>> -> memref<100000xf32, #tpu.memory_space<hbm>>
    %dma_start3A_147 = arith.constant 0 : i32
    %dma_start3A_148 = tpu.memref_slice %dma_start3A_146[%dma_start3A_147] : memref<100000xf32, #tpu.memory_space<hbm>> -> memref<100000xf32, #tpu.memory_space<hbm>>
    tpu.enqueue_indirect_dma source(%dma_start3A_148 : memref<100000xf32, #tpu.memory_space<hbm>>) target(%dma_start3A_144 : memref<512xf32, #tpu.memory_space<vmem>>) offsets(%arg15 : memref<512xi32, #tpu.memory_space<vmem>>) semaphore(%arg22 : memref<!tpu.dma_semaphore, #tpu.memory_space<semaphore_mem>>)
    %dma_start3A_149 = arith.constant 12288 : i32
    %dma_start3A_150 = tpu.memref_slice %arg18[%dma_start3A_149] : memref<16384xf32, #tpu.memory_space<vmem>> -> memref<512xf32, #tpu.memory_space<vmem>>
    %dma_start3A_151 = arith.constant 2400000 : i32
    %dma_start3A_152 = tpu.memref_slice %arg5[%dma_start3A_151] : memref<3200000xf32, #tpu.memory_space<hbm>> -> memref<100000xf32, #tpu.memory_space<hbm>>
    %dma_start3A_153 = arith.constant 0 : i32
    %dma_start3A_154 = tpu.memref_slice %dma_start3A_152[%dma_start3A_153] : memref<100000xf32, #tpu.memory_space<hbm>> -> memref<100000xf32, #tpu.memory_space<hbm>>
    tpu.enqueue_indirect_dma source(%dma_start3A_154 : memref<100000xf32, #tpu.memory_space<hbm>>) target(%dma_start3A_150 : memref<512xf32, #tpu.memory_space<vmem>>) offsets(%arg15 : memref<512xi32, #tpu.memory_space<vmem>>) semaphore(%arg22 : memref<!tpu.dma_semaphore, #tpu.memory_space<semaphore_mem>>)
    %dma_start3A_155 = arith.constant 12800 : i32
    %dma_start3A_156 = tpu.memref_slice %arg18[%dma_start3A_155] : memref<16384xf32, #tpu.memory_space<vmem>> -> memref<512xf32, #tpu.memory_space<vmem>>
    %dma_start3A_157 = arith.constant 2500000 : i32
    %dma_start3A_158 = tpu.memref_slice %arg5[%dma_start3A_157] : memref<3200000xf32, #tpu.memory_space<hbm>> -> memref<100000xf32, #tpu.memory_space<hbm>>
    %dma_start3A_159 = arith.constant 0 : i32
    %dma_start3A_160 = tpu.memref_slice %dma_start3A_158[%dma_start3A_159] : memref<100000xf32, #tpu.memory_space<hbm>> -> memref<100000xf32, #tpu.memory_space<hbm>>
    tpu.enqueue_indirect_dma source(%dma_start3A_160 : memref<100000xf32, #tpu.memory_space<hbm>>) target(%dma_start3A_156 : memref<512xf32, #tpu.memory_space<vmem>>) offsets(%arg15 : memref<512xi32, #tpu.memory_space<vmem>>) semaphore(%arg22 : memref<!tpu.dma_semaphore, #tpu.memory_space<semaphore_mem>>)
    %dma_start3A_161 = arith.constant 13312 : i32
    %dma_start3A_162 = tpu.memref_slice %arg18[%dma_start3A_161] : memref<16384xf32, #tpu.memory_space<vmem>> -> memref<512xf32, #tpu.memory_space<vmem>>
    %dma_start3A_163 = arith.constant 2600000 : i32
    %dma_start3A_164 = tpu.memref_slice %arg5[%dma_start3A_163] : memref<3200000xf32, #tpu.memory_space<hbm>> -> memref<100000xf32, #tpu.memory_space<hbm>>
    %dma_start3A_165 = arith.constant 0 : i32
    %dma_start3A_166 = tpu.memref_slice %dma_start3A_164[%dma_start3A_165] : memref<100000xf32, #tpu.memory_space<hbm>> -> memref<100000xf32, #tpu.memory_space<hbm>>
    tpu.enqueue_indirect_dma source(%dma_start3A_166 : memref<100000xf32, #tpu.memory_space<hbm>>) target(%dma_start3A_162 : memref<512xf32, #tpu.memory_space<vmem>>) offsets(%arg15 : memref<512xi32, #tpu.memory_space<vmem>>) semaphore(%arg22 : memref<!tpu.dma_semaphore, #tpu.memory_space<semaphore_mem>>)
    %dma_start3A_167 = arith.constant 13824 : i32
    %dma_start3A_168 = tpu.memref_slice %arg18[%dma_start3A_167] : memref<16384xf32, #tpu.memory_space<vmem>> -> memref<512xf32, #tpu.memory_space<vmem>>
    %dma_start3A_169 = arith.constant 2700000 : i32
    %dma_start3A_170 = tpu.memref_slice %arg5[%dma_start3A_169] : memref<3200000xf32, #tpu.memory_space<hbm>> -> memref<100000xf32, #tpu.memory_space<hbm>>
    %dma_start3A_171 = arith.constant 0 : i32
    %dma_start3A_172 = tpu.memref_slice %dma_start3A_170[%dma_start3A_171] : memref<100000xf32, #tpu.memory_space<hbm>> -> memref<100000xf32, #tpu.memory_space<hbm>>
    tpu.enqueue_indirect_dma source(%dma_start3A_172 : memref<100000xf32, #tpu.memory_space<hbm>>) target(%dma_start3A_168 : memref<512xf32, #tpu.memory_space<vmem>>) offsets(%arg15 : memref<512xi32, #tpu.memory_space<vmem>>) semaphore(%arg22 : memref<!tpu.dma_semaphore, #tpu.memory_space<semaphore_mem>>)
    %dma_start3A_173 = arith.constant 14336 : i32
    %dma_start3A_174 = tpu.memref_slice %arg18[%dma_start3A_173] : memref<16384xf32, #tpu.memory_space<vmem>> -> memref<512xf32, #tpu.memory_space<vmem>>
    %dma_start3A_175 = arith.constant 2800000 : i32
    %dma_start3A_176 = tpu.memref_slice %arg5[%dma_start3A_175] : memref<3200000xf32, #tpu.memory_space<hbm>> -> memref<100000xf32, #tpu.memory_space<hbm>>
    %dma_start3A_177 = arith.constant 0 : i32
    %dma_start3A_178 = tpu.memref_slice %dma_start3A_176[%dma_start3A_177] : memref<100000xf32, #tpu.memory_space<hbm>> -> memref<100000xf32, #tpu.memory_space<hbm>>
    tpu.enqueue_indirect_dma source(%dma_start3A_178 : memref<100000xf32, #tpu.memory_space<hbm>>) target(%dma_start3A_174 : memref<512xf32, #tpu.memory_space<vmem>>) offsets(%arg15 : memref<512xi32, #tpu.memory_space<vmem>>) semaphore(%arg22 : memref<!tpu.dma_semaphore, #tpu.memory_space<semaphore_mem>>)
    %dma_start3A_179 = arith.constant 14848 : i32
    %dma_start3A_180 = tpu.memref_slice %arg18[%dma_start3A_179] : memref<16384xf32, #tpu.memory_space<vmem>> -> memref<512xf32, #tpu.memory_space<vmem>>
    %dma_start3A_181 = arith.constant 2900000 : i32
    %dma_start3A_182 = tpu.memref_slice %arg5[%dma_start3A_181] : memref<3200000xf32, #tpu.memory_space<hbm>> -> memref<100000xf32, #tpu.memory_space<hbm>>
    %dma_start3A_183 = arith.constant 0 : i32
    %dma_start3A_184 = tpu.memref_slice %dma_start3A_182[%dma_start3A_183] : memref<100000xf32, #tpu.memory_space<hbm>> -> memref<100000xf32, #tpu.memory_space<hbm>>
    tpu.enqueue_indirect_dma source(%dma_start3A_184 : memref<100000xf32, #tpu.memory_space<hbm>>) target(%dma_start3A_180 : memref<512xf32, #tpu.memory_space<vmem>>) offsets(%arg15 : memref<512xi32, #tpu.memory_space<vmem>>) semaphore(%arg22 : memref<!tpu.dma_semaphore, #tpu.memory_space<semaphore_mem>>)
    %dma_start3A_185 = arith.constant 15360 : i32
    %dma_start3A_186 = tpu.memref_slice %arg18[%dma_start3A_185] : memref<16384xf32, #tpu.memory_space<vmem>> -> memref<512xf32, #tpu.memory_space<vmem>>
    %dma_start3A_187 = arith.constant 3000000 : i32
    %dma_start3A_188 = tpu.memref_slice %arg5[%dma_start3A_187] : memref<3200000xf32, #tpu.memory_space<hbm>> -> memref<100000xf32, #tpu.memory_space<hbm>>
    %dma_start3A_189 = arith.constant 0 : i32
    %dma_start3A_190 = tpu.memref_slice %dma_start3A_188[%dma_start3A_189] : memref<100000xf32, #tpu.memory_space<hbm>> -> memref<100000xf32, #tpu.memory_space<hbm>>
    tpu.enqueue_indirect_dma source(%dma_start3A_190 : memref<100000xf32, #tpu.memory_space<hbm>>) target(%dma_start3A_186 : memref<512xf32, #tpu.memory_space<vmem>>) offsets(%arg15 : memref<512xi32, #tpu.memory_space<vmem>>) semaphore(%arg22 : memref<!tpu.dma_semaphore, #tpu.memory_space<semaphore_mem>>)
    %dma_start3A_191 = arith.constant 15872 : i32
    %dma_start3A_192 = tpu.memref_slice %arg18[%dma_start3A_191] : memref<16384xf32, #tpu.memory_space<vmem>> -> memref<512xf32, #tpu.memory_space<vmem>>
    %dma_start3A_193 = arith.constant 3100000 : i32
    %dma_start3A_194 = tpu.memref_slice %arg5[%dma_start3A_193] : memref<3200000xf32, #tpu.memory_space<hbm>> -> memref<100000xf32, #tpu.memory_space<hbm>>
    %dma_start3A_195 = arith.constant 0 : i32
    %dma_start3A_196 = tpu.memref_slice %dma_start3A_194[%dma_start3A_195] : memref<100000xf32, #tpu.memory_space<hbm>> -> memref<100000xf32, #tpu.memory_space<hbm>>
    tpu.enqueue_indirect_dma source(%dma_start3A_196 : memref<100000xf32, #tpu.memory_space<hbm>>) target(%dma_start3A_192 : memref<512xf32, #tpu.memory_space<vmem>>) offsets(%arg15 : memref<512xi32, #tpu.memory_space<vmem>>) semaphore(%arg22 : memref<!tpu.dma_semaphore, #tpu.memory_space<semaphore_mem>>)
    %dma_start3A_197 = arith.constant 0 : i32
    %dma_start3A_198 = tpu.memref_slice %arg19[%dma_start3A_197] : memref<8192xf32, #tpu.memory_space<vmem>> -> memref<512xf32, #tpu.memory_space<vmem>>
    %dma_start3A_199 = arith.constant 0 : i32
    %dma_start3A_200 = tpu.memref_slice %arg6[%dma_start3A_199] : memref<1600000xf32, #tpu.memory_space<hbm>> -> memref<100000xf32, #tpu.memory_space<hbm>>
    %dma_start3A_201 = arith.constant 0 : i32
    %dma_start3A_202 = tpu.memref_slice %dma_start3A_200[%dma_start3A_201] : memref<100000xf32, #tpu.memory_space<hbm>> -> memref<100000xf32, #tpu.memory_space<hbm>>
    tpu.enqueue_indirect_dma source(%dma_start3A_202 : memref<100000xf32, #tpu.memory_space<hbm>>) target(%dma_start3A_198 : memref<512xf32, #tpu.memory_space<vmem>>) offsets(%arg15 : memref<512xi32, #tpu.memory_space<vmem>>) semaphore(%arg22 : memref<!tpu.dma_semaphore, #tpu.memory_space<semaphore_mem>>)
    %dma_start3A_203 = arith.constant 512 : i32
    %dma_start3A_204 = tpu.memref_slice %arg19[%dma_start3A_203] : memref<8192xf32, #tpu.memory_space<vmem>> -> memref<512xf32, #tpu.memory_space<vmem>>
    %dma_start3A_205 = arith.constant 100000 : i32
    %dma_start3A_206 = tpu.memref_slice %arg6[%dma_start3A_205] : memref<1600000xf32, #tpu.memory_space<hbm>> -> memref<100000xf32, #tpu.memory_space<hbm>>
    %dma_start3A_207 = arith.constant 0 : i32
    %dma_start3A_208 = tpu.memref_slice %dma_start3A_206[%dma_start3A_207] : memref<100000xf32, #tpu.memory_space<hbm>> -> memref<100000xf32, #tpu.memory_space<hbm>>
    tpu.enqueue_indirect_dma source(%dma_start3A_208 : memref<100000xf32, #tpu.memory_space<hbm>>) target(%dma_start3A_204 : memref<512xf32, #tpu.memory_space<vmem>>) offsets(%arg15 : memref<512xi32, #tpu.memory_space<vmem>>) semaphore(%arg22 : memref<!tpu.dma_semaphore, #tpu.memory_space<semaphore_mem>>)
    %dma_start3A_209 = arith.constant 1024 : i32
    %dma_start3A_210 = tpu.memref_slice %arg19[%dma_start3A_209] : memref<8192xf32, #tpu.memory_space<vmem>> -> memref<512xf32, #tpu.memory_space<vmem>>
    %dma_start3A_211 = arith.constant 200000 : i32
    %dma_start3A_212 = tpu.memref_slice %arg6[%dma_start3A_211] : memref<1600000xf32, #tpu.memory_space<hbm>> -> memref<100000xf32, #tpu.memory_space<hbm>>
    %dma_start3A_213 = arith.constant 0 : i32
    %dma_start3A_214 = tpu.memref_slice %dma_start3A_212[%dma_start3A_213] : memref<100000xf32, #tpu.memory_space<hbm>> -> memref<100000xf32, #tpu.memory_space<hbm>>
    tpu.enqueue_indirect_dma source(%dma_start3A_214 : memref<100000xf32, #tpu.memory_space<hbm>>) target(%dma_start3A_210 : memref<512xf32, #tpu.memory_space<vmem>>) offsets(%arg15 : memref<512xi32, #tpu.memory_space<vmem>>) semaphore(%arg22 : memref<!tpu.dma_semaphore, #tpu.memory_space<semaphore_mem>>)
    %dma_start3A_215 = arith.constant 1536 : i32
    %dma_start3A_216 = tpu.memref_slice %arg19[%dma_start3A_215] : memref<8192xf32, #tpu.memory_space<vmem>> -> memref<512xf32, #tpu.memory_space<vmem>>
    %dma_start3A_217 = arith.constant 300000 : i32
    %dma_start3A_218 = tpu.memref_slice %arg6[%dma_start3A_217] : memref<1600000xf32, #tpu.memory_space<hbm>> -> memref<100000xf32, #tpu.memory_space<hbm>>
    %dma_start3A_219 = arith.constant 0 : i32
    %dma_start3A_220 = tpu.memref_slice %dma_start3A_218[%dma_start3A_219] : memref<100000xf32, #tpu.memory_space<hbm>> -> memref<100000xf32, #tpu.memory_space<hbm>>
    tpu.enqueue_indirect_dma source(%dma_start3A_220 : memref<100000xf32, #tpu.memory_space<hbm>>) target(%dma_start3A_216 : memref<512xf32, #tpu.memory_space<vmem>>) offsets(%arg15 : memref<512xi32, #tpu.memory_space<vmem>>) semaphore(%arg22 : memref<!tpu.dma_semaphore, #tpu.memory_space<semaphore_mem>>)
    %dma_start3A_221 = arith.constant 2048 : i32
    %dma_start3A_222 = tpu.memref_slice %arg19[%dma_start3A_221] : memref<8192xf32, #tpu.memory_space<vmem>> -> memref<512xf32, #tpu.memory_space<vmem>>
    %dma_start3A_223 = arith.constant 400000 : i32
    %dma_start3A_224 = tpu.memref_slice %arg6[%dma_start3A_223] : memref<1600000xf32, #tpu.memory_space<hbm>> -> memref<100000xf32, #tpu.memory_space<hbm>>
    %dma_start3A_225 = arith.constant 0 : i32
    %dma_start3A_226 = tpu.memref_slice %dma_start3A_224[%dma_start3A_225] : memref<100000xf32, #tpu.memory_space<hbm>> -> memref<100000xf32, #tpu.memory_space<hbm>>
    tpu.enqueue_indirect_dma source(%dma_start3A_226 : memref<100000xf32, #tpu.memory_space<hbm>>) target(%dma_start3A_222 : memref<512xf32, #tpu.memory_space<vmem>>) offsets(%arg15 : memref<512xi32, #tpu.memory_space<vmem>>) semaphore(%arg22 : memref<!tpu.dma_semaphore, #tpu.memory_space<semaphore_mem>>)
    %dma_start3A_227 = arith.constant 2560 : i32
    %dma_start3A_228 = tpu.memref_slice %arg19[%dma_start3A_227] : memref<8192xf32, #tpu.memory_space<vmem>> -> memref<512xf32, #tpu.memory_space<vmem>>
    %dma_start3A_229 = arith.constant 500000 : i32
    %dma_start3A_230 = tpu.memref_slice %arg6[%dma_start3A_229] : memref<1600000xf32, #tpu.memory_space<hbm>> -> memref<100000xf32, #tpu.memory_space<hbm>>
    %dma_start3A_231 = arith.constant 0 : i32
    %dma_start3A_232 = tpu.memref_slice %dma_start3A_230[%dma_start3A_231] : memref<100000xf32, #tpu.memory_space<hbm>> -> memref<100000xf32, #tpu.memory_space<hbm>>
    tpu.enqueue_indirect_dma source(%dma_start3A_232 : memref<100000xf32, #tpu.memory_space<hbm>>) target(%dma_start3A_228 : memref<512xf32, #tpu.memory_space<vmem>>) offsets(%arg15 : memref<512xi32, #tpu.memory_space<vmem>>) semaphore(%arg22 : memref<!tpu.dma_semaphore, #tpu.memory_space<semaphore_mem>>)
    %dma_start3A_233 = arith.constant 3072 : i32
    %dma_start3A_234 = tpu.memref_slice %arg19[%dma_start3A_233] : memref<8192xf32, #tpu.memory_space<vmem>> -> memref<512xf32, #tpu.memory_space<vmem>>
    %dma_start3A_235 = arith.constant 600000 : i32
    %dma_start3A_236 = tpu.memref_slice %arg6[%dma_start3A_235] : memref<1600000xf32, #tpu.memory_space<hbm>> -> memref<100000xf32, #tpu.memory_space<hbm>>
    %dma_start3A_237 = arith.constant 0 : i32
    %dma_start3A_238 = tpu.memref_slice %dma_start3A_236[%dma_start3A_237] : memref<100000xf32, #tpu.memory_space<hbm>> -> memref<100000xf32, #tpu.memory_space<hbm>>
    tpu.enqueue_indirect_dma source(%dma_start3A_238 : memref<100000xf32, #tpu.memory_space<hbm>>) target(%dma_start3A_234 : memref<512xf32, #tpu.memory_space<vmem>>) offsets(%arg15 : memref<512xi32, #tpu.memory_space<vmem>>) semaphore(%arg22 : memref<!tpu.dma_semaphore, #tpu.memory_space<semaphore_mem>>)
    %dma_start3A_239 = arith.constant 3584 : i32
    %dma_start3A_240 = tpu.memref_slice %arg19[%dma_start3A_239] : memref<8192xf32, #tpu.memory_space<vmem>> -> memref<512xf32, #tpu.memory_space<vmem>>
    %dma_start3A_241 = arith.constant 700000 : i32
    %dma_start3A_242 = tpu.memref_slice %arg6[%dma_start3A_241] : memref<1600000xf32, #tpu.memory_space<hbm>> -> memref<100000xf32, #tpu.memory_space<hbm>>
    %dma_start3A_243 = arith.constant 0 : i32
    %dma_start3A_244 = tpu.memref_slice %dma_start3A_242[%dma_start3A_243] : memref<100000xf32, #tpu.memory_space<hbm>> -> memref<100000xf32, #tpu.memory_space<hbm>>
    tpu.enqueue_indirect_dma source(%dma_start3A_244 : memref<100000xf32, #tpu.memory_space<hbm>>) target(%dma_start3A_240 : memref<512xf32, #tpu.memory_space<vmem>>) offsets(%arg15 : memref<512xi32, #tpu.memory_space<vmem>>) semaphore(%arg22 : memref<!tpu.dma_semaphore, #tpu.memory_space<semaphore_mem>>)
    %dma_start3A_245 = arith.constant 4096 : i32
    %dma_start3A_246 = tpu.memref_slice %arg19[%dma_start3A_245] : memref<8192xf32, #tpu.memory_space<vmem>> -> memref<512xf32, #tpu.memory_space<vmem>>
    %dma_start3A_247 = arith.constant 800000 : i32
    %dma_start3A_248 = tpu.memref_slice %arg6[%dma_start3A_247] : memref<1600000xf32, #tpu.memory_space<hbm>> -> memref<100000xf32, #tpu.memory_space<hbm>>
    %dma_start3A_249 = arith.constant 0 : i32
    %dma_start3A_250 = tpu.memref_slice %dma_start3A_248[%dma_start3A_249] : memref<100000xf32, #tpu.memory_space<hbm>> -> memref<100000xf32, #tpu.memory_space<hbm>>
    tpu.enqueue_indirect_dma source(%dma_start3A_250 : memref<100000xf32, #tpu.memory_space<hbm>>) target(%dma_start3A_246 : memref<512xf32, #tpu.memory_space<vmem>>) offsets(%arg15 : memref<512xi32, #tpu.memory_space<vmem>>) semaphore(%arg22 : memref<!tpu.dma_semaphore, #tpu.memory_space<semaphore_mem>>)
    %dma_start3A_251 = arith.constant 4608 : i32
    %dma_start3A_252 = tpu.memref_slice %arg19[%dma_start3A_251] : memref<8192xf32, #tpu.memory_space<vmem>> -> memref<512xf32, #tpu.memory_space<vmem>>
    %dma_start3A_253 = arith.constant 900000 : i32
    %dma_start3A_254 = tpu.memref_slice %arg6[%dma_start3A_253] : memref<1600000xf32, #tpu.memory_space<hbm>> -> memref<100000xf32, #tpu.memory_space<hbm>>
    %dma_start3A_255 = arith.constant 0 : i32
    %dma_start3A_256 = tpu.memref_slice %dma_start3A_254[%dma_start3A_255] : memref<100000xf32, #tpu.memory_space<hbm>> -> memref<100000xf32, #tpu.memory_space<hbm>>
    tpu.enqueue_indirect_dma source(%dma_start3A_256 : memref<100000xf32, #tpu.memory_space<hbm>>) target(%dma_start3A_252 : memref<512xf32, #tpu.memory_space<vmem>>) offsets(%arg15 : memref<512xi32, #tpu.memory_space<vmem>>) semaphore(%arg22 : memref<!tpu.dma_semaphore, #tpu.memory_space<semaphore_mem>>)
    %dma_start3A_257 = arith.constant 5120 : i32
    %dma_start3A_258 = tpu.memref_slice %arg19[%dma_start3A_257] : memref<8192xf32, #tpu.memory_space<vmem>> -> memref<512xf32, #tpu.memory_space<vmem>>
    %dma_start3A_259 = arith.constant 1000000 : i32
    %dma_start3A_260 = tpu.memref_slice %arg6[%dma_start3A_259] : memref<1600000xf32, #tpu.memory_space<hbm>> -> memref<100000xf32, #tpu.memory_space<hbm>>
    %dma_start3A_261 = arith.constant 0 : i32
    %dma_start3A_262 = tpu.memref_slice %dma_start3A_260[%dma_start3A_261] : memref<100000xf32, #tpu.memory_space<hbm>> -> memref<100000xf32, #tpu.memory_space<hbm>>
    tpu.enqueue_indirect_dma source(%dma_start3A_262 : memref<100000xf32, #tpu.memory_space<hbm>>) target(%dma_start3A_258 : memref<512xf32, #tpu.memory_space<vmem>>) offsets(%arg15 : memref<512xi32, #tpu.memory_space<vmem>>) semaphore(%arg22 : memref<!tpu.dma_semaphore, #tpu.memory_space<semaphore_mem>>)
    %dma_start3A_263 = arith.constant 5632 : i32
    %dma_start3A_264 = tpu.memref_slice %arg19[%dma_start3A_263] : memref<8192xf32, #tpu.memory_space<vmem>> -> memref<512xf32, #tpu.memory_space<vmem>>
    %dma_start3A_265 = arith.constant 1100000 : i32
    %dma_start3A_266 = tpu.memref_slice %arg6[%dma_start3A_265] : memref<1600000xf32, #tpu.memory_space<hbm>> -> memref<100000xf32, #tpu.memory_space<hbm>>
    %dma_start3A_267 = arith.constant 0 : i32
    %dma_start3A_268 = tpu.memref_slice %dma_start3A_266[%dma_start3A_267] : memref<100000xf32, #tpu.memory_space<hbm>> -> memref<100000xf32, #tpu.memory_space<hbm>>
    tpu.enqueue_indirect_dma source(%dma_start3A_268 : memref<100000xf32, #tpu.memory_space<hbm>>) target(%dma_start3A_264 : memref<512xf32, #tpu.memory_space<vmem>>) offsets(%arg15 : memref<512xi32, #tpu.memory_space<vmem>>) semaphore(%arg22 : memref<!tpu.dma_semaphore, #tpu.memory_space<semaphore_mem>>)
    %dma_start3A_269 = arith.constant 6144 : i32
    %dma_start3A_270 = tpu.memref_slice %arg19[%dma_start3A_269] : memref<8192xf32, #tpu.memory_space<vmem>> -> memref<512xf32, #tpu.memory_space<vmem>>
    %dma_start3A_271 = arith.constant 1200000 : i32
    %dma_start3A_272 = tpu.memref_slice %arg6[%dma_start3A_271] : memref<1600000xf32, #tpu.memory_space<hbm>> -> memref<100000xf32, #tpu.memory_space<hbm>>
    %dma_start3A_273 = arith.constant 0 : i32
    %dma_start3A_274 = tpu.memref_slice %dma_start3A_272[%dma_start3A_273] : memref<100000xf32, #tpu.memory_space<hbm>> -> memref<100000xf32, #tpu.memory_space<hbm>>
    tpu.enqueue_indirect_dma source(%dma_start3A_274 : memref<100000xf32, #tpu.memory_space<hbm>>) target(%dma_start3A_270 : memref<512xf32, #tpu.memory_space<vmem>>) offsets(%arg15 : memref<512xi32, #tpu.memory_space<vmem>>) semaphore(%arg22 : memref<!tpu.dma_semaphore, #tpu.memory_space<semaphore_mem>>)
    %dma_start3A_275 = arith.constant 6656 : i32
    %dma_start3A_276 = tpu.memref_slice %arg19[%dma_start3A_275] : memref<8192xf32, #tpu.memory_space<vmem>> -> memref<512xf32, #tpu.memory_space<vmem>>
    %dma_start3A_277 = arith.constant 1300000 : i32
    %dma_start3A_278 = tpu.memref_slice %arg6[%dma_start3A_277] : memref<1600000xf32, #tpu.memory_space<hbm>> -> memref<100000xf32, #tpu.memory_space<hbm>>
    %dma_start3A_279 = arith.constant 0 : i32
    %dma_start3A_280 = tpu.memref_slice %dma_start3A_278[%dma_start3A_279] : memref<100000xf32, #tpu.memory_space<hbm>> -> memref<100000xf32, #tpu.memory_space<hbm>>
    tpu.enqueue_indirect_dma source(%dma_start3A_280 : memref<100000xf32, #tpu.memory_space<hbm>>) target(%dma_start3A_276 : memref<512xf32, #tpu.memory_space<vmem>>) offsets(%arg15 : memref<512xi32, #tpu.memory_space<vmem>>) semaphore(%arg22 : memref<!tpu.dma_semaphore, #tpu.memory_space<semaphore_mem>>)
    %dma_start3A_281 = arith.constant 7168 : i32
    %dma_start3A_282 = tpu.memref_slice %arg19[%dma_start3A_281] : memref<8192xf32, #tpu.memory_space<vmem>> -> memref<512xf32, #tpu.memory_space<vmem>>
    %dma_start3A_283 = arith.constant 1400000 : i32
    %dma_start3A_284 = tpu.memref_slice %arg6[%dma_start3A_283] : memref<1600000xf32, #tpu.memory_space<hbm>> -> memref<100000xf32, #tpu.memory_space<hbm>>
    %dma_start3A_285 = arith.constant 0 : i32
    %dma_start3A_286 = tpu.memref_slice %dma_start3A_284[%dma_start3A_285] : memref<100000xf32, #tpu.memory_space<hbm>> -> memref<100000xf32, #tpu.memory_space<hbm>>
    tpu.enqueue_indirect_dma source(%dma_start3A_286 : memref<100000xf32, #tpu.memory_space<hbm>>) target(%dma_start3A_282 : memref<512xf32, #tpu.memory_space<vmem>>) offsets(%arg15 : memref<512xi32, #tpu.memory_space<vmem>>) semaphore(%arg22 : memref<!tpu.dma_semaphore, #tpu.memory_space<semaphore_mem>>)
    %dma_start3A_287 = arith.constant 7680 : i32
    %dma_start3A_288 = tpu.memref_slice %arg19[%dma_start3A_287] : memref<8192xf32, #tpu.memory_space<vmem>> -> memref<512xf32, #tpu.memory_space<vmem>>
    %dma_start3A_289 = arith.constant 1500000 : i32
    %dma_start3A_290 = tpu.memref_slice %arg6[%dma_start3A_289] : memref<1600000xf32, #tpu.memory_space<hbm>> -> memref<100000xf32, #tpu.memory_space<hbm>>
    %dma_start3A_291 = arith.constant 0 : i32
    %dma_start3A_292 = tpu.memref_slice %dma_start3A_290[%dma_start3A_291] : memref<100000xf32, #tpu.memory_space<hbm>> -> memref<100000xf32, #tpu.memory_space<hbm>>
    tpu.enqueue_indirect_dma source(%dma_start3A_292 : memref<100000xf32, #tpu.memory_space<hbm>>) target(%dma_start3A_288 : memref<512xf32, #tpu.memory_space<vmem>>) offsets(%arg15 : memref<512xi32, #tpu.memory_space<vmem>>) semaphore(%arg22 : memref<!tpu.dma_semaphore, #tpu.memory_space<semaphore_mem>>)
    %dma_start3A_293 = arith.constant 0 : i32
    %dma_start3A_294 = tpu.memref_slice %arg7[%dma_start3A_293] : memref<1000000xf32, #tpu.memory_space<hbm>> -> memref<1000000xf32, #tpu.memory_space<hbm>>
    tpu.enqueue_indirect_dma source(%dma_start3A_294 : memref<1000000xf32, #tpu.memory_space<hbm>>) target(%arg20 : memref<512xf32, #tpu.memory_space<vmem>>) offsets(%arg14 : memref<512xi32, #tpu.memory_space<vmem>>) semaphore(%arg22 : memref<!tpu.dma_semaphore, #tpu.memory_space<semaphore_mem>>)
    %dma_start3A_295 = arith.constant 0 : i32
    %dma_start3A_296 = tpu.memref_slice %arg8[%dma_start3A_295] : memref<100000xf32, #tpu.memory_space<hbm>> -> memref<100000xf32, #tpu.memory_space<hbm>>
    tpu.enqueue_indirect_dma source(%dma_start3A_296 : memref<100000xf32, #tpu.memory_space<hbm>>) target(%arg21 : memref<512xf32, #tpu.memory_space<vmem>>) offsets(%arg15 : memref<512xi32, #tpu.memory_space<vmem>>) semaphore(%arg22 : memref<!tpu.dma_semaphore, #tpu.memory_space<semaphore_mem>>)
    %dma_wait3A = arith.constant 0 : i32
    %dma_wait3A_297 = arith.constant 0 : i32
    %dma_wait3A_298 = tpu.memref_slice %arg4[%dma_wait3A, %dma_wait3A_297] : memref<1000000x32xf32, #tpu.memory_space<hbm>> -> memref<1000000x32xf32, #tpu.memory_space<hbm>>
    tpu.wait_indirect_dma semaphore(%arg22 : memref<!tpu.dma_semaphore, #tpu.memory_space<semaphore_mem>>) src(%dma_wait3A_298 : memref<1000000x32xf32, #tpu.memory_space<hbm>>) dst(%arg16 : memref<512x32xf32, #tpu.memory_space<vmem>>)
    %dma_wait3A_299 = arith.constant 0 : i32
    %dma_wait3A_300 = tpu.memref_slice %arg18[%dma_wait3A_299] : memref<16384xf32, #tpu.memory_space<vmem>> -> memref<512xf32, #tpu.memory_space<vmem>>
    %dma_wait3A_301 = arith.constant 0 : i32
    %dma_wait3A_302 = tpu.memref_slice %arg5[%dma_wait3A_301] : memref<3200000xf32, #tpu.memory_space<hbm>> -> memref<100000xf32, #tpu.memory_space<hbm>>
    %dma_wait3A_303 = arith.constant 0 : i32
    %dma_wait3A_304 = tpu.memref_slice %dma_wait3A_302[%dma_wait3A_303] : memref<100000xf32, #tpu.memory_space<hbm>> -> memref<100000xf32, #tpu.memory_space<hbm>>
    tpu.wait_indirect_dma semaphore(%arg22 : memref<!tpu.dma_semaphore, #tpu.memory_space<semaphore_mem>>) src(%dma_wait3A_304 : memref<100000xf32, #tpu.memory_space<hbm>>) dst(%dma_wait3A_300 : memref<512xf32, #tpu.memory_space<vmem>>)
    %dma_wait3A_305 = arith.constant 512 : i32
    %dma_wait3A_306 = tpu.memref_slice %arg18[%dma_wait3A_305] : memref<16384xf32, #tpu.memory_space<vmem>> -> memref<512xf32, #tpu.memory_space<vmem>>
    %dma_wait3A_307 = arith.constant 100000 : i32
    %dma_wait3A_308 = tpu.memref_slice %arg5[%dma_wait3A_307] : memref<3200000xf32, #tpu.memory_space<hbm>> -> memref<100000xf32, #tpu.memory_space<hbm>>
    %dma_wait3A_309 = arith.constant 0 : i32
    %dma_wait3A_310 = tpu.memref_slice %dma_wait3A_308[%dma_wait3A_309] : memref<100000xf32, #tpu.memory_space<hbm>> -> memref<100000xf32, #tpu.memory_space<hbm>>
    tpu.wait_indirect_dma semaphore(%arg22 : memref<!tpu.dma_semaphore, #tpu.memory_space<semaphore_mem>>) src(%dma_wait3A_310 : memref<100000xf32, #tpu.memory_space<hbm>>) dst(%dma_wait3A_306 : memref<512xf32, #tpu.memory_space<vmem>>)
    %dma_wait3A_311 = arith.constant 1024 : i32
    %dma_wait3A_312 = tpu.memref_slice %arg18[%dma_wait3A_311] : memref<16384xf32, #tpu.memory_space<vmem>> -> memref<512xf32, #tpu.memory_space<vmem>>
    %dma_wait3A_313 = arith.constant 200000 : i32
    %dma_wait3A_314 = tpu.memref_slice %arg5[%dma_wait3A_313] : memref<3200000xf32, #tpu.memory_space<hbm>> -> memref<100000xf32, #tpu.memory_space<hbm>>
    %dma_wait3A_315 = arith.constant 0 : i32
    %dma_wait3A_316 = tpu.memref_slice %dma_wait3A_314[%dma_wait3A_315] : memref<100000xf32, #tpu.memory_space<hbm>> -> memref<100000xf32, #tpu.memory_space<hbm>>
    tpu.wait_indirect_dma semaphore(%arg22 : memref<!tpu.dma_semaphore, #tpu.memory_space<semaphore_mem>>) src(%dma_wait3A_316 : memref<100000xf32, #tpu.memory_space<hbm>>) dst(%dma_wait3A_312 : memref<512xf32, #tpu.memory_space<vmem>>)
    %dma_wait3A_317 = arith.constant 1536 : i32
    %dma_wait3A_318 = tpu.memref_slice %arg18[%dma_wait3A_317] : memref<16384xf32, #tpu.memory_space<vmem>> -> memref<512xf32, #tpu.memory_space<vmem>>
    %dma_wait3A_319 = arith.constant 300000 : i32
    %dma_wait3A_320 = tpu.memref_slice %arg5[%dma_wait3A_319] : memref<3200000xf32, #tpu.memory_space<hbm>> -> memref<100000xf32, #tpu.memory_space<hbm>>
    %dma_wait3A_321 = arith.constant 0 : i32
    %dma_wait3A_322 = tpu.memref_slice %dma_wait3A_320[%dma_wait3A_321] : memref<100000xf32, #tpu.memory_space<hbm>> -> memref<100000xf32, #tpu.memory_space<hbm>>
    tpu.wait_indirect_dma semaphore(%arg22 : memref<!tpu.dma_semaphore, #tpu.memory_space<semaphore_mem>>) src(%dma_wait3A_322 : memref<100000xf32, #tpu.memory_space<hbm>>) dst(%dma_wait3A_318 : memref<512xf32, #tpu.memory_space<vmem>>)
    %dma_wait3A_323 = arith.constant 2048 : i32
    %dma_wait3A_324 = tpu.memref_slice %arg18[%dma_wait3A_323] : memref<16384xf32, #tpu.memory_space<vmem>> -> memref<512xf32, #tpu.memory_space<vmem>>
    %dma_wait3A_325 = arith.constant 400000 : i32
    %dma_wait3A_326 = tpu.memref_slice %arg5[%dma_wait3A_325] : memref<3200000xf32, #tpu.memory_space<hbm>> -> memref<100000xf32, #tpu.memory_space<hbm>>
    %dma_wait3A_327 = arith.constant 0 : i32
    %dma_wait3A_328 = tpu.memref_slice %dma_wait3A_326[%dma_wait3A_327] : memref<100000xf32, #tpu.memory_space<hbm>> -> memref<100000xf32, #tpu.memory_space<hbm>>
    tpu.wait_indirect_dma semaphore(%arg22 : memref<!tpu.dma_semaphore, #tpu.memory_space<semaphore_mem>>) src(%dma_wait3A_328 : memref<100000xf32, #tpu.memory_space<hbm>>) dst(%dma_wait3A_324 : memref<512xf32, #tpu.memory_space<vmem>>)
    %dma_wait3A_329 = arith.constant 2560 : i32
    %dma_wait3A_330 = tpu.memref_slice %arg18[%dma_wait3A_329] : memref<16384xf32, #tpu.memory_space<vmem>> -> memref<512xf32, #tpu.memory_space<vmem>>
    %dma_wait3A_331 = arith.constant 500000 : i32
    %dma_wait3A_332 = tpu.memref_slice %arg5[%dma_wait3A_331] : memref<3200000xf32, #tpu.memory_space<hbm>> -> memref<100000xf32, #tpu.memory_space<hbm>>
    %dma_wait3A_333 = arith.constant 0 : i32
    %dma_wait3A_334 = tpu.memref_slice %dma_wait3A_332[%dma_wait3A_333] : memref<100000xf32, #tpu.memory_space<hbm>> -> memref<100000xf32, #tpu.memory_space<hbm>>
    tpu.wait_indirect_dma semaphore(%arg22 : memref<!tpu.dma_semaphore, #tpu.memory_space<semaphore_mem>>) src(%dma_wait3A_334 : memref<100000xf32, #tpu.memory_space<hbm>>) dst(%dma_wait3A_330 : memref<512xf32, #tpu.memory_space<vmem>>)
    %dma_wait3A_335 = arith.constant 3072 : i32
    %dma_wait3A_336 = tpu.memref_slice %arg18[%dma_wait3A_335] : memref<16384xf32, #tpu.memory_space<vmem>> -> memref<512xf32, #tpu.memory_space<vmem>>
    %dma_wait3A_337 = arith.constant 600000 : i32
    %dma_wait3A_338 = tpu.memref_slice %arg5[%dma_wait3A_337] : memref<3200000xf32, #tpu.memory_space<hbm>> -> memref<100000xf32, #tpu.memory_space<hbm>>
    %dma_wait3A_339 = arith.constant 0 : i32
    %dma_wait3A_340 = tpu.memref_slice %dma_wait3A_338[%dma_wait3A_339] : memref<100000xf32, #tpu.memory_space<hbm>> -> memref<100000xf32, #tpu.memory_space<hbm>>
    tpu.wait_indirect_dma semaphore(%arg22 : memref<!tpu.dma_semaphore, #tpu.memory_space<semaphore_mem>>) src(%dma_wait3A_340 : memref<100000xf32, #tpu.memory_space<hbm>>) dst(%dma_wait3A_336 : memref<512xf32, #tpu.memory_space<vmem>>)
    %dma_wait3A_341 = arith.constant 3584 : i32
    %dma_wait3A_342 = tpu.memref_slice %arg18[%dma_wait3A_341] : memref<16384xf32, #tpu.memory_space<vmem>> -> memref<512xf32, #tpu.memory_space<vmem>>
    %dma_wait3A_343 = arith.constant 700000 : i32
    %dma_wait3A_344 = tpu.memref_slice %arg5[%dma_wait3A_343] : memref<3200000xf32, #tpu.memory_space<hbm>> -> memref<100000xf32, #tpu.memory_space<hbm>>
    %dma_wait3A_345 = arith.constant 0 : i32
    %dma_wait3A_346 = tpu.memref_slice %dma_wait3A_344[%dma_wait3A_345] : memref<100000xf32, #tpu.memory_space<hbm>> -> memref<100000xf32, #tpu.memory_space<hbm>>
    tpu.wait_indirect_dma semaphore(%arg22 : memref<!tpu.dma_semaphore, #tpu.memory_space<semaphore_mem>>) src(%dma_wait3A_346 : memref<100000xf32, #tpu.memory_space<hbm>>) dst(%dma_wait3A_342 : memref<512xf32, #tpu.memory_space<vmem>>)
    %dma_wait3A_347 = arith.constant 4096 : i32
    %dma_wait3A_348 = tpu.memref_slice %arg18[%dma_wait3A_347] : memref<16384xf32, #tpu.memory_space<vmem>> -> memref<512xf32, #tpu.memory_space<vmem>>
    %dma_wait3A_349 = arith.constant 800000 : i32
    %dma_wait3A_350 = tpu.memref_slice %arg5[%dma_wait3A_349] : memref<3200000xf32, #tpu.memory_space<hbm>> -> memref<100000xf32, #tpu.memory_space<hbm>>
    %dma_wait3A_351 = arith.constant 0 : i32
    %dma_wait3A_352 = tpu.memref_slice %dma_wait3A_350[%dma_wait3A_351] : memref<100000xf32, #tpu.memory_space<hbm>> -> memref<100000xf32, #tpu.memory_space<hbm>>
    tpu.wait_indirect_dma semaphore(%arg22 : memref<!tpu.dma_semaphore, #tpu.memory_space<semaphore_mem>>) src(%dma_wait3A_352 : memref<100000xf32, #tpu.memory_space<hbm>>) dst(%dma_wait3A_348 : memref<512xf32, #tpu.memory_space<vmem>>)
    %dma_wait3A_353 = arith.constant 4608 : i32
    %dma_wait3A_354 = tpu.memref_slice %arg18[%dma_wait3A_353] : memref<16384xf32, #tpu.memory_space<vmem>> -> memref<512xf32, #tpu.memory_space<vmem>>
    %dma_wait3A_355 = arith.constant 900000 : i32
    %dma_wait3A_356 = tpu.memref_slice %arg5[%dma_wait3A_355] : memref<3200000xf32, #tpu.memory_space<hbm>> -> memref<100000xf32, #tpu.memory_space<hbm>>
    %dma_wait3A_357 = arith.constant 0 : i32
    %dma_wait3A_358 = tpu.memref_slice %dma_wait3A_356[%dma_wait3A_357] : memref<100000xf32, #tpu.memory_space<hbm>> -> memref<100000xf32, #tpu.memory_space<hbm>>
    tpu.wait_indirect_dma semaphore(%arg22 : memref<!tpu.dma_semaphore, #tpu.memory_space<semaphore_mem>>) src(%dma_wait3A_358 : memref<100000xf32, #tpu.memory_space<hbm>>) dst(%dma_wait3A_354 : memref<512xf32, #tpu.memory_space<vmem>>)
    %dma_wait3A_359 = arith.constant 5120 : i32
    %dma_wait3A_360 = tpu.memref_slice %arg18[%dma_wait3A_359] : memref<16384xf32, #tpu.memory_space<vmem>> -> memref<512xf32, #tpu.memory_space<vmem>>
    %dma_wait3A_361 = arith.constant 1000000 : i32
    %dma_wait3A_362 = tpu.memref_slice %arg5[%dma_wait3A_361] : memref<3200000xf32, #tpu.memory_space<hbm>> -> memref<100000xf32, #tpu.memory_space<hbm>>
    %dma_wait3A_363 = arith.constant 0 : i32
    %dma_wait3A_364 = tpu.memref_slice %dma_wait3A_362[%dma_wait3A_363] : memref<100000xf32, #tpu.memory_space<hbm>> -> memref<100000xf32, #tpu.memory_space<hbm>>
    tpu.wait_indirect_dma semaphore(%arg22 : memref<!tpu.dma_semaphore, #tpu.memory_space<semaphore_mem>>) src(%dma_wait3A_364 : memref<100000xf32, #tpu.memory_space<hbm>>) dst(%dma_wait3A_360 : memref<512xf32, #tpu.memory_space<vmem>>)
    %dma_wait3A_365 = arith.constant 5632 : i32
    %dma_wait3A_366 = tpu.memref_slice %arg18[%dma_wait3A_365] : memref<16384xf32, #tpu.memory_space<vmem>> -> memref<512xf32, #tpu.memory_space<vmem>>
    %dma_wait3A_367 = arith.constant 1100000 : i32
    %dma_wait3A_368 = tpu.memref_slice %arg5[%dma_wait3A_367] : memref<3200000xf32, #tpu.memory_space<hbm>> -> memref<100000xf32, #tpu.memory_space<hbm>>
    %dma_wait3A_369 = arith.constant 0 : i32
    %dma_wait3A_370 = tpu.memref_slice %dma_wait3A_368[%dma_wait3A_369] : memref<100000xf32, #tpu.memory_space<hbm>> -> memref<100000xf32, #tpu.memory_space<hbm>>
    tpu.wait_indirect_dma semaphore(%arg22 : memref<!tpu.dma_semaphore, #tpu.memory_space<semaphore_mem>>) src(%dma_wait3A_370 : memref<100000xf32, #tpu.memory_space<hbm>>) dst(%dma_wait3A_366 : memref<512xf32, #tpu.memory_space<vmem>>)
    %dma_wait3A_371 = arith.constant 6144 : i32
    %dma_wait3A_372 = tpu.memref_slice %arg18[%dma_wait3A_371] : memref<16384xf32, #tpu.memory_space<vmem>> -> memref<512xf32, #tpu.memory_space<vmem>>
    %dma_wait3A_373 = arith.constant 1200000 : i32
    %dma_wait3A_374 = tpu.memref_slice %arg5[%dma_wait3A_373] : memref<3200000xf32, #tpu.memory_space<hbm>> -> memref<100000xf32, #tpu.memory_space<hbm>>
    %dma_wait3A_375 = arith.constant 0 : i32
    %dma_wait3A_376 = tpu.memref_slice %dma_wait3A_374[%dma_wait3A_375] : memref<100000xf32, #tpu.memory_space<hbm>> -> memref<100000xf32, #tpu.memory_space<hbm>>
    tpu.wait_indirect_dma semaphore(%arg22 : memref<!tpu.dma_semaphore, #tpu.memory_space<semaphore_mem>>) src(%dma_wait3A_376 : memref<100000xf32, #tpu.memory_space<hbm>>) dst(%dma_wait3A_372 : memref<512xf32, #tpu.memory_space<vmem>>)
    %dma_wait3A_377 = arith.constant 6656 : i32
    %dma_wait3A_378 = tpu.memref_slice %arg18[%dma_wait3A_377] : memref<16384xf32, #tpu.memory_space<vmem>> -> memref<512xf32, #tpu.memory_space<vmem>>
    %dma_wait3A_379 = arith.constant 1300000 : i32
    %dma_wait3A_380 = tpu.memref_slice %arg5[%dma_wait3A_379] : memref<3200000xf32, #tpu.memory_space<hbm>> -> memref<100000xf32, #tpu.memory_space<hbm>>
    %dma_wait3A_381 = arith.constant 0 : i32
    %dma_wait3A_382 = tpu.memref_slice %dma_wait3A_380[%dma_wait3A_381] : memref<100000xf32, #tpu.memory_space<hbm>> -> memref<100000xf32, #tpu.memory_space<hbm>>
    tpu.wait_indirect_dma semaphore(%arg22 : memref<!tpu.dma_semaphore, #tpu.memory_space<semaphore_mem>>) src(%dma_wait3A_382 : memref<100000xf32, #tpu.memory_space<hbm>>) dst(%dma_wait3A_378 : memref<512xf32, #tpu.memory_space<vmem>>)
    %dma_wait3A_383 = arith.constant 7168 : i32
    %dma_wait3A_384 = tpu.memref_slice %arg18[%dma_wait3A_383] : memref<16384xf32, #tpu.memory_space<vmem>> -> memref<512xf32, #tpu.memory_space<vmem>>
    %dma_wait3A_385 = arith.constant 1400000 : i32
    %dma_wait3A_386 = tpu.memref_slice %arg5[%dma_wait3A_385] : memref<3200000xf32, #tpu.memory_space<hbm>> -> memref<100000xf32, #tpu.memory_space<hbm>>
    %dma_wait3A_387 = arith.constant 0 : i32
    %dma_wait3A_388 = tpu.memref_slice %dma_wait3A_386[%dma_wait3A_387] : memref<100000xf32, #tpu.memory_space<hbm>> -> memref<100000xf32, #tpu.memory_space<hbm>>
    tpu.wait_indirect_dma semaphore(%arg22 : memref<!tpu.dma_semaphore, #tpu.memory_space<semaphore_mem>>) src(%dma_wait3A_388 : memref<100000xf32, #tpu.memory_space<hbm>>) dst(%dma_wait3A_384 : memref<512xf32, #tpu.memory_space<vmem>>)
    %dma_wait3A_389 = arith.constant 7680 : i32
    %dma_wait3A_390 = tpu.memref_slice %arg18[%dma_wait3A_389] : memref<16384xf32, #tpu.memory_space<vmem>> -> memref<512xf32, #tpu.memory_space<vmem>>
    %dma_wait3A_391 = arith.constant 1500000 : i32
    %dma_wait3A_392 = tpu.memref_slice %arg5[%dma_wait3A_391] : memref<3200000xf32, #tpu.memory_space<hbm>> -> memref<100000xf32, #tpu.memory_space<hbm>>
    %dma_wait3A_393 = arith.constant 0 : i32
    %dma_wait3A_394 = tpu.memref_slice %dma_wait3A_392[%dma_wait3A_393] : memref<100000xf32, #tpu.memory_space<hbm>> -> memref<100000xf32, #tpu.memory_space<hbm>>
    tpu.wait_indirect_dma semaphore(%arg22 : memref<!tpu.dma_semaphore, #tpu.memory_space<semaphore_mem>>) src(%dma_wait3A_394 : memref<100000xf32, #tpu.memory_space<hbm>>) dst(%dma_wait3A_390 : memref<512xf32, #tpu.memory_space<vmem>>)
    %dma_wait3A_395 = arith.constant 8192 : i32
    %dma_wait3A_396 = tpu.memref_slice %arg18[%dma_wait3A_395] : memref<16384xf32, #tpu.memory_space<vmem>> -> memref<512xf32, #tpu.memory_space<vmem>>
    %dma_wait3A_397 = arith.constant 1600000 : i32
    %dma_wait3A_398 = tpu.memref_slice %arg5[%dma_wait3A_397] : memref<3200000xf32, #tpu.memory_space<hbm>> -> memref<100000xf32, #tpu.memory_space<hbm>>
    %dma_wait3A_399 = arith.constant 0 : i32
    %dma_wait3A_400 = tpu.memref_slice %dma_wait3A_398[%dma_wait3A_399] : memref<100000xf32, #tpu.memory_space<hbm>> -> memref<100000xf32, #tpu.memory_space<hbm>>
    tpu.wait_indirect_dma semaphore(%arg22 : memref<!tpu.dma_semaphore, #tpu.memory_space<semaphore_mem>>) src(%dma_wait3A_400 : memref<100000xf32, #tpu.memory_space<hbm>>) dst(%dma_wait3A_396 : memref<512xf32, #tpu.memory_space<vmem>>)
    %dma_wait3A_401 = arith.constant 8704 : i32
    %dma_wait3A_402 = tpu.memref_slice %arg18[%dma_wait3A_401] : memref<16384xf32, #tpu.memory_space<vmem>> -> memref<512xf32, #tpu.memory_space<vmem>>
    %dma_wait3A_403 = arith.constant 1700000 : i32
    %dma_wait3A_404 = tpu.memref_slice %arg5[%dma_wait3A_403] : memref<3200000xf32, #tpu.memory_space<hbm>> -> memref<100000xf32, #tpu.memory_space<hbm>>
    %dma_wait3A_405 = arith.constant 0 : i32
    %dma_wait3A_406 = tpu.memref_slice %dma_wait3A_404[%dma_wait3A_405] : memref<100000xf32, #tpu.memory_space<hbm>> -> memref<100000xf32, #tpu.memory_space<hbm>>
    tpu.wait_indirect_dma semaphore(%arg22 : memref<!tpu.dma_semaphore, #tpu.memory_space<semaphore_mem>>) src(%dma_wait3A_406 : memref<100000xf32, #tpu.memory_space<hbm>>) dst(%dma_wait3A_402 : memref<512xf32, #tpu.memory_space<vmem>>)
    %dma_wait3A_407 = arith.constant 9216 : i32
    %dma_wait3A_408 = tpu.memref_slice %arg18[%dma_wait3A_407] : memref<16384xf32, #tpu.memory_space<vmem>> -> memref<512xf32, #tpu.memory_space<vmem>>
    %dma_wait3A_409 = arith.constant 1800000 : i32
    %dma_wait3A_410 = tpu.memref_slice %arg5[%dma_wait3A_409] : memref<3200000xf32, #tpu.memory_space<hbm>> -> memref<100000xf32, #tpu.memory_space<hbm>>
    %dma_wait3A_411 = arith.constant 0 : i32
    %dma_wait3A_412 = tpu.memref_slice %dma_wait3A_410[%dma_wait3A_411] : memref<100000xf32, #tpu.memory_space<hbm>> -> memref<100000xf32, #tpu.memory_space<hbm>>
    tpu.wait_indirect_dma semaphore(%arg22 : memref<!tpu.dma_semaphore, #tpu.memory_space<semaphore_mem>>) src(%dma_wait3A_412 : memref<100000xf32, #tpu.memory_space<hbm>>) dst(%dma_wait3A_408 : memref<512xf32, #tpu.memory_space<vmem>>)
    %dma_wait3A_413 = arith.constant 9728 : i32
    %dma_wait3A_414 = tpu.memref_slice %arg18[%dma_wait3A_413] : memref<16384xf32, #tpu.memory_space<vmem>> -> memref<512xf32, #tpu.memory_space<vmem>>
    %dma_wait3A_415 = arith.constant 1900000 : i32
    %dma_wait3A_416 = tpu.memref_slice %arg5[%dma_wait3A_415] : memref<3200000xf32, #tpu.memory_space<hbm>> -> memref<100000xf32, #tpu.memory_space<hbm>>
    %dma_wait3A_417 = arith.constant 0 : i32
    %dma_wait3A_418 = tpu.memref_slice %dma_wait3A_416[%dma_wait3A_417] : memref<100000xf32, #tpu.memory_space<hbm>> -> memref<100000xf32, #tpu.memory_space<hbm>>
    tpu.wait_indirect_dma semaphore(%arg22 : memref<!tpu.dma_semaphore, #tpu.memory_space<semaphore_mem>>) src(%dma_wait3A_418 : memref<100000xf32, #tpu.memory_space<hbm>>) dst(%dma_wait3A_414 : memref<512xf32, #tpu.memory_space<vmem>>)
    %dma_wait3A_419 = arith.constant 10240 : i32
    %dma_wait3A_420 = tpu.memref_slice %arg18[%dma_wait3A_419] : memref<16384xf32, #tpu.memory_space<vmem>> -> memref<512xf32, #tpu.memory_space<vmem>>
    %dma_wait3A_421 = arith.constant 2000000 : i32
    %dma_wait3A_422 = tpu.memref_slice %arg5[%dma_wait3A_421] : memref<3200000xf32, #tpu.memory_space<hbm>> -> memref<100000xf32, #tpu.memory_space<hbm>>
    %dma_wait3A_423 = arith.constant 0 : i32
    %dma_wait3A_424 = tpu.memref_slice %dma_wait3A_422[%dma_wait3A_423] : memref<100000xf32, #tpu.memory_space<hbm>> -> memref<100000xf32, #tpu.memory_space<hbm>>
    tpu.wait_indirect_dma semaphore(%arg22 : memref<!tpu.dma_semaphore, #tpu.memory_space<semaphore_mem>>) src(%dma_wait3A_424 : memref<100000xf32, #tpu.memory_space<hbm>>) dst(%dma_wait3A_420 : memref<512xf32, #tpu.memory_space<vmem>>)
    %dma_wait3A_425 = arith.constant 10752 : i32
    %dma_wait3A_426 = tpu.memref_slice %arg18[%dma_wait3A_425] : memref<16384xf32, #tpu.memory_space<vmem>> -> memref<512xf32, #tpu.memory_space<vmem>>
    %dma_wait3A_427 = arith.constant 2100000 : i32
    %dma_wait3A_428 = tpu.memref_slice %arg5[%dma_wait3A_427] : memref<3200000xf32, #tpu.memory_space<hbm>> -> memref<100000xf32, #tpu.memory_space<hbm>>
    %dma_wait3A_429 = arith.constant 0 : i32
    %dma_wait3A_430 = tpu.memref_slice %dma_wait3A_428[%dma_wait3A_429] : memref<100000xf32, #tpu.memory_space<hbm>> -> memref<100000xf32, #tpu.memory_space<hbm>>
    tpu.wait_indirect_dma semaphore(%arg22 : memref<!tpu.dma_semaphore, #tpu.memory_space<semaphore_mem>>) src(%dma_wait3A_430 : memref<100000xf32, #tpu.memory_space<hbm>>) dst(%dma_wait3A_426 : memref<512xf32, #tpu.memory_space<vmem>>)
    %dma_wait3A_431 = arith.constant 11264 : i32
    %dma_wait3A_432 = tpu.memref_slice %arg18[%dma_wait3A_431] : memref<16384xf32, #tpu.memory_space<vmem>> -> memref<512xf32, #tpu.memory_space<vmem>>
    %dma_wait3A_433 = arith.constant 2200000 : i32
    %dma_wait3A_434 = tpu.memref_slice %arg5[%dma_wait3A_433] : memref<3200000xf32, #tpu.memory_space<hbm>> -> memref<100000xf32, #tpu.memory_space<hbm>>
    %dma_wait3A_435 = arith.constant 0 : i32
    %dma_wait3A_436 = tpu.memref_slice %dma_wait3A_434[%dma_wait3A_435] : memref<100000xf32, #tpu.memory_space<hbm>> -> memref<100000xf32, #tpu.memory_space<hbm>>
    tpu.wait_indirect_dma semaphore(%arg22 : memref<!tpu.dma_semaphore, #tpu.memory_space<semaphore_mem>>) src(%dma_wait3A_436 : memref<100000xf32, #tpu.memory_space<hbm>>) dst(%dma_wait3A_432 : memref<512xf32, #tpu.memory_space<vmem>>)
    %dma_wait3A_437 = arith.constant 11776 : i32
    %dma_wait3A_438 = tpu.memref_slice %arg18[%dma_wait3A_437] : memref<16384xf32, #tpu.memory_space<vmem>> -> memref<512xf32, #tpu.memory_space<vmem>>
    %dma_wait3A_439 = arith.constant 2300000 : i32
    %dma_wait3A_440 = tpu.memref_slice %arg5[%dma_wait3A_439] : memref<3200000xf32, #tpu.memory_space<hbm>> -> memref<100000xf32, #tpu.memory_space<hbm>>
    %dma_wait3A_441 = arith.constant 0 : i32
    %dma_wait3A_442 = tpu.memref_slice %dma_wait3A_440[%dma_wait3A_441] : memref<100000xf32, #tpu.memory_space<hbm>> -> memref<100000xf32, #tpu.memory_space<hbm>>
    tpu.wait_indirect_dma semaphore(%arg22 : memref<!tpu.dma_semaphore, #tpu.memory_space<semaphore_mem>>) src(%dma_wait3A_442 : memref<100000xf32, #tpu.memory_space<hbm>>) dst(%dma_wait3A_438 : memref<512xf32, #tpu.memory_space<vmem>>)
    %dma_wait3A_443 = arith.constant 12288 : i32
    %dma_wait3A_444 = tpu.memref_slice %arg18[%dma_wait3A_443] : memref<16384xf32, #tpu.memory_space<vmem>> -> memref<512xf32, #tpu.memory_space<vmem>>
    %dma_wait3A_445 = arith.constant 2400000 : i32
    %dma_wait3A_446 = tpu.memref_slice %arg5[%dma_wait3A_445] : memref<3200000xf32, #tpu.memory_space<hbm>> -> memref<100000xf32, #tpu.memory_space<hbm>>
    %dma_wait3A_447 = arith.constant 0 : i32
    %dma_wait3A_448 = tpu.memref_slice %dma_wait3A_446[%dma_wait3A_447] : memref<100000xf32, #tpu.memory_space<hbm>> -> memref<100000xf32, #tpu.memory_space<hbm>>
    tpu.wait_indirect_dma semaphore(%arg22 : memref<!tpu.dma_semaphore, #tpu.memory_space<semaphore_mem>>) src(%dma_wait3A_448 : memref<100000xf32, #tpu.memory_space<hbm>>) dst(%dma_wait3A_444 : memref<512xf32, #tpu.memory_space<vmem>>)
    %dma_wait3A_449 = arith.constant 12800 : i32
    %dma_wait3A_450 = tpu.memref_slice %arg18[%dma_wait3A_449] : memref<16384xf32, #tpu.memory_space<vmem>> -> memref<512xf32, #tpu.memory_space<vmem>>
    %dma_wait3A_451 = arith.constant 2500000 : i32
    %dma_wait3A_452 = tpu.memref_slice %arg5[%dma_wait3A_451] : memref<3200000xf32, #tpu.memory_space<hbm>> -> memref<100000xf32, #tpu.memory_space<hbm>>
    %dma_wait3A_453 = arith.constant 0 : i32
    %dma_wait3A_454 = tpu.memref_slice %dma_wait3A_452[%dma_wait3A_453] : memref<100000xf32, #tpu.memory_space<hbm>> -> memref<100000xf32, #tpu.memory_space<hbm>>
    tpu.wait_indirect_dma semaphore(%arg22 : memref<!tpu.dma_semaphore, #tpu.memory_space<semaphore_mem>>) src(%dma_wait3A_454 : memref<100000xf32, #tpu.memory_space<hbm>>) dst(%dma_wait3A_450 : memref<512xf32, #tpu.memory_space<vmem>>)
    %dma_wait3A_455 = arith.constant 13312 : i32
    %dma_wait3A_456 = tpu.memref_slice %arg18[%dma_wait3A_455] : memref<16384xf32, #tpu.memory_space<vmem>> -> memref<512xf32, #tpu.memory_space<vmem>>
    %dma_wait3A_457 = arith.constant 2600000 : i32
    %dma_wait3A_458 = tpu.memref_slice %arg5[%dma_wait3A_457] : memref<3200000xf32, #tpu.memory_space<hbm>> -> memref<100000xf32, #tpu.memory_space<hbm>>
    %dma_wait3A_459 = arith.constant 0 : i32
    %dma_wait3A_460 = tpu.memref_slice %dma_wait3A_458[%dma_wait3A_459] : memref<100000xf32, #tpu.memory_space<hbm>> -> memref<100000xf32, #tpu.memory_space<hbm>>
    tpu.wait_indirect_dma semaphore(%arg22 : memref<!tpu.dma_semaphore, #tpu.memory_space<semaphore_mem>>) src(%dma_wait3A_460 : memref<100000xf32, #tpu.memory_space<hbm>>) dst(%dma_wait3A_456 : memref<512xf32, #tpu.memory_space<vmem>>)
    %dma_wait3A_461 = arith.constant 13824 : i32
    %dma_wait3A_462 = tpu.memref_slice %arg18[%dma_wait3A_461] : memref<16384xf32, #tpu.memory_space<vmem>> -> memref<512xf32, #tpu.memory_space<vmem>>
    %dma_wait3A_463 = arith.constant 2700000 : i32
    %dma_wait3A_464 = tpu.memref_slice %arg5[%dma_wait3A_463] : memref<3200000xf32, #tpu.memory_space<hbm>> -> memref<100000xf32, #tpu.memory_space<hbm>>
    %dma_wait3A_465 = arith.constant 0 : i32
    %dma_wait3A_466 = tpu.memref_slice %dma_wait3A_464[%dma_wait3A_465] : memref<100000xf32, #tpu.memory_space<hbm>> -> memref<100000xf32, #tpu.memory_space<hbm>>
    tpu.wait_indirect_dma semaphore(%arg22 : memref<!tpu.dma_semaphore, #tpu.memory_space<semaphore_mem>>) src(%dma_wait3A_466 : memref<100000xf32, #tpu.memory_space<hbm>>) dst(%dma_wait3A_462 : memref<512xf32, #tpu.memory_space<vmem>>)
    %dma_wait3A_467 = arith.constant 14336 : i32
    %dma_wait3A_468 = tpu.memref_slice %arg18[%dma_wait3A_467] : memref<16384xf32, #tpu.memory_space<vmem>> -> memref<512xf32, #tpu.memory_space<vmem>>
    %dma_wait3A_469 = arith.constant 2800000 : i32
    %dma_wait3A_470 = tpu.memref_slice %arg5[%dma_wait3A_469] : memref<3200000xf32, #tpu.memory_space<hbm>> -> memref<100000xf32, #tpu.memory_space<hbm>>
    %dma_wait3A_471 = arith.constant 0 : i32
    %dma_wait3A_472 = tpu.memref_slice %dma_wait3A_470[%dma_wait3A_471] : memref<100000xf32, #tpu.memory_space<hbm>> -> memref<100000xf32, #tpu.memory_space<hbm>>
    tpu.wait_indirect_dma semaphore(%arg22 : memref<!tpu.dma_semaphore, #tpu.memory_space<semaphore_mem>>) src(%dma_wait3A_472 : memref<100000xf32, #tpu.memory_space<hbm>>) dst(%dma_wait3A_468 : memref<512xf32, #tpu.memory_space<vmem>>)
    %dma_wait3A_473 = arith.constant 14848 : i32
    %dma_wait3A_474 = tpu.memref_slice %arg18[%dma_wait3A_473] : memref<16384xf32, #tpu.memory_space<vmem>> -> memref<512xf32, #tpu.memory_space<vmem>>
    %dma_wait3A_475 = arith.constant 2900000 : i32
    %dma_wait3A_476 = tpu.memref_slice %arg5[%dma_wait3A_475] : memref<3200000xf32, #tpu.memory_space<hbm>> -> memref<100000xf32, #tpu.memory_space<hbm>>
    %dma_wait3A_477 = arith.constant 0 : i32
    %dma_wait3A_478 = tpu.memref_slice %dma_wait3A_476[%dma_wait3A_477] : memref<100000xf32, #tpu.memory_space<hbm>> -> memref<100000xf32, #tpu.memory_space<hbm>>
    tpu.wait_indirect_dma semaphore(%arg22 : memref<!tpu.dma_semaphore, #tpu.memory_space<semaphore_mem>>) src(%dma_wait3A_478 : memref<100000xf32, #tpu.memory_space<hbm>>) dst(%dma_wait3A_474 : memref<512xf32, #tpu.memory_space<vmem>>)
    %dma_wait3A_479 = arith.constant 15360 : i32
    %dma_wait3A_480 = tpu.memref_slice %arg18[%dma_wait3A_479] : memref<16384xf32, #tpu.memory_space<vmem>> -> memref<512xf32, #tpu.memory_space<vmem>>
    %dma_wait3A_481 = arith.constant 3000000 : i32
    %dma_wait3A_482 = tpu.memref_slice %arg5[%dma_wait3A_481] : memref<3200000xf32, #tpu.memory_space<hbm>> -> memref<100000xf32, #tpu.memory_space<hbm>>
    %dma_wait3A_483 = arith.constant 0 : i32
    %dma_wait3A_484 = tpu.memref_slice %dma_wait3A_482[%dma_wait3A_483] : memref<100000xf32, #tpu.memory_space<hbm>> -> memref<100000xf32, #tpu.memory_space<hbm>>
    tpu.wait_indirect_dma semaphore(%arg22 : memref<!tpu.dma_semaphore, #tpu.memory_space<semaphore_mem>>) src(%dma_wait3A_484 : memref<100000xf32, #tpu.memory_space<hbm>>) dst(%dma_wait3A_480 : memref<512xf32, #tpu.memory_space<vmem>>)
    %dma_wait3A_485 = arith.constant 15872 : i32
    %dma_wait3A_486 = tpu.memref_slice %arg18[%dma_wait3A_485] : memref<16384xf32, #tpu.memory_space<vmem>> -> memref<512xf32, #tpu.memory_space<vmem>>
    %dma_wait3A_487 = arith.constant 3100000 : i32
    %dma_wait3A_488 = tpu.memref_slice %arg5[%dma_wait3A_487] : memref<3200000xf32, #tpu.memory_space<hbm>> -> memref<100000xf32, #tpu.memory_space<hbm>>
    %dma_wait3A_489 = arith.constant 0 : i32
    %dma_wait3A_490 = tpu.memref_slice %dma_wait3A_488[%dma_wait3A_489] : memref<100000xf32, #tpu.memory_space<hbm>> -> memref<100000xf32, #tpu.memory_space<hbm>>
    tpu.wait_indirect_dma semaphore(%arg22 : memref<!tpu.dma_semaphore, #tpu.memory_space<semaphore_mem>>) src(%dma_wait3A_490 : memref<100000xf32, #tpu.memory_space<hbm>>) dst(%dma_wait3A_486 : memref<512xf32, #tpu.memory_space<vmem>>)
    %dma_wait3A_491 = arith.constant 0 : i32
    %dma_wait3A_492 = tpu.memref_slice %arg19[%dma_wait3A_491] : memref<8192xf32, #tpu.memory_space<vmem>> -> memref<512xf32, #tpu.memory_space<vmem>>
    %dma_wait3A_493 = arith.constant 0 : i32
    %dma_wait3A_494 = tpu.memref_slice %arg6[%dma_wait3A_493] : memref<1600000xf32, #tpu.memory_space<hbm>> -> memref<100000xf32, #tpu.memory_space<hbm>>
    %dma_wait3A_495 = arith.constant 0 : i32
    %dma_wait3A_496 = tpu.memref_slice %dma_wait3A_494[%dma_wait3A_495] : memref<100000xf32, #tpu.memory_space<hbm>> -> memref<100000xf32, #tpu.memory_space<hbm>>
    tpu.wait_indirect_dma semaphore(%arg22 : memref<!tpu.dma_semaphore, #tpu.memory_space<semaphore_mem>>) src(%dma_wait3A_496 : memref<100000xf32, #tpu.memory_space<hbm>>) dst(%dma_wait3A_492 : memref<512xf32, #tpu.memory_space<vmem>>)
    %dma_wait3A_497 = arith.constant 512 : i32
    %dma_wait3A_498 = tpu.memref_slice %arg19[%dma_wait3A_497] : memref<8192xf32, #tpu.memory_space<vmem>> -> memref<512xf32, #tpu.memory_space<vmem>>
    %dma_wait3A_499 = arith.constant 100000 : i32
    %dma_wait3A_500 = tpu.memref_slice %arg6[%dma_wait3A_499] : memref<1600000xf32, #tpu.memory_space<hbm>> -> memref<100000xf32, #tpu.memory_space<hbm>>
    %dma_wait3A_501 = arith.constant 0 : i32
    %dma_wait3A_502 = tpu.memref_slice %dma_wait3A_500[%dma_wait3A_501] : memref<100000xf32, #tpu.memory_space<hbm>> -> memref<100000xf32, #tpu.memory_space<hbm>>
    tpu.wait_indirect_dma semaphore(%arg22 : memref<!tpu.dma_semaphore, #tpu.memory_space<semaphore_mem>>) src(%dma_wait3A_502 : memref<100000xf32, #tpu.memory_space<hbm>>) dst(%dma_wait3A_498 : memref<512xf32, #tpu.memory_space<vmem>>)
    %dma_wait3A_503 = arith.constant 1024 : i32
    %dma_wait3A_504 = tpu.memref_slice %arg19[%dma_wait3A_503] : memref<8192xf32, #tpu.memory_space<vmem>> -> memref<512xf32, #tpu.memory_space<vmem>>
    %dma_wait3A_505 = arith.constant 200000 : i32
    %dma_wait3A_506 = tpu.memref_slice %arg6[%dma_wait3A_505] : memref<1600000xf32, #tpu.memory_space<hbm>> -> memref<100000xf32, #tpu.memory_space<hbm>>
    %dma_wait3A_507 = arith.constant 0 : i32
    %dma_wait3A_508 = tpu.memref_slice %dma_wait3A_506[%dma_wait3A_507] : memref<100000xf32, #tpu.memory_space<hbm>> -> memref<100000xf32, #tpu.memory_space<hbm>>
    tpu.wait_indirect_dma semaphore(%arg22 : memref<!tpu.dma_semaphore, #tpu.memory_space<semaphore_mem>>) src(%dma_wait3A_508 : memref<100000xf32, #tpu.memory_space<hbm>>) dst(%dma_wait3A_504 : memref<512xf32, #tpu.memory_space<vmem>>)
    %dma_wait3A_509 = arith.constant 1536 : i32
    %dma_wait3A_510 = tpu.memref_slice %arg19[%dma_wait3A_509] : memref<8192xf32, #tpu.memory_space<vmem>> -> memref<512xf32, #tpu.memory_space<vmem>>
    %dma_wait3A_511 = arith.constant 300000 : i32
    %dma_wait3A_512 = tpu.memref_slice %arg6[%dma_wait3A_511] : memref<1600000xf32, #tpu.memory_space<hbm>> -> memref<100000xf32, #tpu.memory_space<hbm>>
    %dma_wait3A_513 = arith.constant 0 : i32
    %dma_wait3A_514 = tpu.memref_slice %dma_wait3A_512[%dma_wait3A_513] : memref<100000xf32, #tpu.memory_space<hbm>> -> memref<100000xf32, #tpu.memory_space<hbm>>
    tpu.wait_indirect_dma semaphore(%arg22 : memref<!tpu.dma_semaphore, #tpu.memory_space<semaphore_mem>>) src(%dma_wait3A_514 : memref<100000xf32, #tpu.memory_space<hbm>>) dst(%dma_wait3A_510 : memref<512xf32, #tpu.memory_space<vmem>>)
    %dma_wait3A_515 = arith.constant 2048 : i32
    %dma_wait3A_516 = tpu.memref_slice %arg19[%dma_wait3A_515] : memref<8192xf32, #tpu.memory_space<vmem>> -> memref<512xf32, #tpu.memory_space<vmem>>
    %dma_wait3A_517 = arith.constant 400000 : i32
    %dma_wait3A_518 = tpu.memref_slice %arg6[%dma_wait3A_517] : memref<1600000xf32, #tpu.memory_space<hbm>> -> memref<100000xf32, #tpu.memory_space<hbm>>
    %dma_wait3A_519 = arith.constant 0 : i32
    %dma_wait3A_520 = tpu.memref_slice %dma_wait3A_518[%dma_wait3A_519] : memref<100000xf32, #tpu.memory_space<hbm>> -> memref<100000xf32, #tpu.memory_space<hbm>>
    tpu.wait_indirect_dma semaphore(%arg22 : memref<!tpu.dma_semaphore, #tpu.memory_space<semaphore_mem>>) src(%dma_wait3A_520 : memref<100000xf32, #tpu.memory_space<hbm>>) dst(%dma_wait3A_516 : memref<512xf32, #tpu.memory_space<vmem>>)
    %dma_wait3A_521 = arith.constant 2560 : i32
    %dma_wait3A_522 = tpu.memref_slice %arg19[%dma_wait3A_521] : memref<8192xf32, #tpu.memory_space<vmem>> -> memref<512xf32, #tpu.memory_space<vmem>>
    %dma_wait3A_523 = arith.constant 500000 : i32
    %dma_wait3A_524 = tpu.memref_slice %arg6[%dma_wait3A_523] : memref<1600000xf32, #tpu.memory_space<hbm>> -> memref<100000xf32, #tpu.memory_space<hbm>>
    %dma_wait3A_525 = arith.constant 0 : i32
    %dma_wait3A_526 = tpu.memref_slice %dma_wait3A_524[%dma_wait3A_525] : memref<100000xf32, #tpu.memory_space<hbm>> -> memref<100000xf32, #tpu.memory_space<hbm>>
    tpu.wait_indirect_dma semaphore(%arg22 : memref<!tpu.dma_semaphore, #tpu.memory_space<semaphore_mem>>) src(%dma_wait3A_526 : memref<100000xf32, #tpu.memory_space<hbm>>) dst(%dma_wait3A_522 : memref<512xf32, #tpu.memory_space<vmem>>)
    %dma_wait3A_527 = arith.constant 3072 : i32
    %dma_wait3A_528 = tpu.memref_slice %arg19[%dma_wait3A_527] : memref<8192xf32, #tpu.memory_space<vmem>> -> memref<512xf32, #tpu.memory_space<vmem>>
    %dma_wait3A_529 = arith.constant 600000 : i32
    %dma_wait3A_530 = tpu.memref_slice %arg6[%dma_wait3A_529] : memref<1600000xf32, #tpu.memory_space<hbm>> -> memref<100000xf32, #tpu.memory_space<hbm>>
    %dma_wait3A_531 = arith.constant 0 : i32
    %dma_wait3A_532 = tpu.memref_slice %dma_wait3A_530[%dma_wait3A_531] : memref<100000xf32, #tpu.memory_space<hbm>> -> memref<100000xf32, #tpu.memory_space<hbm>>
    tpu.wait_indirect_dma semaphore(%arg22 : memref<!tpu.dma_semaphore, #tpu.memory_space<semaphore_mem>>) src(%dma_wait3A_532 : memref<100000xf32, #tpu.memory_space<hbm>>) dst(%dma_wait3A_528 : memref<512xf32, #tpu.memory_space<vmem>>)
    %dma_wait3A_533 = arith.constant 3584 : i32
    %dma_wait3A_534 = tpu.memref_slice %arg19[%dma_wait3A_533] : memref<8192xf32, #tpu.memory_space<vmem>> -> memref<512xf32, #tpu.memory_space<vmem>>
    %dma_wait3A_535 = arith.constant 700000 : i32
    %dma_wait3A_536 = tpu.memref_slice %arg6[%dma_wait3A_535] : memref<1600000xf32, #tpu.memory_space<hbm>> -> memref<100000xf32, #tpu.memory_space<hbm>>
    %dma_wait3A_537 = arith.constant 0 : i32
    %dma_wait3A_538 = tpu.memref_slice %dma_wait3A_536[%dma_wait3A_537] : memref<100000xf32, #tpu.memory_space<hbm>> -> memref<100000xf32, #tpu.memory_space<hbm>>
    tpu.wait_indirect_dma semaphore(%arg22 : memref<!tpu.dma_semaphore, #tpu.memory_space<semaphore_mem>>) src(%dma_wait3A_538 : memref<100000xf32, #tpu.memory_space<hbm>>) dst(%dma_wait3A_534 : memref<512xf32, #tpu.memory_space<vmem>>)
    %dma_wait3A_539 = arith.constant 4096 : i32
    %dma_wait3A_540 = tpu.memref_slice %arg19[%dma_wait3A_539] : memref<8192xf32, #tpu.memory_space<vmem>> -> memref<512xf32, #tpu.memory_space<vmem>>
    %dma_wait3A_541 = arith.constant 800000 : i32
    %dma_wait3A_542 = tpu.memref_slice %arg6[%dma_wait3A_541] : memref<1600000xf32, #tpu.memory_space<hbm>> -> memref<100000xf32, #tpu.memory_space<hbm>>
    %dma_wait3A_543 = arith.constant 0 : i32
    %dma_wait3A_544 = tpu.memref_slice %dma_wait3A_542[%dma_wait3A_543] : memref<100000xf32, #tpu.memory_space<hbm>> -> memref<100000xf32, #tpu.memory_space<hbm>>
    tpu.wait_indirect_dma semaphore(%arg22 : memref<!tpu.dma_semaphore, #tpu.memory_space<semaphore_mem>>) src(%dma_wait3A_544 : memref<100000xf32, #tpu.memory_space<hbm>>) dst(%dma_wait3A_540 : memref<512xf32, #tpu.memory_space<vmem>>)
    %dma_wait3A_545 = arith.constant 4608 : i32
    %dma_wait3A_546 = tpu.memref_slice %arg19[%dma_wait3A_545] : memref<8192xf32, #tpu.memory_space<vmem>> -> memref<512xf32, #tpu.memory_space<vmem>>
    %dma_wait3A_547 = arith.constant 900000 : i32
    %dma_wait3A_548 = tpu.memref_slice %arg6[%dma_wait3A_547] : memref<1600000xf32, #tpu.memory_space<hbm>> -> memref<100000xf32, #tpu.memory_space<hbm>>
    %dma_wait3A_549 = arith.constant 0 : i32
    %dma_wait3A_550 = tpu.memref_slice %dma_wait3A_548[%dma_wait3A_549] : memref<100000xf32, #tpu.memory_space<hbm>> -> memref<100000xf32, #tpu.memory_space<hbm>>
    tpu.wait_indirect_dma semaphore(%arg22 : memref<!tpu.dma_semaphore, #tpu.memory_space<semaphore_mem>>) src(%dma_wait3A_550 : memref<100000xf32, #tpu.memory_space<hbm>>) dst(%dma_wait3A_546 : memref<512xf32, #tpu.memory_space<vmem>>)
    %dma_wait3A_551 = arith.constant 5120 : i32
    %dma_wait3A_552 = tpu.memref_slice %arg19[%dma_wait3A_551] : memref<8192xf32, #tpu.memory_space<vmem>> -> memref<512xf32, #tpu.memory_space<vmem>>
    %dma_wait3A_553 = arith.constant 1000000 : i32
    %dma_wait3A_554 = tpu.memref_slice %arg6[%dma_wait3A_553] : memref<1600000xf32, #tpu.memory_space<hbm>> -> memref<100000xf32, #tpu.memory_space<hbm>>
    %dma_wait3A_555 = arith.constant 0 : i32
    %dma_wait3A_556 = tpu.memref_slice %dma_wait3A_554[%dma_wait3A_555] : memref<100000xf32, #tpu.memory_space<hbm>> -> memref<100000xf32, #tpu.memory_space<hbm>>
    tpu.wait_indirect_dma semaphore(%arg22 : memref<!tpu.dma_semaphore, #tpu.memory_space<semaphore_mem>>) src(%dma_wait3A_556 : memref<100000xf32, #tpu.memory_space<hbm>>) dst(%dma_wait3A_552 : memref<512xf32, #tpu.memory_space<vmem>>)
    %dma_wait3A_557 = arith.constant 5632 : i32
    %dma_wait3A_558 = tpu.memref_slice %arg19[%dma_wait3A_557] : memref<8192xf32, #tpu.memory_space<vmem>> -> memref<512xf32, #tpu.memory_space<vmem>>
    %dma_wait3A_559 = arith.constant 1100000 : i32
    %dma_wait3A_560 = tpu.memref_slice %arg6[%dma_wait3A_559] : memref<1600000xf32, #tpu.memory_space<hbm>> -> memref<100000xf32, #tpu.memory_space<hbm>>
    %dma_wait3A_561 = arith.constant 0 : i32
    %dma_wait3A_562 = tpu.memref_slice %dma_wait3A_560[%dma_wait3A_561] : memref<100000xf32, #tpu.memory_space<hbm>> -> memref<100000xf32, #tpu.memory_space<hbm>>
    tpu.wait_indirect_dma semaphore(%arg22 : memref<!tpu.dma_semaphore, #tpu.memory_space<semaphore_mem>>) src(%dma_wait3A_562 : memref<100000xf32, #tpu.memory_space<hbm>>) dst(%dma_wait3A_558 : memref<512xf32, #tpu.memory_space<vmem>>)
    %dma_wait3A_563 = arith.constant 6144 : i32
    %dma_wait3A_564 = tpu.memref_slice %arg19[%dma_wait3A_563] : memref<8192xf32, #tpu.memory_space<vmem>> -> memref<512xf32, #tpu.memory_space<vmem>>
    %dma_wait3A_565 = arith.constant 1200000 : i32
    %dma_wait3A_566 = tpu.memref_slice %arg6[%dma_wait3A_565] : memref<1600000xf32, #tpu.memory_space<hbm>> -> memref<100000xf32, #tpu.memory_space<hbm>>
    %dma_wait3A_567 = arith.constant 0 : i32
    %dma_wait3A_568 = tpu.memref_slice %dma_wait3A_566[%dma_wait3A_567] : memref<100000xf32, #tpu.memory_space<hbm>> -> memref<100000xf32, #tpu.memory_space<hbm>>
    tpu.wait_indirect_dma semaphore(%arg22 : memref<!tpu.dma_semaphore, #tpu.memory_space<semaphore_mem>>) src(%dma_wait3A_568 : memref<100000xf32, #tpu.memory_space<hbm>>) dst(%dma_wait3A_564 : memref<512xf32, #tpu.memory_space<vmem>>)
    %dma_wait3A_569 = arith.constant 6656 : i32
    %dma_wait3A_570 = tpu.memref_slice %arg19[%dma_wait3A_569] : memref<8192xf32, #tpu.memory_space<vmem>> -> memref<512xf32, #tpu.memory_space<vmem>>
    %dma_wait3A_571 = arith.constant 1300000 : i32
    %dma_wait3A_572 = tpu.memref_slice %arg6[%dma_wait3A_571] : memref<1600000xf32, #tpu.memory_space<hbm>> -> memref<100000xf32, #tpu.memory_space<hbm>>
    %dma_wait3A_573 = arith.constant 0 : i32
    %dma_wait3A_574 = tpu.memref_slice %dma_wait3A_572[%dma_wait3A_573] : memref<100000xf32, #tpu.memory_space<hbm>> -> memref<100000xf32, #tpu.memory_space<hbm>>
    tpu.wait_indirect_dma semaphore(%arg22 : memref<!tpu.dma_semaphore, #tpu.memory_space<semaphore_mem>>) src(%dma_wait3A_574 : memref<100000xf32, #tpu.memory_space<hbm>>) dst(%dma_wait3A_570 : memref<512xf32, #tpu.memory_space<vmem>>)
    %dma_wait3A_575 = arith.constant 7168 : i32
    %dma_wait3A_576 = tpu.memref_slice %arg19[%dma_wait3A_575] : memref<8192xf32, #tpu.memory_space<vmem>> -> memref<512xf32, #tpu.memory_space<vmem>>
    %dma_wait3A_577 = arith.constant 1400000 : i32
    %dma_wait3A_578 = tpu.memref_slice %arg6[%dma_wait3A_577] : memref<1600000xf32, #tpu.memory_space<hbm>> -> memref<100000xf32, #tpu.memory_space<hbm>>
    %dma_wait3A_579 = arith.constant 0 : i32
    %dma_wait3A_580 = tpu.memref_slice %dma_wait3A_578[%dma_wait3A_579] : memref<100000xf32, #tpu.memory_space<hbm>> -> memref<100000xf32, #tpu.memory_space<hbm>>
    tpu.wait_indirect_dma semaphore(%arg22 : memref<!tpu.dma_semaphore, #tpu.memory_space<semaphore_mem>>) src(%dma_wait3A_580 : memref<100000xf32, #tpu.memory_space<hbm>>) dst(%dma_wait3A_576 : memref<512xf32, #tpu.memory_space<vmem>>)
    %dma_wait3A_581 = arith.constant 7680 : i32
    %dma_wait3A_582 = tpu.memref_slice %arg19[%dma_wait3A_581] : memref<8192xf32, #tpu.memory_space<vmem>> -> memref<512xf32, #tpu.memory_space<vmem>>
    %dma_wait3A_583 = arith.constant 1500000 : i32
    %dma_wait3A_584 = tpu.memref_slice %arg6[%dma_wait3A_583] : memref<1600000xf32, #tpu.memory_space<hbm>> -> memref<100000xf32, #tpu.memory_space<hbm>>
    %dma_wait3A_585 = arith.constant 0 : i32
    %dma_wait3A_586 = tpu.memref_slice %dma_wait3A_584[%dma_wait3A_585] : memref<100000xf32, #tpu.memory_space<hbm>> -> memref<100000xf32, #tpu.memory_space<hbm>>
    tpu.wait_indirect_dma semaphore(%arg22 : memref<!tpu.dma_semaphore, #tpu.memory_space<semaphore_mem>>) src(%dma_wait3A_586 : memref<100000xf32, #tpu.memory_space<hbm>>) dst(%dma_wait3A_582 : memref<512xf32, #tpu.memory_space<vmem>>)
    %dma_wait3A_587 = arith.constant 0 : i32
    %dma_wait3A_588 = tpu.memref_slice %arg7[%dma_wait3A_587] : memref<1000000xf32, #tpu.memory_space<hbm>> -> memref<1000000xf32, #tpu.memory_space<hbm>>
    tpu.wait_indirect_dma semaphore(%arg22 : memref<!tpu.dma_semaphore, #tpu.memory_space<semaphore_mem>>) src(%dma_wait3A_588 : memref<1000000xf32, #tpu.memory_space<hbm>>) dst(%arg20 : memref<512xf32, #tpu.memory_space<vmem>>)
    %dma_wait3A_589 = arith.constant 0 : i32
    %dma_wait3A_590 = tpu.memref_slice %arg8[%dma_wait3A_589] : memref<100000xf32, #tpu.memory_space<hbm>> -> memref<100000xf32, #tpu.memory_space<hbm>>
    tpu.wait_indirect_dma semaphore(%arg22 : memref<!tpu.dma_semaphore, #tpu.memory_space<semaphore_mem>>) src(%dma_wait3A_590 : memref<100000xf32, #tpu.memory_space<hbm>>) dst(%arg21 : memref<512xf32, #tpu.memory_space<vmem>>)
    %iota3A = tpu.iota {dimensions = array<i32: 0>} : vector<16xi32>
    %broadcast_in_dim3A = arith.constant 0 : i32
    %broadcast_in_dim3A_591 = vector.broadcast %broadcast_in_dim3A : i32 to vector<16xi32>
    %broadcast_in_dim3A_592 = arith.constant 1 : i32
    %broadcast_in_dim3A_593 = vector.broadcast %broadcast_in_dim3A_592 : i32 to vector<16xi32>
    %broadcast_in_dim3A_594 = arith.constant 2 : i32
    %broadcast_in_dim3A_595 = vector.broadcast %broadcast_in_dim3A_594 : i32 to vector<16xi32>
    %broadcast_in_dim3A_596 = arith.constant 3 : i32
    %broadcast_in_dim3A_597 = vector.broadcast %broadcast_in_dim3A_596 : i32 to vector<16xi32>
    %broadcast_in_dim3A_598 = arith.constant 4 : i32
    %broadcast_in_dim3A_599 = vector.broadcast %broadcast_in_dim3A_598 : i32 to vector<16xi32>
    %broadcast_in_dim3A_600 = arith.constant 5 : i32
    %broadcast_in_dim3A_601 = vector.broadcast %broadcast_in_dim3A_600 : i32 to vector<16xi32>
    %broadcast_in_dim3A_602 = arith.constant 6 : i32
    %broadcast_in_dim3A_603 = vector.broadcast %broadcast_in_dim3A_602 : i32 to vector<16xi32>
    %broadcast_in_dim3A_604 = arith.constant 7 : i32
    %broadcast_in_dim3A_605 = vector.broadcast %broadcast_in_dim3A_604 : i32 to vector<16xi32>
    %broadcast_in_dim3A_606 = arith.constant 8 : i32
    %broadcast_in_dim3A_607 = vector.broadcast %broadcast_in_dim3A_606 : i32 to vector<16xi32>
    %broadcast_in_dim3A_608 = arith.constant 9 : i32
    %broadcast_in_dim3A_609 = vector.broadcast %broadcast_in_dim3A_608 : i32 to vector<16xi32>
    %broadcast_in_dim3A_610 = arith.constant 10 : i32
    %broadcast_in_dim3A_611 = vector.broadcast %broadcast_in_dim3A_610 : i32 to vector<16xi32>
    %broadcast_in_dim3A_612 = arith.constant 11 : i32
    %broadcast_in_dim3A_613 = vector.broadcast %broadcast_in_dim3A_612 : i32 to vector<16xi32>
    %broadcast_in_dim3A_614 = arith.constant 12 : i32
    %broadcast_in_dim3A_615 = vector.broadcast %broadcast_in_dim3A_614 : i32 to vector<16xi32>
    %broadcast_in_dim3A_616 = arith.constant 13 : i32
    %broadcast_in_dim3A_617 = vector.broadcast %broadcast_in_dim3A_616 : i32 to vector<16xi32>
    %broadcast_in_dim3A_618 = arith.constant 14 : i32
    %broadcast_in_dim3A_619 = vector.broadcast %broadcast_in_dim3A_618 : i32 to vector<16xi32>
    %broadcast_in_dim3A_620 = arith.constant 15 : i32
    %broadcast_in_dim3A_621 = vector.broadcast %broadcast_in_dim3A_620 : i32 to vector<16xi32>
    %broadcast_in_dim3A_622 = arith.constant 16 : i32
    %broadcast_in_dim3A_623 = vector.broadcast %broadcast_in_dim3A_622 : i32 to vector<16xi32>
    %broadcast_in_dim3A_624 = arith.constant 17 : i32
    %broadcast_in_dim3A_625 = vector.broadcast %broadcast_in_dim3A_624 : i32 to vector<16xi32>
    %broadcast_in_dim3A_626 = arith.constant 18 : i32
    %broadcast_in_dim3A_627 = vector.broadcast %broadcast_in_dim3A_626 : i32 to vector<16xi32>
    %broadcast_in_dim3A_628 = arith.constant 19 : i32
    %broadcast_in_dim3A_629 = vector.broadcast %broadcast_in_dim3A_628 : i32 to vector<16xi32>
    %broadcast_in_dim3A_630 = arith.constant 20 : i32
    %broadcast_in_dim3A_631 = vector.broadcast %broadcast_in_dim3A_630 : i32 to vector<16xi32>
    %broadcast_in_dim3A_632 = arith.constant 21 : i32
    %broadcast_in_dim3A_633 = vector.broadcast %broadcast_in_dim3A_632 : i32 to vector<16xi32>
    %broadcast_in_dim3A_634 = arith.constant 22 : i32
    %broadcast_in_dim3A_635 = vector.broadcast %broadcast_in_dim3A_634 : i32 to vector<16xi32>
    %broadcast_in_dim3A_636 = arith.constant 23 : i32
    %broadcast_in_dim3A_637 = vector.broadcast %broadcast_in_dim3A_636 : i32 to vector<16xi32>
    %broadcast_in_dim3A_638 = arith.constant 24 : i32
    %broadcast_in_dim3A_639 = vector.broadcast %broadcast_in_dim3A_638 : i32 to vector<16xi32>
    %broadcast_in_dim3A_640 = arith.constant 25 : i32
    %broadcast_in_dim3A_641 = vector.broadcast %broadcast_in_dim3A_640 : i32 to vector<16xi32>
    %broadcast_in_dim3A_642 = arith.constant 26 : i32
    %broadcast_in_dim3A_643 = vector.broadcast %broadcast_in_dim3A_642 : i32 to vector<16xi32>
    %broadcast_in_dim3A_644 = arith.constant 27 : i32
    %broadcast_in_dim3A_645 = vector.broadcast %broadcast_in_dim3A_644 : i32 to vector<16xi32>
    %broadcast_in_dim3A_646 = arith.constant 28 : i32
    %broadcast_in_dim3A_647 = vector.broadcast %broadcast_in_dim3A_646 : i32 to vector<16xi32>
    %broadcast_in_dim3A_648 = arith.constant 29 : i32
    %broadcast_in_dim3A_649 = vector.broadcast %broadcast_in_dim3A_648 : i32 to vector<16xi32>
    %broadcast_in_dim3A_650 = arith.constant 30 : i32
    %broadcast_in_dim3A_651 = vector.broadcast %broadcast_in_dim3A_650 : i32 to vector<16xi32>
    %broadcast_in_dim3A_652 = arith.constant 31 : i32
    %broadcast_in_dim3A_653 = vector.broadcast %broadcast_in_dim3A_652 : i32 to vector<16xi32>
    %scan3A = arith.constant 0 : i32
    %scan3A_654 = arith.constant 0 : i32
    %scan3A_655 = arith.constant 32 : i32
    %scan3A_656 = arith.addi %scan3A_654, %scan3A_655 : i32
    %scan3A_657 = arith.constant 1 : i32
    scf.for %scan3A_665 = %scan3A_654 to %scan3A_656 step %scan3A_657  : i32 {
      %mul3A_666 = arith.constant 16 : i32
      %mul3A_667 = arith.muli %scan3A_665, %mul3A_666 : i32
      %add3A_668 = vector.broadcast %mul3A_667 : i32 to vector<16xi32>
      %add3A_669 = arith.addi %iota3A, %add3A_668 : vector<16xi32>
      %gather3A = tpu.vector_load_idx %arg16[%add3A_669, %broadcast_in_dim3A_591] : memref<512x32xf32, #tpu.memory_space<vmem>>[vector<16xi32>, vector<16xi32>], vector<16xf32>,
      %mul3A_670 = arith.constant 16 : i32
      %mul3A_671 = arith.muli %scan3A_665, %mul3A_670 : i32
      %add3A_672 = arith.constant 0 : i32
      %add3A_673 = arith.addi %add3A_672, %mul3A_671 : i32
      %swap3A = arith.index_cast %add3A_673 : i32 to index
      %swap3A_674 = tpu.vector_load %arg17[%swap3A] {strides = array<i32>} : memref<16384xf32, #tpu.memory_space<vmem>>, vector<16xf32>,
      tpu.vector_store %arg17[%swap3A], %gather3A {strides = array<i32>} : memref<16384xf32, #tpu.memory_space<vmem>>, vector<16xf32>,
      %gather3A_675 = tpu.vector_load_idx %arg16[%add3A_669, %broadcast_in_dim3A_593] : memref<512x32xf32, #tpu.memory_space<vmem>>[vector<16xi32>, vector<16xi32>], vector<16xf32>,
      %mul3A_676 = arith.constant 16 : i32
      %mul3A_677 = arith.muli %scan3A_665, %mul3A_676 : i32
      %add3A_678 = arith.constant 512 : i32
      %add3A_679 = arith.addi %add3A_678, %mul3A_677 : i32
      %swap3A_680 = arith.index_cast %add3A_679 : i32 to index
      %swap3A_681 = tpu.vector_load %arg17[%swap3A_680] {strides = array<i32>} : memref<16384xf32, #tpu.memory_space<vmem>>, vector<16xf32>,
      tpu.vector_store %arg17[%swap3A_680], %gather3A_675 {strides = array<i32>} : memref<16384xf32, #tpu.memory_space<vmem>>, vector<16xf32>,
      %gather3A_682 = tpu.vector_load_idx %arg16[%add3A_669, %broadcast_in_dim3A_595] : memref<512x32xf32, #tpu.memory_space<vmem>>[vector<16xi32>, vector<16xi32>], vector<16xf32>,
      %mul3A_683 = arith.constant 16 : i32
      %mul3A_684 = arith.muli %scan3A_665, %mul3A_683 : i32
      %add3A_685 = arith.constant 1024 : i32
      %add3A_686 = arith.addi %add3A_685, %mul3A_684 : i32
      %swap3A_687 = arith.index_cast %add3A_686 : i32 to index
      %swap3A_688 = tpu.vector_load %arg17[%swap3A_687] {strides = array<i32>} : memref<16384xf32, #tpu.memory_space<vmem>>, vector<16xf32>,
      tpu.vector_store %arg17[%swap3A_687], %gather3A_682 {strides = array<i32>} : memref<16384xf32, #tpu.memory_space<vmem>>, vector<16xf32>,
      %gather3A_689 = tpu.vector_load_idx %arg16[%add3A_669, %broadcast_in_dim3A_597] : memref<512x32xf32, #tpu.memory_space<vmem>>[vector<16xi32>, vector<16xi32>], vector<16xf32>,
      %mul3A_690 = arith.constant 16 : i32
      %mul3A_691 = arith.muli %scan3A_665, %mul3A_690 : i32
      %add3A_692 = arith.constant 1536 : i32
      %add3A_693 = arith.addi %add3A_692, %mul3A_691 : i32
      %swap3A_694 = arith.index_cast %add3A_693 : i32 to index
      %swap3A_695 = tpu.vector_load %arg17[%swap3A_694] {strides = array<i32>} : memref<16384xf32, #tpu.memory_space<vmem>>, vector<16xf32>,
      tpu.vector_store %arg17[%swap3A_694], %gather3A_689 {strides = array<i32>} : memref<16384xf32, #tpu.memory_space<vmem>>, vector<16xf32>,
      %gather3A_696 = tpu.vector_load_idx %arg16[%add3A_669, %broadcast_in_dim3A_599] : memref<512x32xf32, #tpu.memory_space<vmem>>[vector<16xi32>, vector<16xi32>], vector<16xf32>,
      %mul3A_697 = arith.constant 16 : i32
      %mul3A_698 = arith.muli %scan3A_665, %mul3A_697 : i32
      %add3A_699 = arith.constant 2048 : i32
      %add3A_700 = arith.addi %add3A_699, %mul3A_698 : i32
      %swap3A_701 = arith.index_cast %add3A_700 : i32 to index
      %swap3A_702 = tpu.vector_load %arg17[%swap3A_701] {strides = array<i32>} : memref<16384xf32, #tpu.memory_space<vmem>>, vector<16xf32>,
      tpu.vector_store %arg17[%swap3A_701], %gather3A_696 {strides = array<i32>} : memref<16384xf32, #tpu.memory_space<vmem>>, vector<16xf32>,
      %gather3A_703 = tpu.vector_load_idx %arg16[%add3A_669, %broadcast_in_dim3A_601] : memref<512x32xf32, #tpu.memory_space<vmem>>[vector<16xi32>, vector<16xi32>], vector<16xf32>,
      %mul3A_704 = arith.constant 16 : i32
      %mul3A_705 = arith.muli %scan3A_665, %mul3A_704 : i32
      %add3A_706 = arith.constant 2560 : i32
      %add3A_707 = arith.addi %add3A_706, %mul3A_705 : i32
      %swap3A_708 = arith.index_cast %add3A_707 : i32 to index
      %swap3A_709 = tpu.vector_load %arg17[%swap3A_708] {strides = array<i32>} : memref<16384xf32, #tpu.memory_space<vmem>>, vector<16xf32>,
      tpu.vector_store %arg17[%swap3A_708], %gather3A_703 {strides = array<i32>} : memref<16384xf32, #tpu.memory_space<vmem>>, vector<16xf32>,
      %gather3A_710 = tpu.vector_load_idx %arg16[%add3A_669, %broadcast_in_dim3A_603] : memref<512x32xf32, #tpu.memory_space<vmem>>[vector<16xi32>, vector<16xi32>], vector<16xf32>,
      %mul3A_711 = arith.constant 16 : i32
      %mul3A_712 = arith.muli %scan3A_665, %mul3A_711 : i32
      %add3A_713 = arith.constant 3072 : i32
      %add3A_714 = arith.addi %add3A_713, %mul3A_712 : i32
      %swap3A_715 = arith.index_cast %add3A_714 : i32 to index
      %swap3A_716 = tpu.vector_load %arg17[%swap3A_715] {strides = array<i32>} : memref<16384xf32, #tpu.memory_space<vmem>>, vector<16xf32>,
      tpu.vector_store %arg17[%swap3A_715], %gather3A_710 {strides = array<i32>} : memref<16384xf32, #tpu.memory_space<vmem>>, vector<16xf32>,
      %gather3A_717 = tpu.vector_load_idx %arg16[%add3A_669, %broadcast_in_dim3A_605] : memref<512x32xf32, #tpu.memory_space<vmem>>[vector<16xi32>, vector<16xi32>], vector<16xf32>,
      %mul3A_718 = arith.constant 16 : i32
      %mul3A_719 = arith.muli %scan3A_665, %mul3A_718 : i32
      %add3A_720 = arith.constant 3584 : i32
      %add3A_721 = arith.addi %add3A_720, %mul3A_719 : i32
      %swap3A_722 = arith.index_cast %add3A_721 : i32 to index
      %swap3A_723 = tpu.vector_load %arg17[%swap3A_722] {strides = array<i32>} : memref<16384xf32, #tpu.memory_space<vmem>>, vector<16xf32>,
      tpu.vector_store %arg17[%swap3A_722], %gather3A_717 {strides = array<i32>} : memref<16384xf32, #tpu.memory_space<vmem>>, vector<16xf32>,
      %gather3A_724 = tpu.vector_load_idx %arg16[%add3A_669, %broadcast_in_dim3A_607] : memref<512x32xf32, #tpu.memory_space<vmem>>[vector<16xi32>, vector<16xi32>], vector<16xf32>,
      %mul3A_725 = arith.constant 16 : i32
      %mul3A_726 = arith.muli %scan3A_665, %mul3A_725 : i32
      %add3A_727 = arith.constant 4096 : i32
      %add3A_728 = arith.addi %add3A_727, %mul3A_726 : i32
      %swap3A_729 = arith.index_cast %add3A_728 : i32 to index
      %swap3A_730 = tpu.vector_load %arg17[%swap3A_729] {strides = array<i32>} : memref<16384xf32, #tpu.memory_space<vmem>>, vector<16xf32>,
      tpu.vector_store %arg17[%swap3A_729], %gather3A_724 {strides = array<i32>} : memref<16384xf32, #tpu.memory_space<vmem>>, vector<16xf32>,
      %gather3A_731 = tpu.vector_load_idx %arg16[%add3A_669, %broadcast_in_dim3A_609] : memref<512x32xf32, #tpu.memory_space<vmem>>[vector<16xi32>, vector<16xi32>], vector<16xf32>,
      %mul3A_732 = arith.constant 16 : i32
      %mul3A_733 = arith.muli %scan3A_665, %mul3A_732 : i32
      %add3A_734 = arith.constant 4608 : i32
      %add3A_735 = arith.addi %add3A_734, %mul3A_733 : i32
      %swap3A_736 = arith.index_cast %add3A_735 : i32 to index
      %swap3A_737 = tpu.vector_load %arg17[%swap3A_736] {strides = array<i32>} : memref<16384xf32, #tpu.memory_space<vmem>>, vector<16xf32>,
      tpu.vector_store %arg17[%swap3A_736], %gather3A_731 {strides = array<i32>} : memref<16384xf32, #tpu.memory_space<vmem>>, vector<16xf32>,
      %gather3A_738 = tpu.vector_load_idx %arg16[%add3A_669, %broadcast_in_dim3A_611] : memref<512x32xf32, #tpu.memory_space<vmem>>[vector<16xi32>, vector<16xi32>], vector<16xf32>,
      %mul3A_739 = arith.constant 16 : i32
      %mul3A_740 = arith.muli %scan3A_665, %mul3A_739 : i32
      %add3A_741 = arith.constant 5120 : i32
      %add3A_742 = arith.addi %add3A_741, %mul3A_740 : i32
      %swap3A_743 = arith.index_cast %add3A_742 : i32 to index
      %swap3A_744 = tpu.vector_load %arg17[%swap3A_743] {strides = array<i32>} : memref<16384xf32, #tpu.memory_space<vmem>>, vector<16xf32>,
      tpu.vector_store %arg17[%swap3A_743], %gather3A_738 {strides = array<i32>} : memref<16384xf32, #tpu.memory_space<vmem>>, vector<16xf32>,
      %gather3A_745 = tpu.vector_load_idx %arg16[%add3A_669, %broadcast_in_dim3A_613] : memref<512x32xf32, #tpu.memory_space<vmem>>[vector<16xi32>, vector<16xi32>], vector<16xf32>,
      %mul3A_746 = arith.constant 16 : i32
      %mul3A_747 = arith.muli %scan3A_665, %mul3A_746 : i32
      %add3A_748 = arith.constant 5632 : i32
      %add3A_749 = arith.addi %add3A_748, %mul3A_747 : i32
      %swap3A_750 = arith.index_cast %add3A_749 : i32 to index
      %swap3A_751 = tpu.vector_load %arg17[%swap3A_750] {strides = array<i32>} : memref<16384xf32, #tpu.memory_space<vmem>>, vector<16xf32>,
      tpu.vector_store %arg17[%swap3A_750], %gather3A_745 {strides = array<i32>} : memref<16384xf32, #tpu.memory_space<vmem>>, vector<16xf32>,
      %gather3A_752 = tpu.vector_load_idx %arg16[%add3A_669, %broadcast_in_dim3A_615] : memref<512x32xf32, #tpu.memory_space<vmem>>[vector<16xi32>, vector<16xi32>], vector<16xf32>,
      %mul3A_753 = arith.constant 16 : i32
      %mul3A_754 = arith.muli %scan3A_665, %mul3A_753 : i32
      %add3A_755 = arith.constant 6144 : i32
      %add3A_756 = arith.addi %add3A_755, %mul3A_754 : i32
      %swap3A_757 = arith.index_cast %add3A_756 : i32 to index
      %swap3A_758 = tpu.vector_load %arg17[%swap3A_757] {strides = array<i32>} : memref<16384xf32, #tpu.memory_space<vmem>>, vector<16xf32>,
      tpu.vector_store %arg17[%swap3A_757], %gather3A_752 {strides = array<i32>} : memref<16384xf32, #tpu.memory_space<vmem>>, vector<16xf32>,
      %gather3A_759 = tpu.vector_load_idx %arg16[%add3A_669, %broadcast_in_dim3A_617] : memref<512x32xf32, #tpu.memory_space<vmem>>[vector<16xi32>, vector<16xi32>], vector<16xf32>,
      %mul3A_760 = arith.constant 16 : i32
      %mul3A_761 = arith.muli %scan3A_665, %mul3A_760 : i32
      %add3A_762 = arith.constant 6656 : i32
      %add3A_763 = arith.addi %add3A_762, %mul3A_761 : i32
      %swap3A_764 = arith.index_cast %add3A_763 : i32 to index
      %swap3A_765 = tpu.vector_load %arg17[%swap3A_764] {strides = array<i32>} : memref<16384xf32, #tpu.memory_space<vmem>>, vector<16xf32>,
      tpu.vector_store %arg17[%swap3A_764], %gather3A_759 {strides = array<i32>} : memref<16384xf32, #tpu.memory_space<vmem>>, vector<16xf32>,
      %gather3A_766 = tpu.vector_load_idx %arg16[%add3A_669, %broadcast_in_dim3A_619] : memref<512x32xf32, #tpu.memory_space<vmem>>[vector<16xi32>, vector<16xi32>], vector<16xf32>,
      %mul3A_767 = arith.constant 16 : i32
      %mul3A_768 = arith.muli %scan3A_665, %mul3A_767 : i32
      %add3A_769 = arith.constant 7168 : i32
      %add3A_770 = arith.addi %add3A_769, %mul3A_768 : i32
      %swap3A_771 = arith.index_cast %add3A_770 : i32 to index
      %swap3A_772 = tpu.vector_load %arg17[%swap3A_771] {strides = array<i32>} : memref<16384xf32, #tpu.memory_space<vmem>>, vector<16xf32>,
      tpu.vector_store %arg17[%swap3A_771], %gather3A_766 {strides = array<i32>} : memref<16384xf32, #tpu.memory_space<vmem>>, vector<16xf32>,
      %gather3A_773 = tpu.vector_load_idx %arg16[%add3A_669, %broadcast_in_dim3A_621] : memref<512x32xf32, #tpu.memory_space<vmem>>[vector<16xi32>, vector<16xi32>], vector<16xf32>,
      %mul3A_774 = arith.constant 16 : i32
      %mul3A_775 = arith.muli %scan3A_665, %mul3A_774 : i32
      %add3A_776 = arith.constant 7680 : i32
      %add3A_777 = arith.addi %add3A_776, %mul3A_775 : i32
      %swap3A_778 = arith.index_cast %add3A_777 : i32 to index
      %swap3A_779 = tpu.vector_load %arg17[%swap3A_778] {strides = array<i32>} : memref<16384xf32, #tpu.memory_space<vmem>>, vector<16xf32>,
      tpu.vector_store %arg17[%swap3A_778], %gather3A_773 {strides = array<i32>} : memref<16384xf32, #tpu.memory_space<vmem>>, vector<16xf32>,
      %gather3A_780 = tpu.vector_load_idx %arg16[%add3A_669, %broadcast_in_dim3A_623] : memref<512x32xf32, #tpu.memory_space<vmem>>[vector<16xi32>, vector<16xi32>], vector<16xf32>,
      %mul3A_781 = arith.constant 16 : i32
      %mul3A_782 = arith.muli %scan3A_665, %mul3A_781 : i32
      %add3A_783 = arith.constant 8192 : i32
      %add3A_784 = arith.addi %add3A_783, %mul3A_782 : i32
      %swap3A_785 = arith.index_cast %add3A_784 : i32 to index
      %swap3A_786 = tpu.vector_load %arg17[%swap3A_785] {strides = array<i32>} : memref<16384xf32, #tpu.memory_space<vmem>>, vector<16xf32>,
      tpu.vector_store %arg17[%swap3A_785], %gather3A_780 {strides = array<i32>} : memref<16384xf32, #tpu.memory_space<vmem>>, vector<16xf32>,
      %gather3A_787 = tpu.vector_load_idx %arg16[%add3A_669, %broadcast_in_dim3A_625] : memref<512x32xf32, #tpu.memory_space<vmem>>[vector<16xi32>, vector<16xi32>], vector<16xf32>,
      %mul3A_788 = arith.constant 16 : i32
      %mul3A_789 = arith.muli %scan3A_665, %mul3A_788 : i32
      %add3A_790 = arith.constant 8704 : i32
      %add3A_791 = arith.addi %add3A_790, %mul3A_789 : i32
      %swap3A_792 = arith.index_cast %add3A_791 : i32 to index
      %swap3A_793 = tpu.vector_load %arg17[%swap3A_792] {strides = array<i32>} : memref<16384xf32, #tpu.memory_space<vmem>>, vector<16xf32>,
      tpu.vector_store %arg17[%swap3A_792], %gather3A_787 {strides = array<i32>} : memref<16384xf32, #tpu.memory_space<vmem>>, vector<16xf32>,
      %gather3A_794 = tpu.vector_load_idx %arg16[%add3A_669, %broadcast_in_dim3A_627] : memref<512x32xf32, #tpu.memory_space<vmem>>[vector<16xi32>, vector<16xi32>], vector<16xf32>,
      %mul3A_795 = arith.constant 16 : i32
      %mul3A_796 = arith.muli %scan3A_665, %mul3A_795 : i32
      %add3A_797 = arith.constant 9216 : i32
      %add3A_798 = arith.addi %add3A_797, %mul3A_796 : i32
      %swap3A_799 = arith.index_cast %add3A_798 : i32 to index
      %swap3A_800 = tpu.vector_load %arg17[%swap3A_799] {strides = array<i32>} : memref<16384xf32, #tpu.memory_space<vmem>>, vector<16xf32>,
      tpu.vector_store %arg17[%swap3A_799], %gather3A_794 {strides = array<i32>} : memref<16384xf32, #tpu.memory_space<vmem>>, vector<16xf32>,
      %gather3A_801 = tpu.vector_load_idx %arg16[%add3A_669, %broadcast_in_dim3A_629] : memref<512x32xf32, #tpu.memory_space<vmem>>[vector<16xi32>, vector<16xi32>], vector<16xf32>,
      %mul3A_802 = arith.constant 16 : i32
      %mul3A_803 = arith.muli %scan3A_665, %mul3A_802 : i32
      %add3A_804 = arith.constant 9728 : i32
      %add3A_805 = arith.addi %add3A_804, %mul3A_803 : i32
      %swap3A_806 = arith.index_cast %add3A_805 : i32 to index
      %swap3A_807 = tpu.vector_load %arg17[%swap3A_806] {strides = array<i32>} : memref<16384xf32, #tpu.memory_space<vmem>>, vector<16xf32>,
      tpu.vector_store %arg17[%swap3A_806], %gather3A_801 {strides = array<i32>} : memref<16384xf32, #tpu.memory_space<vmem>>, vector<16xf32>,
      %gather3A_808 = tpu.vector_load_idx %arg16[%add3A_669, %broadcast_in_dim3A_631] : memref<512x32xf32, #tpu.memory_space<vmem>>[vector<16xi32>, vector<16xi32>], vector<16xf32>,
      %mul3A_809 = arith.constant 16 : i32
      %mul3A_810 = arith.muli %scan3A_665, %mul3A_809 : i32
      %add3A_811 = arith.constant 10240 : i32
      %add3A_812 = arith.addi %add3A_811, %mul3A_810 : i32
      %swap3A_813 = arith.index_cast %add3A_812 : i32 to index
      %swap3A_814 = tpu.vector_load %arg17[%swap3A_813] {strides = array<i32>} : memref<16384xf32, #tpu.memory_space<vmem>>, vector<16xf32>,
      tpu.vector_store %arg17[%swap3A_813], %gather3A_808 {strides = array<i32>} : memref<16384xf32, #tpu.memory_space<vmem>>, vector<16xf32>,
      %gather3A_815 = tpu.vector_load_idx %arg16[%add3A_669, %broadcast_in_dim3A_633] : memref<512x32xf32, #tpu.memory_space<vmem>>[vector<16xi32>, vector<16xi32>], vector<16xf32>,
      %mul3A_816 = arith.constant 16 : i32
      %mul3A_817 = arith.muli %scan3A_665, %mul3A_816 : i32
      %add3A_818 = arith.constant 10752 : i32
      %add3A_819 = arith.addi %add3A_818, %mul3A_817 : i32
      %swap3A_820 = arith.index_cast %add3A_819 : i32 to index
      %swap3A_821 = tpu.vector_load %arg17[%swap3A_820] {strides = array<i32>} : memref<16384xf32, #tpu.memory_space<vmem>>, vector<16xf32>,
      tpu.vector_store %arg17[%swap3A_820], %gather3A_815 {strides = array<i32>} : memref<16384xf32, #tpu.memory_space<vmem>>, vector<16xf32>,
      %gather3A_822 = tpu.vector_load_idx %arg16[%add3A_669, %broadcast_in_dim3A_635] : memref<512x32xf32, #tpu.memory_space<vmem>>[vector<16xi32>, vector<16xi32>], vector<16xf32>,
      %mul3A_823 = arith.constant 16 : i32
      %mul3A_824 = arith.muli %scan3A_665, %mul3A_823 : i32
      %add3A_825 = arith.constant 11264 : i32
      %add3A_826 = arith.addi %add3A_825, %mul3A_824 : i32
      %swap3A_827 = arith.index_cast %add3A_826 : i32 to index
      %swap3A_828 = tpu.vector_load %arg17[%swap3A_827] {strides = array<i32>} : memref<16384xf32, #tpu.memory_space<vmem>>, vector<16xf32>,
      tpu.vector_store %arg17[%swap3A_827], %gather3A_822 {strides = array<i32>} : memref<16384xf32, #tpu.memory_space<vmem>>, vector<16xf32>,
      %gather3A_829 = tpu.vector_load_idx %arg16[%add3A_669, %broadcast_in_dim3A_637] : memref<512x32xf32, #tpu.memory_space<vmem>>[vector<16xi32>, vector<16xi32>], vector<16xf32>,
      %mul3A_830 = arith.constant 16 : i32
      %mul3A_831 = arith.muli %scan3A_665, %mul3A_830 : i32
      %add3A_832 = arith.constant 11776 : i32
      %add3A_833 = arith.addi %add3A_832, %mul3A_831 : i32
      %swap3A_834 = arith.index_cast %add3A_833 : i32 to index
      %swap3A_835 = tpu.vector_load %arg17[%swap3A_834] {strides = array<i32>} : memref<16384xf32, #tpu.memory_space<vmem>>, vector<16xf32>,
      tpu.vector_store %arg17[%swap3A_834], %gather3A_829 {strides = array<i32>} : memref<16384xf32, #tpu.memory_space<vmem>>, vector<16xf32>,
      %gather3A_836 = tpu.vector_load_idx %arg16[%add3A_669, %broadcast_in_dim3A_639] : memref<512x32xf32, #tpu.memory_space<vmem>>[vector<16xi32>, vector<16xi32>], vector<16xf32>,
      %mul3A_837 = arith.constant 16 : i32
      %mul3A_838 = arith.muli %scan3A_665, %mul3A_837 : i32
      %add3A_839 = arith.constant 12288 : i32
      %add3A_840 = arith.addi %add3A_839, %mul3A_838 : i32
      %swap3A_841 = arith.index_cast %add3A_840 : i32 to index
      %swap3A_842 = tpu.vector_load %arg17[%swap3A_841] {strides = array<i32>} : memref<16384xf32, #tpu.memory_space<vmem>>, vector<16xf32>,
      tpu.vector_store %arg17[%swap3A_841], %gather3A_836 {strides = array<i32>} : memref<16384xf32, #tpu.memory_space<vmem>>, vector<16xf32>,
      %gather3A_843 = tpu.vector_load_idx %arg16[%add3A_669, %broadcast_in_dim3A_641] : memref<512x32xf32, #tpu.memory_space<vmem>>[vector<16xi32>, vector<16xi32>], vector<16xf32>,
      %mul3A_844 = arith.constant 16 : i32
      %mul3A_845 = arith.muli %scan3A_665, %mul3A_844 : i32
      %add3A_846 = arith.constant 12800 : i32
      %add3A_847 = arith.addi %add3A_846, %mul3A_845 : i32
      %swap3A_848 = arith.index_cast %add3A_847 : i32 to index
      %swap3A_849 = tpu.vector_load %arg17[%swap3A_848] {strides = array<i32>} : memref<16384xf32, #tpu.memory_space<vmem>>, vector<16xf32>,
      tpu.vector_store %arg17[%swap3A_848], %gather3A_843 {strides = array<i32>} : memref<16384xf32, #tpu.memory_space<vmem>>, vector<16xf32>,
      %gather3A_850 = tpu.vector_load_idx %arg16[%add3A_669, %broadcast_in_dim3A_643] : memref<512x32xf32, #tpu.memory_space<vmem>>[vector<16xi32>, vector<16xi32>], vector<16xf32>,
      %mul3A_851 = arith.constant 16 : i32
      %mul3A_852 = arith.muli %scan3A_665, %mul3A_851 : i32
      %add3A_853 = arith.constant 13312 : i32
      %add3A_854 = arith.addi %add3A_853, %mul3A_852 : i32
      %swap3A_855 = arith.index_cast %add3A_854 : i32 to index
      %swap3A_856 = tpu.vector_load %arg17[%swap3A_855] {strides = array<i32>} : memref<16384xf32, #tpu.memory_space<vmem>>, vector<16xf32>,
      tpu.vector_store %arg17[%swap3A_855], %gather3A_850 {strides = array<i32>} : memref<16384xf32, #tpu.memory_space<vmem>>, vector<16xf32>,
      %gather3A_857 = tpu.vector_load_idx %arg16[%add3A_669, %broadcast_in_dim3A_645] : memref<512x32xf32, #tpu.memory_space<vmem>>[vector<16xi32>, vector<16xi32>], vector<16xf32>,
      %mul3A_858 = arith.constant 16 : i32
      %mul3A_859 = arith.muli %scan3A_665, %mul3A_858 : i32
      %add3A_860 = arith.constant 13824 : i32
      %add3A_861 = arith.addi %add3A_860, %mul3A_859 : i32
      %swap3A_862 = arith.index_cast %add3A_861 : i32 to index
      %swap3A_863 = tpu.vector_load %arg17[%swap3A_862] {strides = array<i32>} : memref<16384xf32, #tpu.memory_space<vmem>>, vector<16xf32>,
      tpu.vector_store %arg17[%swap3A_862], %gather3A_857 {strides = array<i32>} : memref<16384xf32, #tpu.memory_space<vmem>>, vector<16xf32>,
      %gather3A_864 = tpu.vector_load_idx %arg16[%add3A_669, %broadcast_in_dim3A_647] : memref<512x32xf32, #tpu.memory_space<vmem>>[vector<16xi32>, vector<16xi32>], vector<16xf32>,
      %mul3A_865 = arith.constant 16 : i32
      %mul3A_866 = arith.muli %scan3A_665, %mul3A_865 : i32
      %add3A_867 = arith.constant 14336 : i32
      %add3A_868 = arith.addi %add3A_867, %mul3A_866 : i32
      %swap3A_869 = arith.index_cast %add3A_868 : i32 to index
      %swap3A_870 = tpu.vector_load %arg17[%swap3A_869] {strides = array<i32>} : memref<16384xf32, #tpu.memory_space<vmem>>, vector<16xf32>,
      tpu.vector_store %arg17[%swap3A_869], %gather3A_864 {strides = array<i32>} : memref<16384xf32, #tpu.memory_space<vmem>>, vector<16xf32>,
      %gather3A_871 = tpu.vector_load_idx %arg16[%add3A_669, %broadcast_in_dim3A_649] : memref<512x32xf32, #tpu.memory_space<vmem>>[vector<16xi32>, vector<16xi32>], vector<16xf32>,
      %mul3A_872 = arith.constant 16 : i32
      %mul3A_873 = arith.muli %scan3A_665, %mul3A_872 : i32
      %add3A_874 = arith.constant 14848 : i32
      %add3A_875 = arith.addi %add3A_874, %mul3A_873 : i32
      %swap3A_876 = arith.index_cast %add3A_875 : i32 to index
      %swap3A_877 = tpu.vector_load %arg17[%swap3A_876] {strides = array<i32>} : memref<16384xf32, #tpu.memory_space<vmem>>, vector<16xf32>,
      tpu.vector_store %arg17[%swap3A_876], %gather3A_871 {strides = array<i32>} : memref<16384xf32, #tpu.memory_space<vmem>>, vector<16xf32>,
      %gather3A_878 = tpu.vector_load_idx %arg16[%add3A_669, %broadcast_in_dim3A_651] : memref<512x32xf32, #tpu.memory_space<vmem>>[vector<16xi32>, vector<16xi32>], vector<16xf32>,
      %mul3A_879 = arith.constant 16 : i32
      %mul3A_880 = arith.muli %scan3A_665, %mul3A_879 : i32
      %add3A_881 = arith.constant 15360 : i32
      %add3A_882 = arith.addi %add3A_881, %mul3A_880 : i32
      %swap3A_883 = arith.index_cast %add3A_882 : i32 to index
      %swap3A_884 = tpu.vector_load %arg17[%swap3A_883] {strides = array<i32>} : memref<16384xf32, #tpu.memory_space<vmem>>, vector<16xf32>,
      tpu.vector_store %arg17[%swap3A_883], %gather3A_878 {strides = array<i32>} : memref<16384xf32, #tpu.memory_space<vmem>>, vector<16xf32>,
      %gather3A_885 = tpu.vector_load_idx %arg16[%add3A_669, %broadcast_in_dim3A_653] : memref<512x32xf32, #tpu.memory_space<vmem>>[vector<16xi32>, vector<16xi32>], vector<16xf32>,
      %mul3A_886 = arith.constant 16 : i32
      %mul3A_887 = arith.muli %scan3A_665, %mul3A_886 : i32
      %add3A_888 = arith.constant 15872 : i32
      %add3A_889 = arith.addi %add3A_888, %mul3A_887 : i32
      %swap3A_890 = arith.index_cast %add3A_889 : i32 to index
      %swap3A_891 = tpu.vector_load %arg17[%swap3A_890] {strides = array<i32>} : memref<16384xf32, #tpu.memory_space<vmem>>, vector<16xf32>,
      tpu.vector_store %arg17[%swap3A_890], %gather3A_885 {strides = array<i32>} : memref<16384xf32, #tpu.memory_space<vmem>>, vector<16xf32>,
    }
    %scan3A_658 = arith.constant 32 : i32
    %mul3A_659 = arith.constant 32 : i32
    %mul3A_660 = arith.muli %mul3A_2, %mul3A_659 : i32
    "tpu.region"() ({
      %run_scoped3A = tpu.sem_alloc : memref<!tpu.dma_semaphore, #tpu.memory_space<semaphore_mem>>
      %dma_start3A_665 = tpu.memref_slice %arg9[%mul3A_660] : memref<524288xf32, #tpu.memory_space<hbm>> -> memref<16384xf32, #tpu.memory_space<hbm>>
      %dma_start3A_666 = tpu.memref_slice %arg9[%mul3A_660] : memref<524288xf32, #tpu.memory_space<hbm>> -> memref<16384xf32, #tpu.memory_space<hbm>>
      tpu.enqueue_dma source(%arg17 : memref<16384xf32, #tpu.memory_space<vmem>>) target(%dma_start3A_666 : memref<16384xf32, #tpu.memory_space<hbm>>) target_semaphore(%run_scoped3A : memref<!tpu.dma_semaphore, #tpu.memory_space<semaphore_mem>>)
      %dma_wait3A_667 = tpu.memref_slice %arg9[%mul3A_660] : memref<524288xf32, #tpu.memory_space<hbm>> -> memref<16384xf32, #tpu.memory_space<hbm>>
      %dma_wait3A_668 = tpu.memref_slice %arg9[%mul3A_660] : memref<524288xf32, #tpu.memory_space<hbm>> -> memref<16384xf32, #tpu.memory_space<hbm>>
      tpu.wait_dma2 semaphore(%run_scoped3A : memref<!tpu.dma_semaphore, #tpu.memory_space<semaphore_mem>>) src(%arg17 : memref<16384xf32, #tpu.memory_space<vmem>>) dst(%dma_wait3A_668 : memref<16384xf32, #tpu.memory_space<hbm>>)
      tpu.yield
    }) : () -> ()
    %mul3A_661 = arith.constant 32 : i32
    %mul3A_662 = arith.muli %mul3A_2, %mul3A_661 : i32
    "tpu.region"() ({
      %run_scoped3A = tpu.sem_alloc : memref<!tpu.dma_semaphore, #tpu.memory_space<semaphore_mem>>
      %dma_start3A_665 = tpu.memref_slice %arg10[%mul3A_662] : memref<524288xf32, #tpu.memory_space<hbm>> -> memref<16384xf32, #tpu.memory_space<hbm>>
      %dma_start3A_666 = tpu.memref_slice %arg10[%mul3A_662] : memref<524288xf32, #tpu.memory_space<hbm>> -> memref<16384xf32, #tpu.memory_space<hbm>>
      tpu.enqueue_dma source(%arg18 : memref<16384xf32, #tpu.memory_space<vmem>>) target(%dma_start3A_666 : memref<16384xf32, #tpu.memory_space<hbm>>) target_semaphore(%run_scoped3A : memref<!tpu.dma_semaphore, #tpu.memory_space<semaphore_mem>>)
      %dma_wait3A_667 = tpu.memref_slice %arg10[%mul3A_662] : memref<524288xf32, #tpu.memory_space<hbm>> -> memref<16384xf32, #tpu.memory_space<hbm>>
      %dma_wait3A_668 = tpu.memref_slice %arg10[%mul3A_662] : memref<524288xf32, #tpu.memory_space<hbm>> -> memref<16384xf32, #tpu.memory_space<hbm>>
      tpu.wait_dma2 semaphore(%run_scoped3A : memref<!tpu.dma_semaphore, #tpu.memory_space<semaphore_mem>>) src(%arg18 : memref<16384xf32, #tpu.memory_space<vmem>>) dst(%dma_wait3A_668 : memref<16384xf32, #tpu.memory_space<hbm>>)
      tpu.yield
    }) : () -> ()
    %mul3A_663 = arith.constant 16 : i32
    %mul3A_664 = arith.muli %mul3A_2, %mul3A_663 : i32
    "tpu.region"() ({
      %run_scoped3A = tpu.sem_alloc : memref<!tpu.dma_semaphore, #tpu.memory_space<semaphore_mem>>
      %dma_start3A_665 = tpu.memref_slice %arg11[%mul3A_664] : memref<262144xf32, #tpu.memory_space<hbm>> -> memref<8192xf32, #tpu.memory_space<hbm>>
      %dma_start3A_666 = tpu.memref_slice %arg11[%mul3A_664] : memref<262144xf32, #tpu.memory_space<hbm>> -> memref<8192xf32, #tpu.memory_space<hbm>>
      tpu.enqueue_dma source(%arg19 : memref<8192xf32, #tpu.memory_space<vmem>>) target(%dma_start3A_666 : memref<8192xf32, #tpu.memory_space<hbm>>) target_semaphore(%run_scoped3A : memref<!tpu.dma_semaphore, #tpu.memory_space<semaphore_mem>>)
      %dma_wait3A_667 = tpu.memref_slice %arg11[%mul3A_664] : memref<262144xf32, #tpu.memory_space<hbm>> -> memref<8192xf32, #tpu.memory_space<hbm>>
      %dma_wait3A_668 = tpu.memref_slice %arg11[%mul3A_664] : memref<262144xf32, #tpu.memory_space<hbm>> -> memref<8192xf32, #tpu.memory_space<hbm>>
      tpu.wait_dma2 semaphore(%run_scoped3A : memref<!tpu.dma_semaphore, #tpu.memory_space<semaphore_mem>>) src(%arg19 : memref<8192xf32, #tpu.memory_space<vmem>>) dst(%dma_wait3A_668 : memref<8192xf32, #tpu.memory_space<hbm>>)
      tpu.yield
    }) : () -> ()
    "tpu.region"() ({
      %run_scoped3A = tpu.sem_alloc : memref<!tpu.dma_semaphore, #tpu.memory_space<semaphore_mem>>
      %dma_start3A_665 = tpu.memref_slice %arg12[%mul3A_2] : memref<16384xf32, #tpu.memory_space<hbm>> -> memref<512xf32, #tpu.memory_space<hbm>>
      %dma_start3A_666 = tpu.memref_slice %arg12[%mul3A_2] : memref<16384xf32, #tpu.memory_space<hbm>> -> memref<512xf32, #tpu.memory_space<hbm>>
      tpu.enqueue_dma source(%arg20 : memref<512xf32, #tpu.memory_space<vmem>>) target(%dma_start3A_666 : memref<512xf32, #tpu.memory_space<hbm>>) target_semaphore(%run_scoped3A : memref<!tpu.dma_semaphore, #tpu.memory_space<semaphore_mem>>)
      %dma_wait3A_667 = tpu.memref_slice %arg12[%mul3A_2] : memref<16384xf32, #tpu.memory_space<hbm>> -> memref<512xf32, #tpu.memory_space<hbm>>
      %dma_wait3A_668 = tpu.memref_slice %arg12[%mul3A_2] : memref<16384xf32, #tpu.memory_space<hbm>> -> memref<512xf32, #tpu.memory_space<hbm>>
      tpu.wait_dma2 semaphore(%run_scoped3A : memref<!tpu.dma_semaphore, #tpu.memory_space<semaphore_mem>>) src(%arg20 : memref<512xf32, #tpu.memory_space<vmem>>) dst(%dma_wait3A_668 : memref<512xf32, #tpu.memory_space<hbm>>)
      tpu.yield
    }) : () -> ()
    "tpu.region"() ({
      %run_scoped3A = tpu.sem_alloc : memref<!tpu.dma_semaphore, #tpu.memory_space<semaphore_mem>>
      %dma_start3A_665 = tpu.memref_slice %arg13[%mul3A_2] : memref<16384xf32, #tpu.memory_space<hbm>> -> memref<512xf32, #tpu.memory_space<hbm>>
      %dma_start3A_666 = tpu.memref_slice %arg13[%mul3A_2] : memref<16384xf32, #tpu.memory_space<hbm>> -> memref<512xf32, #tpu.memory_space<hbm>>
      tpu.enqueue_dma source(%arg21 : memref<512xf32, #tpu.memory_space<vmem>>) target(%dma_start3A_666 : memref<512xf32, #tpu.memory_space<hbm>>) target_semaphore(%run_scoped3A : memref<!tpu.dma_semaphore, #tpu.memory_space<semaphore_mem>>)
      %dma_wait3A_667 = tpu.memref_slice %arg13[%mul3A_2] : memref<16384xf32, #tpu.memory_space<hbm>> -> memref<512xf32, #tpu.memory_space<hbm>>
      %dma_wait3A_668 = tpu.memref_slice %arg13[%mul3A_2] : memref<16384xf32, #tpu.memory_space<hbm>> -> memref<512xf32, #tpu.memory_space<hbm>>
      tpu.wait_dma2 semaphore(%run_scoped3A : memref<!tpu.dma_semaphore, #tpu.memory_space<semaphore_mem>>) src(%arg21 : memref<512xf32, #tpu.memory_space<vmem>>) dst(%dma_wait3A_668 : memref<512xf32, #tpu.memory_space<hbm>>)
      tpu.yield
    }) : () -> ()
    return
  }
}

module attributes {stable_mosaic.version = 14 : i64} {
  func.func @_tc_body(%arg0: i32, %arg1: memref<26x512xf32, #tpu.memory_space<vmem>>, %arg2: memref<100x512xf32, #tpu.memory_space<vmem>>, %arg3: memref<1x32x512xf32, #tpu.memory_space<vmem>>, %arg4: memref<1x32x512xf32, #tpu.memory_space<vmem>>, %arg5: memref<1x16x512xf32, #tpu.memory_space<vmem>>, %arg6: memref<1x512xf32, #tpu.memory_space<vmem>>, %arg7: memref<1x512xf32, #tpu.memory_space<vmem>>, %arg8: memref<26x32xf32, #tpu.memory_space<vmem>>, %arg9: memref<100x32xf32, #tpu.memory_space<vmem>>, %arg10: memref<16x32xf32, #tpu.memory_space<vmem>>, %arg11: memref<26x1xf32, #tpu.memory_space<vmem>>, %arg12: memref<100x1xf32, #tpu.memory_space<vmem>>, %arg13: memref<1x1xf32, #tpu.memory_space<vmem>>, %arg14: memref<1x512xf32, #tpu.memory_space<vmem>>) attributes {dimension_semantics = [#tpu.dimension_semantics<arbitrary>], iteration_bounds = array<i64: 32>, scalar_prefetch = 0 : i64, scratch_operands = 0 : i64, tpu.core_type = #tpu.core_type<tc>, window_params = [{transform_indices = @transform_0, window_bounds = array<i64: 26, 512>}, {transform_indices = @transform_1, window_bounds = array<i64: 100, 512>}, {transform_indices = @transform_2, window_bounds = array<i64: 1, 32, 512>}, {transform_indices = @transform_3, window_bounds = array<i64: 1, 32, 512>}, {transform_indices = @transform_4, window_bounds = array<i64: 1, 16, 512>}, {transform_indices = @transform_5, window_bounds = array<i64: 1, 512>}, {transform_indices = @transform_6, window_bounds = array<i64: 1, 512>}, {pipeline_mode = #tpu.pipeline_mode<synchronous>, transform_indices = @transform_7, window_bounds = array<i64: 26, 32>}, {pipeline_mode = #tpu.pipeline_mode<synchronous>, transform_indices = @transform_8, window_bounds = array<i64: 100, 32>}, {pipeline_mode = #tpu.pipeline_mode<synchronous>, transform_indices = @transform_9, window_bounds = array<i64: 16, 32>}, {pipeline_mode = #tpu.pipeline_mode<synchronous>, transform_indices = @transform_10, window_bounds = array<i64: 26, 1>}, {pipeline_mode = #tpu.pipeline_mode<synchronous>, transform_indices = @transform_11, window_bounds = array<i64: 100, 1>}, {pipeline_mode = #tpu.pipeline_mode<synchronous>, transform_indices = @transform_12, window_bounds = array<i64: 1, 1>}, {transform_indices = @transform_13, window_bounds = array<i64: 1, 512>}]} {
    %get3A = arith.constant 0 : index
    %get3A_0 = arith.constant 0 : index
    %get3A_1 = vector.load %arg1[%get3A, %get3A_0] : memref<26x512xf32, #tpu.memory_space<vmem>>, vector<26x512xf32>
    %get3A_2 = arith.constant 0 : index
    %get3A_3 = arith.constant 0 : index
    %get3A_4 = vector.load %arg2[%get3A_2, %get3A_3] : memref<100x512xf32, #tpu.memory_space<vmem>>, vector<100x512xf32>
    %get3A_5 = arith.constant 0 : index
    %get3A_6 = arith.constant 0 : index
    %get3A_7 = arith.constant 0 : index
    %get3A_8 = vector.load %arg3[%get3A_5, %get3A_6, %get3A_7] : memref<1x32x512xf32, #tpu.memory_space<vmem>>, vector<1x32x512xf32>
    %get3A_9 = vector.shape_cast %get3A_8 : vector<1x32x512xf32> to vector<32x512xf32>
    %get3A_10 = arith.constant 0 : index
    %get3A_11 = arith.constant 0 : index
    %get3A_12 = arith.constant 0 : index
    %get3A_13 = vector.load %arg4[%get3A_10, %get3A_11, %get3A_12] : memref<1x32x512xf32, #tpu.memory_space<vmem>>, vector<1x32x512xf32>
    %get3A_14 = vector.shape_cast %get3A_13 : vector<1x32x512xf32> to vector<32x512xf32>
    %get3A_15 = arith.constant 0 : index
    %get3A_16 = arith.constant 0 : index
    %get3A_17 = arith.constant 0 : index
    %get3A_18 = vector.load %arg5[%get3A_15, %get3A_16, %get3A_17] : memref<1x16x512xf32, #tpu.memory_space<vmem>>, vector<1x16x512xf32>
    %get3A_19 = vector.shape_cast %get3A_18 : vector<1x16x512xf32> to vector<16x512xf32>
    %get3A_20 = arith.constant 0 : index
    %get3A_21 = arith.constant 0 : index
    %get3A_22 = vector.load %arg8[%get3A_20, %get3A_21] : memref<26x32xf32, #tpu.memory_space<vmem>>, vector<26x32xf32>
    %get3A_23 = arith.constant 0 : index
    %get3A_24 = arith.constant 0 : index
    %get3A_25 = vector.load %arg9[%get3A_23, %get3A_24] : memref<100x32xf32, #tpu.memory_space<vmem>>, vector<100x32xf32>
    %get3A_26 = arith.constant 0 : index
    %get3A_27 = arith.constant 0 : index
    %get3A_28 = vector.load %arg10[%get3A_26, %get3A_27] : memref<16x32xf32, #tpu.memory_space<vmem>>, vector<16x32xf32>
    %dot_general3A = arith.constant dense<0.000000e+00> : vector<32x512xf32>
    %dot_general3A_29 = tpu.matmul %get3A_28, %get3A_19, %dot_general3A {dimension_numbers = #tpu.dot_dimension_numbers<[0], [0], [1], [1], [0, 1, 1, 1], [], []>, transpose_lhs_hint = false} : vector<16x32xf32>, vector<16x512xf32>, vector<32x512xf32> -> vector<32x512xf32>
    %add3A = arith.addf %get3A_14, %dot_general3A_29 : vector<32x512xf32>
    %dot_general3A_30 = arith.constant dense<0.000000e+00> : vector<32x512xf32>
    %dot_general3A_31 = tpu.matmul %get3A_22, %get3A_1, %dot_general3A_30 {dimension_numbers = #tpu.dot_dimension_numbers<[0], [0], [1], [1], [0, 1, 1, 1], [], []>, transpose_lhs_hint = false} : vector<26x32xf32>, vector<26x512xf32>, vector<32x512xf32> -> vector<32x512xf32>
    %dot_general3A_32 = arith.constant dense<0.000000e+00> : vector<32x512xf32>
    %dot_general3A_33 = tpu.matmul %get3A_25, %get3A_4, %dot_general3A_32 {dimension_numbers = #tpu.dot_dimension_numbers<[0], [0], [1], [1], [0, 1, 1, 1], [], []>, transpose_lhs_hint = false} : vector<100x32xf32>, vector<100x512xf32>, vector<32x512xf32> -> vector<32x512xf32>
    %add3A_34 = arith.addf %dot_general3A_31, %dot_general3A_33 : vector<32x512xf32>
    %add3A_35 = arith.addf %get3A_9, %add3A : vector<32x512xf32>
    %add3A_36 = arith.addf %add3A_35, %add3A_34 : vector<32x512xf32>
    %mul3A = arith.mulf %get3A_22, %get3A_22 : vector<26x32xf32>
    %reduce_sum3A = arith.constant dense<0.000000e+00> : vector<26xf32>
    %reduce_sum3A_37 = vector.multi_reduction <add>, %mul3A, %reduce_sum3A [1] : vector<26x32xf32> to vector<26xf32>
    %broadcast_in_dim3A = vector.shape_cast %reduce_sum3A_37 : vector<26xf32> to vector<26x1xf32>
    %mul3A_38 = arith.mulf %get3A_25, %get3A_25 : vector<100x32xf32>
    %reduce_sum3A_39 = arith.constant dense<0.000000e+00> : vector<100xf32>
    %reduce_sum3A_40 = vector.multi_reduction <add>, %mul3A_38, %reduce_sum3A_39 [1] : vector<100x32xf32> to vector<100xf32>
    %broadcast_in_dim3A_41 = vector.shape_cast %reduce_sum3A_40 : vector<100xf32> to vector<100x1xf32>
    %mul3A_42 = arith.mulf %get3A_9, %get3A_9 : vector<32x512xf32>
    %reduce_sum3A_43 = arith.constant dense<0.000000e+00> : vector<512xf32>
    %reduce_sum3A_44 = vector.multi_reduction <add>, %mul3A_42, %reduce_sum3A_43 [0] : vector<32x512xf32> to vector<512xf32>
    %broadcast_in_dim3A_45 = vector.shape_cast %reduce_sum3A_44 : vector<512xf32> to vector<1x512xf32>
    %mul3A_46 = arith.mulf %add3A, %add3A : vector<32x512xf32>
    %reduce_sum3A_47 = arith.constant dense<0.000000e+00> : vector<512xf32>
    %reduce_sum3A_48 = vector.multi_reduction <add>, %mul3A_46, %reduce_sum3A_47 [0] : vector<32x512xf32> to vector<512xf32>
    %broadcast_in_dim3A_49 = vector.shape_cast %reduce_sum3A_48 : vector<512xf32> to vector<1x512xf32>
    %add3A_50 = arith.addf %broadcast_in_dim3A_45, %broadcast_in_dim3A_49 : vector<1x512xf32>
    %mul3A_51 = arith.mulf %get3A_1, %get3A_1 : vector<26x512xf32>
    %mul3A_52 = vector.broadcast %broadcast_in_dim3A : vector<26x1xf32> to vector<26x512xf32>
    %mul3A_53 = arith.mulf %mul3A_51, %mul3A_52 : vector<26x512xf32>
    %reduce_sum3A_54 = arith.constant dense<0.000000e+00> : vector<512xf32>
    %reduce_sum3A_55 = vector.multi_reduction <add>, %mul3A_53, %reduce_sum3A_54 [0] : vector<26x512xf32> to vector<512xf32>
    %broadcast_in_dim3A_56 = vector.shape_cast %reduce_sum3A_55 : vector<512xf32> to vector<1x512xf32>
    %add3A_57 = arith.addf %add3A_50, %broadcast_in_dim3A_56 : vector<1x512xf32>
    %mul3A_58 = arith.mulf %get3A_4, %get3A_4 : vector<100x512xf32>
    %mul3A_59 = vector.broadcast %broadcast_in_dim3A_41 : vector<100x1xf32> to vector<100x512xf32>
    %mul3A_60 = arith.mulf %mul3A_58, %mul3A_59 : vector<100x512xf32>
    %reduce_sum3A_61 = arith.constant dense<0.000000e+00> : vector<512xf32>
    %reduce_sum3A_62 = vector.multi_reduction <add>, %mul3A_60, %reduce_sum3A_61 [0] : vector<100x512xf32> to vector<512xf32>
    %broadcast_in_dim3A_63 = vector.shape_cast %reduce_sum3A_62 : vector<512xf32> to vector<1x512xf32>
    %add3A_64 = arith.addf %add3A_57, %broadcast_in_dim3A_63 : vector<1x512xf32>
    %mul3A_65 = arith.mulf %add3A_36, %add3A_36 : vector<32x512xf32>
    %reduce_sum3A_66 = arith.constant dense<0.000000e+00> : vector<512xf32>
    %reduce_sum3A_67 = vector.multi_reduction <add>, %mul3A_65, %reduce_sum3A_66 [0] : vector<32x512xf32> to vector<512xf32>
    %broadcast_in_dim3A_68 = vector.shape_cast %reduce_sum3A_67 : vector<512xf32> to vector<1x512xf32>
    %sub3A = arith.subf %broadcast_in_dim3A_68, %add3A_64 : vector<1x512xf32>
    %get3A_69 = arith.constant 0 : index
    %get3A_70 = arith.constant 0 : index
    %get3A_71 = vector.load %arg11[%get3A_69, %get3A_70] : memref<26x1xf32, #tpu.memory_space<vmem>>, vector<26x1xf32>
    %mul3A_72 = vector.broadcast %get3A_71 : vector<26x1xf32> to vector<26x512xf32>
    %mul3A_73 = arith.mulf %get3A_1, %mul3A_72 : vector<26x512xf32>
    %reduce_sum3A_74 = arith.constant dense<0.000000e+00> : vector<512xf32>
    %reduce_sum3A_75 = vector.multi_reduction <add>, %mul3A_73, %reduce_sum3A_74 [0] : vector<26x512xf32> to vector<512xf32>
    %broadcast_in_dim3A_76 = vector.shape_cast %reduce_sum3A_75 : vector<512xf32> to vector<1x512xf32>
    %get3A_77 = arith.constant 0 : index
    %get3A_78 = arith.constant 0 : index
    %get3A_79 = vector.load %arg12[%get3A_77, %get3A_78] : memref<100x1xf32, #tpu.memory_space<vmem>>, vector<100x1xf32>
    %mul3A_80 = vector.broadcast %get3A_79 : vector<100x1xf32> to vector<100x512xf32>
    %mul3A_81 = arith.mulf %get3A_4, %mul3A_80 : vector<100x512xf32>
    %reduce_sum3A_82 = arith.constant dense<0.000000e+00> : vector<512xf32>
    %reduce_sum3A_83 = vector.multi_reduction <add>, %mul3A_81, %reduce_sum3A_82 [0] : vector<100x512xf32> to vector<512xf32>
    %broadcast_in_dim3A_84 = vector.shape_cast %reduce_sum3A_83 : vector<512xf32> to vector<1x512xf32>
    %add3A_85 = arith.addf %broadcast_in_dim3A_76, %broadcast_in_dim3A_84 : vector<1x512xf32>
    %mul3A_86 = arith.constant 5.000000e-01 : f32
    %mul3A_87 = vector.broadcast %mul3A_86 : f32 to vector<1x512xf32>
    %mul3A_88 = arith.mulf %mul3A_87, %sub3A : vector<1x512xf32>
    %get3A_89 = arith.constant 0 : index
    %get3A_90 = arith.constant 0 : index
    %get3A_91 = vector.load %arg6[%get3A_89, %get3A_90] : memref<1x512xf32, #tpu.memory_space<vmem>>, vector<1x512xf32>
    %add3A_92 = arith.addf %mul3A_88, %get3A_91 : vector<1x512xf32>
    %get3A_93 = arith.constant 0 : index
    %get3A_94 = arith.constant 0 : index
    %get3A_95 = vector.load %arg7[%get3A_93, %get3A_94] : memref<1x512xf32, #tpu.memory_space<vmem>>, vector<1x512xf32>
    %add3A_96 = arith.addf %add3A_92, %get3A_95 : vector<1x512xf32>
    %add3A_97 = arith.addf %add3A_96, %add3A_85 : vector<1x512xf32>
    %get3A_98 = arith.constant 0 : index
    %get3A_99 = arith.constant 0 : index
    %get3A_100 = vector.load %arg13[%get3A_98, %get3A_99] : memref<1x1xf32, #tpu.memory_space<vmem>>, vector<1x1xf32>
    %get3A_101 = vector.extract %get3A_100[0, 0] : f32 from vector<1x1xf32>
    %add3A_102 = vector.broadcast %get3A_101 : f32 to vector<1x512xf32>
    %add3A_103 = arith.addf %add3A_97, %add3A_102 : vector<1x512xf32>
    %swap3A = arith.constant 0 : index
    %swap3A_104 = arith.constant 0 : index
    %swap3A_105 = vector.load %arg14[%swap3A, %swap3A_104] : memref<1x512xf32, #tpu.memory_space<vmem>>, vector<1x512xf32>
    tpu.vector_store %arg14[%swap3A, %swap3A_104], %add3A_103 {strides = array<i32>} : memref<1x512xf32, #tpu.memory_space<vmem>>, vector<1x512xf32>,
    return
  }
  func.func @transform_0(%arg0: i32) -> (i32, i32) {
    %c0_i32 = arith.constant 0 : i32
    %c0_i32_0 = arith.constant 0 : i32
    return %c0_i32, %arg0 : i32, i32
  }
  func.func @transform_1(%arg0: i32) -> (i32, i32) {
    %c0_i32 = arith.constant 0 : i32
    %c0_i32_0 = arith.constant 0 : i32
    return %c0_i32, %arg0 : i32, i32
  }
  func.func @transform_2(%arg0: i32) -> (i32, i32, i32) {
    %c0_i32 = arith.constant 0 : i32
    %c0_i32_0 = arith.constant 0 : i32
    %c0_i32_1 = arith.constant 0 : i32
    return %arg0, %c0_i32, %c0_i32_0 : i32, i32, i32
  }
  func.func @transform_3(%arg0: i32) -> (i32, i32, i32) {
    %c0_i32 = arith.constant 0 : i32
    %c0_i32_0 = arith.constant 0 : i32
    %c0_i32_1 = arith.constant 0 : i32
    return %arg0, %c0_i32, %c0_i32_0 : i32, i32, i32
  }
  func.func @transform_4(%arg0: i32) -> (i32, i32, i32) {
    %c0_i32 = arith.constant 0 : i32
    %c0_i32_0 = arith.constant 0 : i32
    %c0_i32_1 = arith.constant 0 : i32
    return %arg0, %c0_i32, %c0_i32_0 : i32, i32, i32
  }
  func.func @transform_5(%arg0: i32) -> (i32, i32) {
    %c0_i32 = arith.constant 0 : i32
    %c0_i32_0 = arith.constant 0 : i32
    return %c0_i32, %arg0 : i32, i32
  }
  func.func @transform_6(%arg0: i32) -> (i32, i32) {
    %c0_i32 = arith.constant 0 : i32
    %c0_i32_0 = arith.constant 0 : i32
    return %c0_i32, %arg0 : i32, i32
  }
  func.func @transform_7(%arg0: i32) -> (i32, i32) {
    %c0_i32 = arith.constant 0 : i32
    %c0_i32_0 = arith.constant 0 : i32
    %c0_i32_1 = arith.constant 0 : i32
    return %c0_i32, %c0_i32_0 : i32, i32
  }
  func.func @transform_8(%arg0: i32) -> (i32, i32) {
    %c0_i32 = arith.constant 0 : i32
    %c0_i32_0 = arith.constant 0 : i32
    %c0_i32_1 = arith.constant 0 : i32
    return %c0_i32, %c0_i32_0 : i32, i32
  }
  func.func @transform_9(%arg0: i32) -> (i32, i32) {
    %c0_i32 = arith.constant 0 : i32
    %c0_i32_0 = arith.constant 0 : i32
    %c0_i32_1 = arith.constant 0 : i32
    return %c0_i32, %c0_i32_0 : i32, i32
  }
  func.func @transform_10(%arg0: i32) -> (i32, i32) {
    %c0_i32 = arith.constant 0 : i32
    %c0_i32_0 = arith.constant 0 : i32
    %c0_i32_1 = arith.constant 0 : i32
    return %c0_i32, %c0_i32_0 : i32, i32
  }
  func.func @transform_11(%arg0: i32) -> (i32, i32) {
    %c0_i32 = arith.constant 0 : i32
    %c0_i32_0 = arith.constant 0 : i32
    %c0_i32_1 = arith.constant 0 : i32
    return %c0_i32, %c0_i32_0 : i32, i32
  }
  func.func @transform_12(%arg0: i32) -> (i32, i32) {
    %c0_i32 = arith.constant 0 : i32
    %c0_i32_0 = arith.constant 0 : i32
    %c0_i32_1 = arith.constant 0 : i32
    return %c0_i32, %c0_i32_0 : i32, i32
  }
  func.func @transform_13(%arg0: i32) -> (i32, i32) {
    %c0_i32 = arith.constant 0 : i32
    %c0_i32_0 = arith.constant 0 : i32
    return %c0_i32, %arg0 : i32, i32
  }
}

</mosaic_0001>

<sc_bundles>
// kernel: kernel.4.cloned.1.call-start
scs
__scs_entry_jumppad:
0x0: {  	(pc) =	sbr.rel $0x88, $3  }
0x1: {  	(tag) =	ssettag $0x0;
	lr =	simm.s32 $0x1  }
0x2: {  	[smem:$0x3F92] =	sst lr;
	_ =	strace $0xD0000000  }
0x3: {  	_ = 	snop  }
0x4: {  	_ = 	snop  }
0x5: {  	_ = 	snop  }
0x6: {  	_ = 	snop  }
0x7: {  	_ = 	snop  }
__scs_overlays_trampoline_lowered:
0x8: {  	[smem:$0x3FA1] =	sst s0  }
0x9: {  	[smem:$0x3FA2] =	sst s1  }
0xa: {  	[smem:$0x3FA3] =	sst s2  }
0xb: {  	[smem:$0x3FA4] =	sst s3  }
0xc: {  	[smem:$0x3FA5] =	sst s4  }
0xd: {  	[smem:$0x3FA6] =	sst s5  }
0xe: {  	[smem:$0x3FA7] =	sst s6  }
0xf: {  	[smem:$0x3FA8] =	sst s7  }
0x10: {  	[smem:$0x3FA9] =	sst s8  }
0x11: {  	[smem:$0x3FAA] =	sst s9;
	s0 =	simm.s32 @!p0 $0x0  }
0x12: {  	s1 =	sld [smem:$0x3F90];
	s0 =	simm.s32 @p0 $0x1  }
0x13: {  	[smem:$0x3FAB] =	sst s0;
	s0 =	simm.s32 @!p1 $0x0  }
0x14: {  	s2 =	sld [smem:$0x3F8F];
	s0 =	simm.s32 @p1 $0x1  }
0x15: {  	[smem:$0x3FAC] =	sst s0;
	s0 =	simm.s32 @!p2 $0x0  }
0x16: {  	s3 =	sld [smem:$0x3FDB];
	s0 =	simm.s32 @p2 $0x1  }
0x17: {  	s4 =	simm.s32 $0x1BF5;
	[smem:$0x3FAE] =	sst s0  }
0x18: {  	s0 =	sld [smem:$0x3F91];
	_ =	swait.ge [sflag:s4], $0x0  }
0x19: {  	s7 =	sld [smem:$0x3F92]  }
0x1a: {  	s8 =	sadd.s32 $0xFFFFE003, lr  }
0x1b: {  	s9 =	sadd.s32 $0xFFFFFEF7, lr;
	s5 =	simm.s32 $0xFFFFFFFF;
	p2 =	slt.u32 s8, $0xFFFFF086  }
0x1c: {  	p1 =	slt.u32 s9, $0xF7A;
	s5 =	simm.s32 @!p2 $0x0  }
0x1d: {  	s5 =	simm.s32 @p1 $0x1;
	p0 =	seq.s32 s7, s2  }
0x1e: {  	s7 =	smul.u32 @!p0 $0xF7A, s2;
	p2 =	seq.s32 @!p0 s5, $0x0  }
0x1f: {  	s9 =	smul.u32 $0xF7A, s1;
	s8 =	simm.s32 @!p0 $0x1BF5;
	p2 =	por !p2, p0  }
0x20: {  	[sflag:s8] =	ssyncset.s32 @!p0 $0xFFFFF086;
	s6 =	sadd.s32 @!p0 s3, s7;
	s7 =	simm.s32 @!p0 $0x108  }
0x21: {  	s3 =	sadd.s32 s3, s9;
	s6 =	sadd.s32 @!p0 $0x88, s6;
	s7 =	simm.s32 @p2 $0x1082  }
0x22: {  	[simem:s7], [sflag:s8] =	dma.local @!p0 [hbm:s6], $0xF7A  }
0x23: {  	s9 =	sor.u32 $0xD0000000, s2;
	s6 =	simm.s32 $0x108;
	_ =	swait.ge @!p0 [sflag:s8], $0x0  }
0x24: {  	s3 =	sadd.s32 $0x88, s3;
	s6 =	simm.s32 @!p1 $0x1082;
	[sflag:s4] =	ssyncset.s32 $0xFFFFF086  }
0x25: {  	[simem:s6], [sflag:s4] =	dma.local [hbm:s3], $0xF7A  }
0x26: {  	[smem:$0x3F92] =	sst s1;
	(tag) =	ssettag s2;
	_ =	strace s9  }
0x27: {  	s1 =	sld [smem:$0x3FA2]  }
0x28: {  	s2 =	sld [smem:$0x3FA3]  }
0x29: {  	s4 =	sld [smem:$0x3FA5]  }
0x2a: {  	p0 =	seq.s32 s5, $0x0;
	s5 =	sld [smem:$0x3FA6]  }
0x2b: {  	s6 =	sld [smem:$0x3FA7]  }
0x2c: {  	s7 =	sld [smem:$0x3FA8]  }
0x2d: {  	s3 =	simm.s32 $0x108;
	s8 =	sld [smem:$0x3FA9]  }
0x2e: {  	s3 =	simm.s32 @!p0 $0x1082;
	s9 =	sld [smem:$0x3FAA]  }
0x2f: {  	lr =	sadd.s32 s0, s3;
	s0 =	sld [smem:$0x3FA1]  }
0x30: {  	s3 =	sld [smem:$0x3FA4]  }
0x31: {  	[smem:$0x3FAD] =	sst s10  }
0x32: {  	s10 =	sld [smem:$0x3FAB];
	_ =	sdelay $0x3  }
0x33: {  	p0 =	seq.s32 s10, $0x1;
	s10 =	sld [smem:$0x3FAD];
	_ =	sdelay $0x3  }
0x34: {  	[smem:$0x3FAD] =	sst s10  }
0x35: {  	s10 =	sld [smem:$0x3FAC];
	_ =	sdelay $0x3  }
0x36: {  	p1 =	seq.s32 s10, $0x1;
	s10 =	sld [smem:$0x3FAD];
	_ =	sdelay $0x3  }
0x37: {  	[smem:$0x3FAD] =	sst s10  }
0x38: {  	s10 =	sld [smem:$0x3FAE]  }
0x39: {  	_ = 	snop;
	(pc) =	sbr.ind lr, $3  }
0x3a: {  	_ = 	snop  }
0x3b: {  	_ = 	snop  }
0x3c: {  	p2 =	seq.s32 s10, $0x1;
	s10 =	sld [smem:$0x3FAD]  }
0x3d: {  	_ =	shalt  }
0x3e: {  	_ =	shalt  }
0x3f: {  	_ =	shalt  }
0x40: {  	_ =	shalt  }
0x41: {  	_ =	shalt  }
0x42: {  	_ =	shalt  }
0x43: {  	_ =	shalt  }
0x44: {  	_ =	shalt  }
0x45: {  	_ =	shalt  }
0x46: {  	_ =	shalt  }
0x47: {  	_ =	shalt  }
0x48: {  	_ =	shalt  }
0x49: {  	_ =	shalt  }
0x4a: {  	_ =	shalt  }
0x4b: {  	_ =	shalt  }
0x4c: {  	_ =	shalt  }
0x4d: {  	_ =	shalt  }
0x4e: {  	_ =	shalt  }
0x4f: {  	_ =	shalt  }
0x50: {  	_ =	shalt  }
0x51: {  	_ =	shalt  }
0x52: {  	_ =	shalt  }
0x53: {  	_ =	shalt  }
0x54: {  	_ =	shalt  }
0x55: {  	_ =	shalt  }
0x56: {  	_ =	shalt  }
0x57: {  	_ =	shalt  }
0x58: {  	_ =	shalt  }
0x59: {  	_ =	shalt  }
0x5a: {  	_ =	shalt  }
0x5b: {  	_ =	shalt  }
0x5c: {  	_ =	shalt  }
0x5d: {  	_ =	shalt  }
0x5e: {  	_ =	shalt  }
0x5f: {  	_ =	shalt  }
0x60: {  	_ =	shalt  }
0x61: {  	_ =	shalt  }
0x62: {  	_ =	shalt  }
0x63: {  	_ =	shalt  }
0x64: {  	_ =	shalt  }
0x65: {  	_ =	shalt  }
0x66: {  	_ =	shalt  }
0x67: {  	_ =	shalt  }
0x68: {  	_ =	shalt  }
0x69: {  	_ =	shalt  }
0x6a: {  	_ =	shalt  }
0x6b: {  	_ =	shalt  }
0x6c: {  	_ =	shalt  }
0x6d: {  	_ =	shalt  }
0x6e: {  	_ =	shalt  }
0x6f: {  	_ =	shalt  }
0x70: {  	_ =	shalt  }
0x71: {  	_ =	shalt  }
0x72: {  	_ =	shalt  }
0x73: {  	_ =	shalt  }
0x74: {  	_ =	shalt  }
0x75: {  	_ =	shalt  }
0x76: {  	_ =	shalt  }
0x77: {  	_ =	shalt  }
0x78: {  	_ =	shalt  }
0x79: {  	_ =	shalt  }
0x7a: {  	_ =	shalt  }
0x7b: {  	_ =	shalt  }
0x7c: {  	_ =	shalt  }
0x7d: {  	_ =	shalt  }
0x7e: {  	_ =	shalt  }
0x7f: {  	_ =	shalt  }
0x80: {  	_ =	shalt  }
0x81: {  	_ =	shalt  }
0x82: {  	_ =	shalt  }
0x83: {  	_ =	shalt  }
0x84: {  	_ =	shalt  }
0x85: {  	_ =	shalt  }
0x86: {  	_ =	shalt  }
0x87: {  	_ =	shalt  }
.Lfunc_end0:
.L_simem_size_0:
called_computation_lowered:
.L_overlay_start_0:
0x88: {  	s2 =	sld [smem:$0x3FD9]  }
0x89: {  	s3 =	sld [smem:$0x3FFE];
	_ =	sdelay $0x1  }
0x8a: {  	s1 =	srdreg.scid  }
0x8b: {  	s0 =	sand.u32 $0x1, s1  }
0x8c: {  	s17 =	sshll.u32 s0, $0xA;
	s2 =	sadd.s32 s3, s2  }
0x8d: {  	s2 =	sadd.s32 s2, s17  }
0x8e: {  	[smem:$0x3FB9] =	sst s2  }
0x8f: {  	_ = 	snop  }
0x90: {  	s2 =	sld [smem:$0x3FC9]  }
0x91: {  	s18 =	sld [smem:$0x3FC8]  }
0x92: {  	s4 =	sld [smem:$0x3FC1]  }
0x93: {  	s5 =	sld [smem:$0x3FC0]  }
0x94: {  	s6 =	sld [smem:$0x3FD0];
	(tm) =	ssettm $0x1  }
0x95: {  	s7 =	sld [smem:$0x3FFB];
	_ =	sdelay $0x3  }
0x96: {  	_ =	strace s7  }
0x97: {  	s7 =	sld [smem:$0x3FFC];
	_ =	sdelay $0x3  }
0x98: {  	_ =	strace s7  }
0x99: {  	s7 =	sld [smem:$0x3FFD];
	_ =	sdelay $0x3  }
0x9a: {  	_ =	strace s7  }
0x9b: {  	_ =	strace $0x8FFFFFFF  }
0x9c: {  	s19 =	sld [smem:$0x3FDB];
	_ =	sdelay $0x1  }
0x9d: {  	s8 =	simm.s32 $_scs_section_size  }
0x9e: {  	s9 =	simm.s32 $_size__tile_overlayer_lowered;
	s10 =	simm.s32 $_tile_overlayer_lowered  }
0x9f: {  	s22 =	simm.s32 $0x1BFF;
	s21 =	sshll.u32 s10, $0x1;
	s7 =	sadd.s32 s8, s19  }
0xa0: {  	s11 =	simm.s32 $0x0;
	s20 =	sshll.u32 s9, $0x1;
	s9 =	sadd.s32 s21, s7  }
0xa1: {  	[timem:s11], [sflag:s22] =	dma.local [hbm:s9], s20  }
0xa2: {  	_ =	swait.ge [sflag:s22], s20  }
0xa3: {  	s8 =	ssub.s32 $0x0, s20;
	[sflag:s22] =	ssyncset.done $0x0  }
0xa4: {  	[sflag:s22] =	ssyncadd.s32 s8;
	_ =	sdelay $0x1  }
0xa5: {  	s23 =	simm.s32 $0x1B8B  }
0xa6: {  	_ =	swait.ge [sflag:s23], $0x1  }
0xa7: {  	[sflag:s23] =	ssyncset.done $0x0  }
0xa8: {  	s25 =	simm.s32 $0x1B8E;
	s24 =	sld [smem:$0x3FFE];
	[sflag:s23] =	ssyncadd.s32 $0xFFFFFFFF  }
0xa9: {  	s26 =	simm.s32 $execute0_lowered;
	[smem:$0x3FD2] =	sst s25  }
0xaa: {  	s9 =	sshll.u32 s26, $0x1;
	_ =	strace $0x80000046;
	[dreg:$0x1] =	wrdreg $0xFFFFFFFF  }
0xab: {  	s28 =	simm.s32 $_size_execute0_lowered;
	s7 =	sadd.s32 s7, s9;
	[dreg:$0x0] =	wrdreg $0x0  }
0xac: {  	s9 =	sshll.u32 s28, $0x1;
	[dreg:$0x2] =	wrdreg s7  }
0xad: {  	[dreg:$0x3] =	wrdreg s9  }
0xae: {  	[dreg:$0x4] =	wrdreg $0xC0  }
0xaf: {  	_ =	task [dreg:s11], $0x5FFFF  }
0xb0: {  	[dreg:$0x1] =	wrdreg $0xFFFFFFFF  }
0xb1: {  	[dreg:$0x0] =	wrdreg $0x60  }
0xb2: {  	[dreg:$0x2] =	wrdreg s2  }
0xb3: {  	[dreg:$0x3] =	wrdreg s18  }
0xb4: {  	[dreg:$0x4] =	wrdreg s24  }
0xb5: {  	[dreg:$0x5] =	wrdreg s4  }
0xb6: {  	[dreg:$0x6] =	wrdreg s5  }
0xb7: {  	[dreg:$0x7] =	wrdreg s6  }
0xb8: {  	[dreg:$0x8] =	wrdreg $0x9  }
0xb9: {  	_ =	task.clear_ibuf [dreg:s11], $0x9FFFF;
	_ =	strace $0x90000046  }
0xba: {  	s29 =	simm.s32 $0x9;
	_ =	strace $0x80000048  }
0xbb: {  	_ =	swait.ge [sflag:s29], $0x1  }
0xbc: {  	[sflag:s29] =	ssyncadd.s32 $0xFFFFFFFF  }
0xbd: {  	_ =	strace $0x90000048  }
0xbe: {  	_ =	sfence  }
0xbf: {  	s30 =	sld [smem:$0x0];
	_ =	sdelay $0x2  }
0xc0: {  	s31 =	sshll.u32 s1, $0xD;
	s1 =	sshrl.u32 s1, $0x2  }
0xc1: {  	s3 =	sand.u32 $0x4000, s31;
	s1 =	sadd.s32 s1, s30  }
0xc2: {  	s0 =	sor.u32 s3, s0;
	s1 =	sshll.u32 s1, $0x11  }
0xc3: {  	s0 =	sor.u32 s1, s0  }
0xc4: {  	s0 =	sadd.s32 $0x8F2B, s0  }
0xc5: {  	[sflag:s0] =	ssyncadd.remote.s32 $0x1  }
0xc6: {  	_ =	sfence.sel $0xFFFF  }
0xc7: {  	[dreg:$0x0] =	wrdreg $0xFFFFFFFF;
	(pc) =	sbr.abs _section_cstart, $3  }
0xc8: {  	[dreg:$0x1] =	wrdreg $0xFFFFFFFF  }
0xc9: {  	_ =	task.clear_ibuf [dreg:s11], $0x2FFFF;
	_ =	strace $0x9FFFFFFF  }
0xca: {  	(tm) =	ssettm $0x7FFFFFFF  }
0xcb: {  	_ =	shalt  }
tec
execute0_lowered:
.L_overlay_start_1:
0x0: {  	(tag) =	ssettag $0x1  }
0x1: {  	s1 =	rddreg [dreg:$0x0]  }
0x2: {  	s2 =	rddreg [dreg:$0x1]  }
0x3: {  	s0 =	rddreg [dreg:$0x2]  }
0x4: {  	s3 =	rddreg [dreg:$0x5];
	s4 =	simm.s32 $0x0  }
0x5: {  	[smem:$0x7FF] =	sst s4;
	s7 =	sadd.s32 $0xF44800, s0  }
0x6: {  	s8 =	sadd.s32 $0x2400, s0;
	_ =	strace $0x80000047;
	[dreg:$0x7] =	wrdreg s7  }
0x7: {  	s11 =	sadd.s32 $0x64000, s0;
	[dreg:$0x8] =	wrdreg s8  }
0x8: {  	s14 =	sadd.s32 $0x54D4, s0;
	[dreg:$0x9] =	wrdreg s11  }
0x9: {  	s15 =	sadd.s32 $0x85A8, s0;
	[dreg:$0xc] =	wrdreg s14  }
0xa: {  	s16 =	sadd.s32 $0xB67C, s0;
	[dreg:$0xd] =	wrdreg s15  }
0xb: {  	s17 =	sadd.s32 $0xE750, s0;
	[dreg:$0xe] =	wrdreg s16  }
0xc: {  	s18 =	sadd.s32 $0x11824, s0;
	[dreg:$0xf] =	wrdreg s17  }
0xd: {  	s19 =	sadd.s32 $0x148F8, s0;
	[dreg:$0x10] =	wrdreg s18  }
0xe: {  	s20 =	sadd.s32 $0x179CC, s0;
	[dreg:$0x11] =	wrdreg s19  }
0xf: {  	s21 =	sadd.s32 $0x1AAA0, s0;
	[dreg:$0x12] =	wrdreg s20  }
0x10: {  	s22 =	sadd.s32 $0x1DB74, s0;
	[dreg:$0x13] =	wrdreg s21  }
0x11: {  	s24 =	sadd.s32 $0x20C48, s0;
	[dreg:$0x14] =	wrdreg s22  }
0x12: {  	s25 =	sadd.s32 $0x23D1C, s0;
	[dreg:$0x16] =	wrdreg s24  }
0x13: {  	s26 =	sadd.s32 $0x26DF0, s0;
	[dreg:$0x17] =	wrdreg s25  }
0x14: {  	[dreg:$0x18] =	wrdreg s26;
	s11 =	sadd.s32 $0x36214, s0  }
0x15: {  	s14 =	sadd.s32 $0x3F490, s0;
	[dreg:$0x1d] =	wrdreg s11  }
0x16: {  	s15 =	sadd.s32 $0x42564, s0;
	[smem:$0x7F1] =	sst s14  }
0x17: {  	s16 =	sadd.s32 $0x45638, s0;
	[smem:$0x7F2] =	sst s15  }
0x18: {  	s5 =	srdreg.scid;
	s17 =	sadd.s32 $0x4870C, s0;
	[smem:$0x7F3] =	sst s16  }
0x19: {  	s6 =	stileid.u32;
	s18 =	sadd.s32 $0x4B7E0, s0;
	[smem:$0x7F4] =	sst s17  }
0x1a: {  	s5 =	sand.u32 $0x1, s5;
	s19 =	sadd.s32 $0x4E8B4, s0;
	[smem:$0x7F5] =	sst s18  }
0x1b: {  	s6 =	sshll.u32 s6, $0x1;
	s20 =	sadd.s32 $0x51988, s0;
	[smem:$0x7F6] =	sst s19  }
0x1c: {  	s6 =	sor.u32 s5, s6;
	s21 =	sadd.s32 $0x54A5C, s0;
	[smem:$0x7F7] =	sst s20  }
0x1d: {  	s5 =	ssub.s32 $0x2, s5;
	s22 =	sadd.s32 $0x57B30, s0;
	[smem:$0x7F8] =	sst s21  }
0x1e: {  	s24 =	sadd.s32 $0x5DCD8, s0;
	s25 =	sadd.s32 $0x60DAC, s0;
	[smem:$0x7F9] =	sst s22  }
0x1f: {  	s26 =	sadd.s32 $0x670D4, s0;
	s10 =	sshll.u32 s6, $0xB;
	[smem:$0x7FB] =	sst s24  }
0x20: {  	s12 =	sshll.u32 s6, $0xA;
	s6 =	sshll.u32 s6, $0x6;
	[smem:$0x7FC] =	sst s25  }
0x21: {  	[smem:$0x7FD] =	sst s26;
	s14 =	sadd.s32 $0x6D27C, s0;
	s15 =	sadd.s32 $0x70350, s0  }
0x22: {  	s16 =	sadd.s32 $0x73424, s0;
	s17 =	sadd.s32 $0x764F8, s0;
	s18 =	sadd.s32 $0x795CC, s0  }
0x23: {  	s19 =	sadd.s32 $0x7C6A0, s0;
	s20 =	sadd.s32 $0x7F774, s0;
	s21 =	sadd.s32 $0x82848, s0  }
0x24: {  	s22 =	sadd.s32 $0x8591C, s0;
	s24 =	sadd.s32 $0x8BAC4, s0;
	s1 =	sadd.s32 s1, s6  }
0x25: {  	s25 =	sadd.s32 $0x8EB98, s0;
	s13 =	sadd.s32 s2, s6;
	[dreg:$0xa] =	wrdreg s1  }
0x26: {  	s26 =	sadd.s32 $0x91C6C, s0;
	s23 =	sadd.s32 s3, s6;
	[dreg:$0xb] =	wrdreg s13  }
0x27: {  	s7 =	sadd.s32 s10, s0;
	s2 =	sadd.s32 $0x29EC4, s0;
	[dreg:$0x15] =	wrdreg s23  }
0x28: {  	s8 =	sadd.s32 s12, s0;
	s3 =	sadd.s32 $0x2CF98, s0;
	[dreg:$0x19] =	wrdreg s2  }
0x29: {  	s9 =	sadd.s32 s6, s0;
	s6 =	sadd.s32 $0x3006C, s0;
	[dreg:$0x1a] =	wrdreg s3  }
0x2a: {  	s10 =	sshrl.u32 s5, $0x1;
	s12 =	sadd.s32 $0x392E8, s0;
	[dreg:$0x1b] =	wrdreg s6  }
0x2b: {  	s5 =	ssub.s32 s5, s10;
	s10 =	sadd.s32 $0x33140, s0;
	[dreg:$0x1e] =	wrdreg s12  }
0x2c: {  	s13 =	sadd.s32 $0x3C3BC, s0;
	s23 =	sadd.s32 $0x5AC04, s0;
	s28 =	sadd.s32 $0x94E00, s7  }
0x2d: {  	s29 =	sadd.s32 $0xA4E00, s7;
	s30 =	sadd.s32 $0xB4E00, s8;
	s31 =	sadd.s32 $0xBCE00, s9  }
0x2e: {  	s3 =	simm.s32 $0x2;
	s1 =	simm.s32 $0x200;
	s2 =	simm.s32 $0x400  }
0x2f: {  	s6 =	simm.s32 $0xC400;
	s7 =	simm.s32 $0xE400;
	[dreg:$0x1c] =	wrdreg s10  }
0x30: {  	s8 =	simm.s32 $0xE600;
	s9 =	simm.s32 $0x1;
	[dreg:$0x1f] =	wrdreg s13  }
0x31: {  	v0 =	vlaneseq.u32;
	[smem:$0x7FA] =	sst s23;
	s13 =	sadd.s32 $0x6A1A8, s0;
	s23 =	sadd.s32 $0x889F0, s0  }
0x32: {  	v0 =	vmul.u32 $0x20, v0;
	s0 =	smax.u32 s5, $0x1;
	s5 =	simm.s32 $0x8400;
	s10 =	simm.s32 $0x0  }
.LBB2_1:
0x33: {  	s11 =	rddreg [dreg:$0xa]  }
0x34: {  	[tilespmem:s4], [sflag:$0x2] =	stream.linear.gather [hbm4b:s11+s4], $0x200, $0x38;
	[tilespmem:$0xE800] =	vst v63  }
0x35: {  	_ =	swait.ge [sflag:s3], $0x200  }
0x36: {  	[sflag:s3] =	ssyncset.done $0x0  }
0x37: {  	s12 =	rddreg [dreg:$0xb];
	[sflag:s3] =	ssyncadd.s32 $0xFFFFFE00  }
0x38: {  	[tilespmem:s1], [sflag:$0x2] =	stream.linear.gather [hbm4b:s12+s4], $0x200, $0x38;
	[tilespmem:$0xE800] =	vst v63  }
0x39: {  	_ =	swait.ge [sflag:s3], $0x200  }
0x3a: {  	[sflag:s3] =	ssyncset.done $0x0  }
0x3b: {  	s12 =	rddreg [dreg:$0x7];
	[sflag:s3] =	ssyncadd.s32 $0xFFFFFE00  }
0x3c: {  	[tilespmem:s2], [sflag:$0x1] =	stream.indirect.gather [hbm4b:s12+s1], $0x20, s4, s1, $0xb8;
	[tilespmem:$0xE800] =	vst v63  }
0x3d: {  	s12 =	rddreg [dreg:$0x8]  }
0x3e: {  	[tilespmem:s5], [sflag:$0x1] =	stream.indirect.gather [hbm4b:s12+s1], $0x1, s1, s1, $0xb8;
	[tilespmem:$0xE800] =	vst v63  }
0x3f: {  	s11 =	rddreg [dreg:$0xc];
	s12 =	simm.s32 $0x8600  }
0x40: {  	[tilespmem:s12], [sflag:$0x1] =	stream.indirect.gather [hbm4b:s11+s1], $0x1, s1, s1, $0xb8;
	[tilespmem:$0xE800] =	vst v63  }
0x41: {  	s11 =	rddreg [dreg:$0xd];
	s12 =	simm.s32 $0x8800  }
0x42: {  	[tilespmem:s12], [sflag:$0x1] =	stream.indirect.gather [hbm4b:s11+s1], $0x1, s1, s1, $0xb8;
	[tilespmem:$0xE800] =	vst v63  }
0x43: {  	s11 =	rddreg [dreg:$0xe];
	s12 =	simm.s32 $0x8A00  }
0x44: {  	[tilespmem:s12], [sflag:$0x1] =	stream.indirect.gather [hbm4b:s11+s1], $0x1, s1, s1, $0xb8;
	[tilespmem:$0xE800] =	vst v63  }
0x45: {  	s11 =	rddreg [dreg:$0xf];
	s12 =	simm.s32 $0x8C00  }
0x46: {  	[tilespmem:s12], [sflag:$0x1] =	stream.indirect.gather [hbm4b:s11+s1], $0x1, s1, s1, $0xb8;
	[tilespmem:$0xE800] =	vst v63  }
0x47: {  	s11 =	rddreg [dreg:$0x10];
	s12 =	simm.s32 $0x8E00  }
0x48: {  	[tilespmem:s12], [sflag:$0x1] =	stream.indirect.gather [hbm4b:s11+s1], $0x1, s1, s1, $0xb8;
	[tilespmem:$0xE800] =	vst v63  }
0x49: {  	s11 =	rddreg [dreg:$0x11];
	s12 =	simm.s32 $0x9000  }
0x4a: {  	[tilespmem:s12], [sflag:$0x1] =	stream.indirect.gather [hbm4b:s11+s1], $0x1, s1, s1, $0xb8;
	[tilespmem:$0xE800] =	vst v63  }
0x4b: {  	s11 =	rddreg [dreg:$0x12];
	s12 =	simm.s32 $0x9200  }
0x4c: {  	[tilespmem:s12], [sflag:$0x1] =	stream.indirect.gather [hbm4b:s11+s1], $0x1, s1, s1, $0xb8;
	[tilespmem:$0xE800] =	vst v63  }
0x4d: {  	s11 =	rddreg [dreg:$0x13];
	s12 =	simm.s32 $0x9400  }
0x4e: {  	[tilespmem:s12], [sflag:$0x1] =	stream.indirect.gather [hbm4b:s11+s1], $0x1, s1, s1, $0xb8;
	[tilespmem:$0xE800] =	vst v63  }
0x4f: {  	s11 =	rddreg [dreg:$0x14];
	s12 =	simm.s32 $0x9600  }
0x50: {  	[tilespmem:s12], [sflag:$0x1] =	stream.indirect.gather [hbm4b:s11+s1], $0x1, s1, s1, $0xb8;
	[tilespmem:$0xE800] =	vst v63  }
0x51: {  	s11 =	rddreg [dreg:$0x16];
	s12 =	simm.s32 $0x9800  }
0x52: {  	[tilespmem:s12], [sflag:$0x1] =	stream.indirect.gather [hbm4b:s11+s1], $0x1, s1, s1, $0xb8;
	[tilespmem:$0xE800] =	vst v63  }
0x53: {  	s11 =	rddreg [dreg:$0x17];
	s12 =	simm.s32 $0x9A00  }
0x54: {  	[tilespmem:s12], [sflag:$0x1] =	stream.indirect.gather [hbm4b:s11+s1], $0x1, s1, s1, $0xb8;
	[tilespmem:$0xE800] =	vst v63  }
0x55: {  	s11 =	rddreg [dreg:$0x18];
	s12 =	simm.s32 $0x9C00  }
0x56: {  	[tilespmem:s12], [sflag:$0x1] =	stream.indirect.gather [hbm4b:s11+s1], $0x1, s1, s1, $0xb8;
	[tilespmem:$0xE800] =	vst v63  }
0x57: {  	s11 =	rddreg [dreg:$0x19];
	s12 =	simm.s32 $0x9E00  }
0x58: {  	[tilespmem:s12], [sflag:$0x1] =	stream.indirect.gather [hbm4b:s11+s1], $0x1, s1, s1, $0xb8;
	[tilespmem:$0xE800] =	vst v63  }
0x59: {  	s11 =	rddreg [dreg:$0x1a];
	s12 =	simm.s32 $0xA000  }
0x5a: {  	[tilespmem:s12], [sflag:$0x1] =	stream.indirect.gather [hbm4b:s11+s1], $0x1, s1, s1, $0xb8;
	[tilespmem:$0xE800] =	vst v63  }
0x5b: {  	s11 =	rddreg [dreg:$0x1b];
	s12 =	simm.s32 $0xA200  }
0x5c: {  	[tilespmem:s12], [sflag:$0x1] =	stream.indirect.gather [hbm4b:s11+s1], $0x1, s1, s1, $0xb8;
	[tilespmem:$0xE800] =	vst v63  }
0x5d: {  	s11 =	rddreg [dreg:$0x1c];
	s12 =	simm.s32 $0xA400  }
0x5e: {  	[tilespmem:s12], [sflag:$0x1] =	stream.indirect.gather [hbm4b:s11+s1], $0x1, s1, s1, $0xb8;
	[tilespmem:$0xE800] =	vst v63  }
0x5f: {  	s11 =	rddreg [dreg:$0x1d];
	s12 =	simm.s32 $0xA600  }
0x60: {  	[tilespmem:s12], [sflag:$0x1] =	stream.indirect.gather [hbm4b:s11+s1], $0x1, s1, s1, $0xb8;
	[tilespmem:$0xE800] =	vst v63  }
0x61: {  	s11 =	rddreg [dreg:$0x1e];
	s12 =	simm.s32 $0xA800  }
0x62: {  	[tilespmem:s12], [sflag:$0x1] =	stream.indirect.gather [hbm4b:s11+s1], $0x1, s1, s1, $0xb8;
	[tilespmem:$0xE800] =	vst v63  }
0x63: {  	s11 =	rddreg [dreg:$0x1f];
	s12 =	simm.s32 $0xAA00  }
0x64: {  	[tilespmem:s12], [sflag:$0x1] =	stream.indirect.gather [hbm4b:s11+s1], $0x1, s1, s1, $0xb8;
	[tilespmem:$0xE800] =	vst v63  }
0x65: {  	s11 =	sld [smem:$0x7F1];
	_ =	sdelay $0x1  }
0x66: {  	s12 =	simm.s32 $0xAC00  }
0x67: {  	[tilespmem:s12], [sflag:$0x1] =	stream.indirect.gather [hbm4b:s11+s1], $0x1, s1, s1, $0xb8;
	[tilespmem:$0xE800] =	vst v63  }
0x68: {  	s11 =	sld [smem:$0x7F2];
	_ =	sdelay $0x1  }
0x69: {  	s12 =	simm.s32 $0xAE00  }
0x6a: {  	[tilespmem:s12], [sflag:$0x1] =	stream.indirect.gather [hbm4b:s11+s1], $0x1, s1, s1, $0xb8;
	[tilespmem:$0xE800] =	vst v63  }
0x6b: {  	s11 =	sld [smem:$0x7F3];
	_ =	sdelay $0x1  }
0x6c: {  	s12 =	simm.s32 $0xB000  }
0x6d: {  	[tilespmem:s12], [sflag:$0x1] =	stream.indirect.gather [hbm4b:s11+s1], $0x1, s1, s1, $0xb8;
	[tilespmem:$0xE800] =	vst v63  }
0x6e: {  	s11 =	sld [smem:$0x7F4];
	_ =	sdelay $0x1  }
0x6f: {  	s12 =	simm.s32 $0xB200  }
0x70: {  	[tilespmem:s12], [sflag:$0x1] =	stream.indirect.gather [hbm4b:s11+s1], $0x1, s1, s1, $0xb8;
	[tilespmem:$0xE800] =	vst v63  }
0x71: {  	s11 =	sld [smem:$0x7F5];
	_ =	sdelay $0x1  }
0x72: {  	s12 =	simm.s32 $0xB400  }
0x73: {  	[tilespmem:s12], [sflag:$0x1] =	stream.indirect.gather [hbm4b:s11+s1], $0x1, s1, s1, $0xb8;
	[tilespmem:$0xE800] =	vst v63  }
0x74: {  	s11 =	sld [smem:$0x7F6];
	_ =	sdelay $0x1  }
0x75: {  	s12 =	simm.s32 $0xB600  }
0x76: {  	[tilespmem:s12], [sflag:$0x1] =	stream.indirect.gather [hbm4b:s11+s1], $0x1, s1, s1, $0xb8;
	[tilespmem:$0xE800] =	vst v63  }
0x77: {  	s11 =	sld [smem:$0x7F7];
	_ =	sdelay $0x1  }
0x78: {  	s12 =	simm.s32 $0xB800  }
0x79: {  	[tilespmem:s12], [sflag:$0x1] =	stream.indirect.gather [hbm4b:s11+s1], $0x1, s1, s1, $0xb8;
	[tilespmem:$0xE800] =	vst v63  }
0x7a: {  	s11 =	sld [smem:$0x7F8];
	_ =	sdelay $0x1  }
0x7b: {  	s12 =	simm.s32 $0xBA00  }
0x7c: {  	[tilespmem:s12], [sflag:$0x1] =	stream.indirect.gather [hbm4b:s11+s1], $0x1, s1, s1, $0xb8;
	[tilespmem:$0xE800] =	vst v63  }
0x7d: {  	s11 =	sld [smem:$0x7F9];
	_ =	sdelay $0x1  }
0x7e: {  	s12 =	simm.s32 $0xBC00  }
0x7f: {  	[tilespmem:s12], [sflag:$0x1] =	stream.indirect.gather [hbm4b:s11+s1], $0x1, s1, s1, $0xb8;
	[tilespmem:$0xE800] =	vst v63  }
0x80: {  	s11 =	sld [smem:$0x7FA];
	_ =	sdelay $0x1  }
0x81: {  	s12 =	simm.s32 $0xBE00  }
0x82: {  	[tilespmem:s12], [sflag:$0x1] =	stream.indirect.gather [hbm4b:s11+s1], $0x1, s1, s1, $0xb8;
	[tilespmem:$0xE800] =	vst v63  }
0x83: {  	s11 =	sld [smem:$0x7FB];
	_ =	sdelay $0x1  }
0x84: {  	s12 =	simm.s32 $0xC000  }
0x85: {  	[tilespmem:s12], [sflag:$0x1] =	stream.indirect.gather [hbm4b:s11+s1], $0x1, s1, s1, $0xb8;
	[tilespmem:$0xE800] =	vst v63  }
0x86: {  	s11 =	sld [smem:$0x7FC];
	_ =	sdelay $0x1  }
0x87: {  	s12 =	simm.s32 $0xC200  }
0x88: {  	[tilespmem:s12], [sflag:$0x1] =	stream.indirect.gather [hbm4b:s11+s1], $0x1, s1, s1, $0xb8;
	[tilespmem:$0xE800] =	vst v63  }
0x89: {  	s12 =	rddreg [dreg:$0x9]  }
0x8a: {  	s11 =	sld [smem:$0x7FD]  }
0x8b: {  	[tilespmem:s6], [sflag:$0x1] =	stream.indirect.gather [hbm4b:s12+s1], $0x1, s1, s1, $0xb8;
	[tilespmem:$0xE800] =	vst v63  }
0x8c: {  	s12 =	simm.s32 $0xC600  }
0x8d: {  	[tilespmem:s12], [sflag:$0x1] =	stream.indirect.gather [hbm4b:s11+s1], $0x1, s1, s1, $0xb8;
	[tilespmem:$0xE800] =	vst v63  }
0x8e: {  	s12 =	simm.s32 $0xC800  }
0x8f: {  	[tilespmem:s12], [sflag:$0x1] =	stream.indirect.gather [hbm4b:s13+s1], $0x1, s1, s1, $0xb8;
	[tilespmem:$0xE800] =	vst v63  }
0x90: {  	s12 =	simm.s32 $0xCA00  }
0x91: {  	[tilespmem:s12], [sflag:$0x1] =	stream.indirect.gather [hbm4b:s14+s1], $0x1, s1, s1, $0xb8;
	[tilespmem:$0xE800] =	vst v63  }
0x92: {  	s12 =	simm.s32 $0xCC00  }
0x93: {  	[tilespmem:s12], [sflag:$0x1] =	stream.indirect.gather [hbm4b:s15+s1], $0x1, s1, s1, $0xb8;
	[tilespmem:$0xE800] =	vst v63  }
0x94: {  	s12 =	simm.s32 $0xCE00  }
0x95: {  	[tilespmem:s12], [sflag:$0x1] =	stream.indirect.gather [hbm4b:s16+s1], $0x1, s1, s1, $0xb8;
	[tilespmem:$0xE800] =	vst v63  }
0x96: {  	s12 =	simm.s32 $0xD000  }
0x97: {  	[tilespmem:s12], [sflag:$0x1] =	stream.indirect.gather [hbm4b:s17+s1], $0x1, s1, s1, $0xb8;
	[tilespmem:$0xE800] =	vst v63  }
0x98: {  	s12 =	simm.s32 $0xD200  }
0x99: {  	[tilespmem:s12], [sflag:$0x1] =	stream.indirect.gather [hbm4b:s18+s1], $0x1, s1, s1, $0xb8;
	[tilespmem:$0xE800] =	vst v63  }
0x9a: {  	s12 =	simm.s32 $0xD400  }
0x9b: {  	[tilespmem:s12], [sflag:$0x1] =	stream.indirect.gather [hbm4b:s19+s1], $0x1, s1, s1, $0xb8;
	[tilespmem:$0xE800] =	vst v63  }
0x9c: {  	s12 =	simm.s32 $0xD600  }
0x9d: {  	[tilespmem:s12], [sflag:$0x1] =	stream.indirect.gather [hbm4b:s20+s1], $0x1, s1, s1, $0xb8;
	[tilespmem:$0xE800] =	vst v63  }
0x9e: {  	s12 =	simm.s32 $0xD800  }
0x9f: {  	[tilespmem:s12], [sflag:$0x1] =	stream.indirect.gather [hbm4b:s21+s1], $0x1, s1, s1, $0xb8;
	[tilespmem:$0xE800] =	vst v63  }
0xa0: {  	s12 =	simm.s32 $0xDA00  }
0xa1: {  	[tilespmem:s12], [sflag:$0x1] =	stream.indirect.gather [hbm4b:s22+s1], $0x1, s1, s1, $0xb8;
	[tilespmem:$0xE800] =	vst v63  }
0xa2: {  	s12 =	simm.s32 $0xDC00  }
0xa3: {  	[tilespmem:s12], [sflag:$0x1] =	stream.indirect.gather [hbm4b:s23+s1], $0x1, s1, s1, $0xb8;
	[tilespmem:$0xE800] =	vst v63  }
0xa4: {  	s12 =	simm.s32 $0xDE00  }
0xa5: {  	[tilespmem:s12], [sflag:$0x1] =	stream.indirect.gather [hbm4b:s24+s1], $0x1, s1, s1, $0xb8;
	[tilespmem:$0xE800] =	vst v63  }
0xa6: {  	s12 =	simm.s32 $0xE000  }
0xa7: {  	[tilespmem:s12], [sflag:$0x1] =	stream.indirect.gather [hbm4b:s25+s1], $0x1, s1, s1, $0xb8;
	[tilespmem:$0xE800] =	vst v63  }
0xa8: {  	s12 =	simm.s32 $0xE200  }
0xa9: {  	[tilespmem:s12], [sflag:$0x1] =	stream.indirect.gather [hbm4b:s26+s1], $0x1, s1, s1, $0xb8;
	[tilespmem:$0xE800] =	vst v63  }
0xaa: {  	s12 =	rddreg [dreg:$0x3]  }
0xab: {  	[tilespmem:s7], [sflag:$0x1] =	stream.indirect.gather [hbm4b:s12+s1], $0x1, s4, s1, $0xb8;
	[tilespmem:$0xE800] =	vst v63  }
0xac: {  	s12 =	rddreg [dreg:$0x4]  }
0xad: {  	[tilespmem:s8], [sflag:$0x1] =	stream.indirect.gather [hbm4b:s12+s1], $0x1, s1, s1, $0xb8;
	[tilespmem:$0xE800] =	vst v63  }
0xae: {  	_ =	swait.ge [sflag:s9], $0x4000  }
0xaf: {  	[sflag:s9] =	ssyncset.done $0x0  }
0xb0: {  	[sflag:s9] =	ssyncadd.s32 $0xFFFFC000  }
0xb1: {  	_ =	swait.ge [sflag:s9], $0x200  }
0xb2: {  	[sflag:s9] =	ssyncset.done $0x0  }
0xb3: {  	[sflag:s9] =	ssyncadd.s32 $0xFFFFFE00  }
0xb4: {  	_ =	swait.ge [sflag:s9], $0x200  }
0xb5: {  	[sflag:s9] =	ssyncset.done $0x0  }
0xb6: {  	[sflag:s9] =	ssyncadd.s32 $0xFFFFFE00  }
0xb7: {  	_ =	swait.ge [sflag:s9], $0x200  }
0xb8: {  	[sflag:s9] =	ssyncset.done $0x0  }
0xb9: {  	[sflag:s9] =	ssyncadd.s32 $0xFFFFFE00  }
0xba: {  	_ =	swait.ge [sflag:s9], $0x200  }
0xbb: {  	[sflag:s9] =	ssyncset.done $0x0  }
0xbc: {  	[sflag:s9] =	ssyncadd.s32 $0xFFFFFE00  }
0xbd: {  	_ =	swait.ge [sflag:s9], $0x200  }
0xbe: {  	[sflag:s9] =	ssyncset.done $0x0  }
0xbf: {  	[sflag:s9] =	ssyncadd.s32 $0xFFFFFE00  }
0xc0: {  	_ =	swait.ge [sflag:s9], $0x200  }
0xc1: {  	[sflag:s9] =	ssyncset.done $0x0  }
0xc2: {  	[sflag:s9] =	ssyncadd.s32 $0xFFFFFE00  }
0xc3: {  	_ =	swait.ge [sflag:s9], $0x200  }
0xc4: {  	[sflag:s9] =	ssyncset.done $0x0  }
0xc5: {  	[sflag:s9] =	ssyncadd.s32 $0xFFFFFE00  }
0xc6: {  	_ =	swait.ge [sflag:s9], $0x200  }
0xc7: {  	[sflag:s9] =	ssyncset.done $0x0  }
0xc8: {  	[sflag:s9] =	ssyncadd.s32 $0xFFFFFE00  }
0xc9: {  	_ =	swait.ge [sflag:s9], $0x200  }
0xca: {  	[sflag:s9] =	ssyncset.done $0x0  }
0xcb: {  	[sflag:s9] =	ssyncadd.s32 $0xFFFFFE00  }
0xcc: {  	_ =	swait.ge [sflag:s9], $0x200  }
0xcd: {  	[sflag:s9] =	ssyncset.done $0x0  }
0xce: {  	[sflag:s9] =	ssyncadd.s32 $0xFFFFFE00  }
0xcf: {  	_ =	swait.ge [sflag:s9], $0x200  }
0xd0: {  	[sflag:s9] =	ssyncset.done $0x0  }
0xd1: {  	[sflag:s9] =	ssyncadd.s32 $0xFFFFFE00  }
0xd2: {  	_ =	swait.ge [sflag:s9], $0x200  }
0xd3: {  	[sflag:s9] =	ssyncset.done $0x0  }
0xd4: {  	[sflag:s9] =	ssyncadd.s32 $0xFFFFFE00  }
0xd5: {  	_ =	swait.ge [sflag:s9], $0x200  }
0xd6: {  	[sflag:s9] =	ssyncset.done $0x0  }
0xd7: {  	[sflag:s9] =	ssyncadd.s32 $0xFFFFFE00  }
0xd8: {  	_ =	swait.ge [sflag:s9], $0x200  }
0xd9: {  	[sflag:s9] =	ssyncset.done $0x0  }
0xda: {  	[sflag:s9] =	ssyncadd.s32 $0xFFFFFE00  }
0xdb: {  	_ =	swait.ge [sflag:s9], $0x200  }
0xdc: {  	[sflag:s9] =	ssyncset.done $0x0  }
0xdd: {  	[sflag:s9] =	ssyncadd.s32 $0xFFFFFE00  }
0xde: {  	_ =	swait.ge [sflag:s9], $0x200  }
0xdf: {  	[sflag:s9] =	ssyncset.done $0x0  }
0xe0: {  	[sflag:s9] =	ssyncadd.s32 $0xFFFFFE00  }
0xe1: {  	_ =	swait.ge [sflag:s9], $0x200  }
0xe2: {  	[sflag:s9] =	ssyncset.done $0x0  }
0xe3: {  	[sflag:s9] =	ssyncadd.s32 $0xFFFFFE00  }
0xe4: {  	_ =	swait.ge [sflag:s9], $0x200  }
0xe5: {  	[sflag:s9] =	ssyncset.done $0x0  }
0xe6: {  	[sflag:s9] =	ssyncadd.s32 $0xFFFFFE00  }
0xe7: {  	_ =	swait.ge [sflag:s9], $0x200  }
0xe8: {  	[sflag:s9] =	ssyncset.done $0x0  }
0xe9: {  	[sflag:s9] =	ssyncadd.s32 $0xFFFFFE00  }
0xea: {  	_ =	swait.ge [sflag:s9], $0x200  }
0xeb: {  	[sflag:s9] =	ssyncset.done $0x0  }
0xec: {  	[sflag:s9] =	ssyncadd.s32 $0xFFFFFE00  }
0xed: {  	_ =	swait.ge [sflag:s9], $0x200  }
0xee: {  	[sflag:s9] =	ssyncset.done $0x0  }
0xef: {  	[sflag:s9] =	ssyncadd.s32 $0xFFFFFE00  }
0xf0: {  	_ =	swait.ge [sflag:s9], $0x200  }
0xf1: {  	[sflag:s9] =	ssyncset.done $0x0  }
0xf2: {  	[sflag:s9] =	ssyncadd.s32 $0xFFFFFE00  }
0xf3: {  	_ =	swait.ge [sflag:s9], $0x200  }
0xf4: {  	[sflag:s9] =	ssyncset.done $0x0  }
0xf5: {  	[sflag:s9] =	ssyncadd.s32 $0xFFFFFE00  }
0xf6: {  	_ =	swait.ge [sflag:s9], $0x200  }
0xf7: {  	[sflag:s9] =	ssyncset.done $0x0  }
0xf8: {  	[sflag:s9] =	ssyncadd.s32 $0xFFFFFE00  }
0xf9: {  	_ =	swait.ge [sflag:s9], $0x200  }
0xfa: {  	[sflag:s9] =	ssyncset.done $0x0  }
0xfb: {  	[sflag:s9] =	ssyncadd.s32 $0xFFFFFE00  }
0xfc: {  	_ =	swait.ge [sflag:s9], $0x200  }
0xfd: {  	[sflag:s9] =	ssyncset.done $0x0  }
0xfe: {  	[sflag:s9] =	ssyncadd.s32 $0xFFFFFE00  }
0xff: {  	_ =	swait.ge [sflag:s9], $0x200  }
0x100: {  	[sflag:s9] =	ssyncset.done $0x0  }
0x101: {  	[sflag:s9] =	ssyncadd.s32 $0xFFFFFE00  }
0x102: {  	_ =	swait.ge [sflag:s9], $0x200  }
0x103: {  	[sflag:s9] =	ssyncset.done $0x0  }
0x104: {  	[sflag:s9] =	ssyncadd.s32 $0xFFFFFE00  }
0x105: {  	_ =	swait.ge [sflag:s9], $0x200  }
0x106: {  	[sflag:s9] =	ssyncset.done $0x0  }
0x107: {  	[sflag:s9] =	ssyncadd.s32 $0xFFFFFE00  }
0x108: {  	_ =	swait.ge [sflag:s9], $0x200  }
0x109: {  	[sflag:s9] =	ssyncset.done $0x0  }
0x10a: {  	[sflag:s9] =	ssyncadd.s32 $0xFFFFFE00  }
0x10b: {  	_ =	swait.ge [sflag:s9], $0x200  }
0x10c: {  	[sflag:s9] =	ssyncset.done $0x0  }
0x10d: {  	[sflag:s9] =	ssyncadd.s32 $0xFFFFFE00  }
0x10e: {  	_ =	swait.ge [sflag:s9], $0x200  }
0x10f: {  	[sflag:s9] =	ssyncset.done $0x0  }
0x110: {  	[sflag:s9] =	ssyncadd.s32 $0xFFFFFE00  }
0x111: {  	_ =	swait.ge [sflag:s9], $0x200  }
0x112: {  	[sflag:s9] =	ssyncset.done $0x0  }
0x113: {  	[sflag:s9] =	ssyncadd.s32 $0xFFFFFE00  }
0x114: {  	_ =	swait.ge [sflag:s9], $0x200  }
0x115: {  	[sflag:s9] =	ssyncset.done $0x0  }
0x116: {  	[sflag:s9] =	ssyncadd.s32 $0xFFFFFE00  }
0x117: {  	_ =	swait.ge [sflag:s9], $0x200  }
0x118: {  	[sflag:s9] =	ssyncset.done $0x0  }
0x119: {  	[sflag:s9] =	ssyncadd.s32 $0xFFFFFE00  }
0x11a: {  	_ =	swait.ge [sflag:s9], $0x200  }
0x11b: {  	[sflag:s9] =	ssyncset.done $0x0  }
0x11c: {  	[sflag:s9] =	ssyncadd.s32 $0xFFFFFE00  }
0x11d: {  	_ =	swait.ge [sflag:s9], $0x200  }
0x11e: {  	[sflag:s9] =	ssyncset.done $0x0  }
0x11f: {  	[sflag:s9] =	ssyncadd.s32 $0xFFFFFE00  }
0x120: {  	_ =	swait.ge [sflag:s9], $0x200  }
0x121: {  	[sflag:s9] =	ssyncset.done $0x0  }
0x122: {  	[sflag:s9] =	ssyncadd.s32 $0xFFFFFE00  }
0x123: {  	_ =	swait.ge [sflag:s9], $0x200  }
0x124: {  	[sflag:s9] =	ssyncset.done $0x0  }
0x125: {  	[sflag:s9] =	ssyncadd.s32 $0xFFFFFE00  }
0x126: {  	_ =	swait.ge [sflag:s9], $0x200  }
0x127: {  	[sflag:s9] =	ssyncset.done $0x0  }
0x128: {  	[sflag:s9] =	ssyncadd.s32 $0xFFFFFE00  }
0x129: {  	_ =	swait.ge [sflag:s9], $0x200  }
0x12a: {  	[sflag:s9] =	ssyncset.done $0x0  }
0x12b: {  	[sflag:s9] =	ssyncadd.s32 $0xFFFFFE00  }
0x12c: {  	_ =	swait.ge [sflag:s9], $0x200  }
0x12d: {  	[sflag:s9] =	ssyncset.done $0x0  }
0x12e: {  	[sflag:s9] =	ssyncadd.s32 $0xFFFFFE00  }
0x12f: {  	_ =	swait.ge [sflag:s9], $0x200  }
0x130: {  	[sflag:s9] =	ssyncset.done $0x0  }
0x131: {  	[sflag:s9] =	ssyncadd.s32 $0xFFFFFE00  }
0x132: {  	_ =	swait.ge [sflag:s9], $0x200  }
0x133: {  	[sflag:s9] =	ssyncset.done $0x0  }
0x134: {  	[sflag:s9] =	ssyncadd.s32 $0xFFFFFE00  }
0x135: {  	_ =	swait.ge [sflag:s9], $0x200  }
0x136: {  	[sflag:s9] =	ssyncset.done $0x0  }
0x137: {  	[sflag:s9] =	ssyncadd.s32 $0xFFFFFE00  }
0x138: {  	_ =	swait.ge [sflag:s9], $0x200  }
0x139: {  	[sflag:s9] =	ssyncset.done $0x0  }
0x13a: {  	[sflag:s9] =	ssyncadd.s32 $0xFFFFFE00  }
0x13b: {  	_ =	swait.ge [sflag:s9], $0x200  }
0x13c: {  	[sflag:s9] =	ssyncset.done $0x0  }
0x13d: {  	[sflag:s9] =	ssyncadd.s32 $0xFFFFFE00  }
0x13e: {  	_ =	swait.ge [sflag:s9], $0x200  }
0x13f: {  	[sflag:s9] =	ssyncset.done $0x0  }
0x140: {  	v1 =	vmov s4;
	[sflag:s9] =	ssyncadd.s32 $0xFFFFFE00  }
0x141: {  	v1 =	vshll.u32 v1, $0x5;
	_ =	swait.ge [sflag:s9], $0x200  }
0x142: {  	v1 =	vor.u32 v0, v1;
	[sflag:s9] =	ssyncset.done $0x0  }
0x143: {  	[sflag:s9] =	ssyncadd.s32 $0xFFFFFE00  }
0x144: {  	_ =	swait.ge [sflag:s9], $0x200  }
0x145: {  	[sflag:s9] =	ssyncset.done $0x0  }
0x146: {  	[sflag:s9] =	ssyncadd.s32 $0xFFFFFE00  }
0x147: {  	v2 =	vld.idx.msk [tilespmem:v1+s2+$0x0], $0xffff  }
0x148: {  	v3 =	vor.u32 $0x1, v1;
	_ =	sdelay $0x2  }
0x149: {  	s11 =	simm.s32 $0x6400  }
0x14a: {  	[tilespmem:s11+$0xFFFFE000] =	vst v2  }
0x14b: {  	v2 =	vld.idx.msk [tilespmem:v3+s2+$0x0], $0xffff  }
0x14c: {  	v3 =	vor.u32 $0x2, v1;
	_ =	sdelay $0x3  }
0x14d: {  	[tilespmem:s11+$0xFFFFE200] =	vst v2  }
0x14e: {  	v2 =	vld.idx.msk [tilespmem:v3+s2+$0x0], $0xffff  }
0x14f: {  	v3 =	vor.u32 $0x3, v1;
	_ =	sdelay $0x3  }
0x150: {  	[tilespmem:s11+$0xFFFFE400] =	vst v2  }
0x151: {  	v2 =	vld.idx.msk [tilespmem:v3+s2+$0x0], $0xffff  }
0x152: {  	v3 =	vor.u32 $0x4, v1;
	_ =	sdelay $0x3  }
0x153: {  	[tilespmem:s11+$0xFFFFE600] =	vst v2  }
0x154: {  	v2 =	vld.idx.msk [tilespmem:v3+s2+$0x0], $0xffff  }
0x155: {  	v3 =	vor.u32 $0x5, v1;
	_ =	sdelay $0x3  }
0x156: {  	[tilespmem:s11+$0xFFFFE800] =	vst v2  }
0x157: {  	v2 =	vld.idx.msk [tilespmem:v3+s2+$0x0], $0xffff  }
0x158: {  	v3 =	vor.u32 $0x6, v1;
	_ =	sdelay $0x3  }
0x159: {  	[tilespmem:s11+$0xFFFFEA00] =	vst v2  }
0x15a: {  	v2 =	vld.idx.msk [tilespmem:v3+s2+$0x0], $0xffff  }
0x15b: {  	v3 =	vor.u32 $0x7, v1;
	_ =	sdelay $0x3  }
0x15c: {  	[tilespmem:s11+$0xFFFFEC00] =	vst v2  }
0x15d: {  	v2 =	vld.idx.msk [tilespmem:v3+s2+$0x0], $0xffff  }
0x15e: {  	v3 =	vor.u32 $0x8, v1;
	_ =	sdelay $0x3  }
0x15f: {  	[tilespmem:s11+$0xFFFFEE00] =	vst v2  }
0x160: {  	v2 =	vld.idx.msk [tilespmem:v3+s2+$0x0], $0xffff  }
0x161: {  	v3 =	vor.u32 $0x9, v1;
	_ =	sdelay $0x3  }
0x162: {  	[tilespmem:s11+$0xFFFFF000] =	vst v2  }
0x163: {  	v2 =	vld.idx.msk [tilespmem:v3+s2+$0x0], $0xffff  }
0x164: {  	v3 =	vor.u32 $0xA, v1;
	_ =	sdelay $0x3  }
0x165: {  	[tilespmem:s11+$0xFFFFF200] =	vst v2  }
0x166: {  	v2 =	vld.idx.msk [tilespmem:v3+s2+$0x0], $0xffff  }
0x167: {  	v3 =	vor.u32 $0xB, v1;
	_ =	sdelay $0x3  }
0x168: {  	[tilespmem:s11+$0xFFFFF400] =	vst v2  }
0x169: {  	v2 =	vld.idx.msk [tilespmem:v3+s2+$0x0], $0xffff  }
0x16a: {  	v3 =	vor.u32 $0xC, v1;
	_ =	sdelay $0x3  }
0x16b: {  	[tilespmem:s11+$0xFFFFF600] =	vst v2  }
0x16c: {  	v2 =	vld.idx.msk [tilespmem:v3+s2+$0x0], $0xffff  }
0x16d: {  	v3 =	vor.u32 $0xD, v1;
	_ =	sdelay $0x3  }
0x16e: {  	[tilespmem:s11+$0xFFFFF800] =	vst v2  }
0x16f: {  	v2 =	vld.idx.msk [tilespmem:v3+s2+$0x0], $0xffff  }
0x170: {  	v3 =	vor.u32 $0xE, v1;
	_ =	sdelay $0x3  }
0x171: {  	[tilespmem:s11+$0xFFFFFA00] =	vst v2  }
0x172: {  	v2 =	vld.idx.msk [tilespmem:v3+s2+$0x0], $0xffff  }
0x173: {  	v3 =	vor.u32 $0xF, v1;
	_ =	sdelay $0x3  }
0x174: {  	[tilespmem:s11+$0xFFFFFC00] =	vst v2  }
0x175: {  	v2 =	vld.idx.msk [tilespmem:v3+s2+$0x0], $0xffff  }
0x176: {  	v3 =	vor.u32 $0x10, v1;
	_ =	sdelay $0x3  }
0x177: {  	[tilespmem:s11+$0xFFFFFE00] =	vst v2  }
0x178: {  	v2 =	vld.idx.msk [tilespmem:v3+s2+$0x0], $0xffff  }
0x179: {  	v3 =	vor.u32 $0x11, v1;
	_ =	sdelay $0x3  }
0x17a: {  	[tilespmem:s11+$0x0] =	vst v2  }
0x17b: {  	v2 =	vld.idx.msk [tilespmem:v3+s2+$0x0], $0xffff  }
0x17c: {  	v3 =	vor.u32 $0x12, v1;
	_ =	sdelay $0x3  }
0x17d: {  	[tilespmem:s11+$0x200] =	vst v2  }
0x17e: {  	v2 =	vld.idx.msk [tilespmem:v3+s2+$0x0], $0xffff  }
0x17f: {  	v3 =	vor.u32 $0x13, v1;
	_ =	sdelay $0x3  }
0x180: {  	[tilespmem:s11+$0x400] =	vst v2  }
0x181: {  	v2 =	vld.idx.msk [tilespmem:v3+s2+$0x0], $0xffff  }
0x182: {  	v3 =	vor.u32 $0x14, v1;
	_ =	sdelay $0x3  }
0x183: {  	[tilespmem:s11+$0x600] =	vst v2  }
0x184: {  	v2 =	vld.idx.msk [tilespmem:v3+s2+$0x0], $0xffff  }
0x185: {  	v3 =	vor.u32 $0x15, v1;
	_ =	sdelay $0x3  }
0x186: {  	[tilespmem:s11+$0x800] =	vst v2  }
0x187: {  	v2 =	vld.idx.msk [tilespmem:v3+s2+$0x0], $0xffff  }
0x188: {  	v3 =	vor.u32 $0x16, v1;
	_ =	sdelay $0x3  }
0x189: {  	[tilespmem:s11+$0xA00] =	vst v2  }
0x18a: {  	v2 =	vld.idx.msk [tilespmem:v3+s2+$0x0], $0xffff  }
0x18b: {  	v3 =	vor.u32 $0x17, v1;
	_ =	sdelay $0x3  }
0x18c: {  	[tilespmem:s11+$0xC00] =	vst v2  }
0x18d: {  	v2 =	vld.idx.msk [tilespmem:v3+s2+$0x0], $0xffff  }
0x18e: {  	v3 =	vor.u32 $0x18, v1;
	_ =	sdelay $0x3  }
0x18f: {  	[tilespmem:s11+$0xE00] =	vst v2  }
0x190: {  	v2 =	vld.idx.msk [tilespmem:v3+s2+$0x0], $0xffff  }
0x191: {  	v3 =	vor.u32 $0x19, v1;
	_ =	sdelay $0x3  }
0x192: {  	[tilespmem:s11+$0x1000] =	vst v2  }
0x193: {  	v2 =	vld.idx.msk [tilespmem:v3+s2+$0x0], $0xffff  }
0x194: {  	v3 =	vor.u32 $0x1A, v1;
	_ =	sdelay $0x3  }
0x195: {  	[tilespmem:s11+$0x1200] =	vst v2  }
0x196: {  	v2 =	vld.idx.msk [tilespmem:v3+s2+$0x0], $0xffff  }
0x197: {  	v3 =	vor.u32 $0x1B, v1;
	_ =	sdelay $0x3  }
0x198: {  	[tilespmem:s11+$0x1400] =	vst v2  }
0x199: {  	v2 =	vld.idx.msk [tilespmem:v3+s2+$0x0], $0xffff  }
0x19a: {  	v3 =	vor.u32 $0x1C, v1;
	_ =	sdelay $0x3  }
0x19b: {  	[tilespmem:s11+$0x1600] =	vst v2  }
0x19c: {  	v2 =	vld.idx.msk [tilespmem:v3+s2+$0x0], $0xffff  }
0x19d: {  	v3 =	vor.u32 $0x1D, v1;
	_ =	sdelay $0x3  }
0x19e: {  	[tilespmem:s11+$0x1800] =	vst v2  }
0x19f: {  	v2 =	vld.idx.msk [tilespmem:v3+s2+$0x0], $0xffff  }
0x1a0: {  	v3 =	vor.u32 $0x1E, v1;
	_ =	sdelay $0x3  }
0x1a1: {  	[tilespmem:s11+$0x1A00] =	vst v2  }
0x1a2: {  	v2 =	vld.idx.msk [tilespmem:v3+s2+$0x0], $0xffff  }
0x1a3: {  	v3 =	vor.u32 $0x1F, v1;
	_ =	sdelay $0x3  }
0x1a4: {  	s12 =	simm.s32 $0x10;
	[tilespmem:s11+$0x1C00] =	vst v2  }
0x1a5: {  	v1 =	vmov s12;
	s12 =	simm.s32 $0x20;
	v2 =	vld.idx.msk [tilespmem:v3+s2+$0x0], $0xffff  }
.LBB2_2:
0x1a6: {  	p0 =	sne.s32 s12, $0x1F0;
	v1 =	vshll.u32 v1, $0x5  }
0x1a7: {  	v1 =	vor.u32 v0, v1;
	_ =	sdelay $0x3  }
0x1a8: {  	[tilespmem:s11+$0x1E00] =	vst v2  }
0x1a9: {  	v2 =	vld.idx.msk [tilespmem:v1+s2+$0x0], $0xffff;
	_ =	sdelay $0x1  }
0x1aa: {  	v3 =	vor.u32 $0x1, v1;
	_ =	sdelay $0x2  }
0x1ab: {  	s11 =	sadd.s32 $0x10, s11  }
0x1ac: {  	[tilespmem:s11+$0xFFFFE000] =	vst v2  }
0x1ad: {  	v2 =	vld.idx.msk [tilespmem:v3+s2+$0x0], $0xffff;
	_ =	sdelay $0x1  }
0x1ae: {  	v3 =	vor.u32 $0x2, v1;
	_ =	sdelay $0x3  }
0x1af: {  	[tilespmem:s11+$0xFFFFE200] =	vst v2  }
0x1b0: {  	v2 =	vld.idx.msk [tilespmem:v3+s2+$0x0], $0xffff;
	_ =	sdelay $0x1  }
0x1b1: {  	v3 =	vor.u32 $0x3, v1;
	_ =	sdelay $0x3  }
0x1b2: {  	[tilespmem:s11+$0xFFFFE400] =	vst v2  }
0x1b3: {  	v2 =	vld.idx.msk [tilespmem:v3+s2+$0x0], $0xffff;
	_ =	sdelay $0x1  }
0x1b4: {  	v3 =	vor.u32 $0x4, v1;
	_ =	sdelay $0x3  }
0x1b5: {  	[tilespmem:s11+$0xFFFFE600] =	vst v2  }
0x1b6: {  	v2 =	vld.idx.msk [tilespmem:v3+s2+$0x0], $0xffff;
	_ =	sdelay $0x1  }
0x1b7: {  	v3 =	vor.u32 $0x5, v1;
	_ =	sdelay $0x3  }
0x1b8: {  	[tilespmem:s11+$0xFFFFE800] =	vst v2  }
0x1b9: {  	v2 =	vld.idx.msk [tilespmem:v3+s2+$0x0], $0xffff;
	_ =	sdelay $0x1  }
0x1ba: {  	v3 =	vor.u32 $0x6, v1;
	_ =	sdelay $0x3  }
0x1bb: {  	[tilespmem:s11+$0xFFFFEA00] =	vst v2  }
0x1bc: {  	v2 =	vld.idx.msk [tilespmem:v3+s2+$0x0], $0xffff;
	_ =	sdelay $0x1  }
0x1bd: {  	v3 =	vor.u32 $0x7, v1;
	_ =	sdelay $0x3  }
0x1be: {  	[tilespmem:s11+$0xFFFFEC00] =	vst v2  }
0x1bf: {  	v2 =	vld.idx.msk [tilespmem:v3+s2+$0x0], $0xffff;
	_ =	sdelay $0x1  }
0x1c0: {  	v3 =	vor.u32 $0x8, v1;
	_ =	sdelay $0x3  }
0x1c1: {  	[tilespmem:s11+$0xFFFFEE00] =	vst v2  }
0x1c2: {  	v2 =	vld.idx.msk [tilespmem:v3+s2+$0x0], $0xffff;
	_ =	sdelay $0x1  }
0x1c3: {  	v3 =	vor.u32 $0x9, v1;
	_ =	sdelay $0x3  }
0x1c4: {  	[tilespmem:s11+$0xFFFFF000] =	vst v2  }
0x1c5: {  	v2 =	vld.idx.msk [tilespmem:v3+s2+$0x0], $0xffff;
	_ =	sdelay $0x1  }
0x1c6: {  	v3 =	vor.u32 $0xA, v1;
	_ =	sdelay $0x3  }
0x1c7: {  	[tilespmem:s11+$0xFFFFF200] =	vst v2  }
0x1c8: {  	v2 =	vld.idx.msk [tilespmem:v3+s2+$0x0], $0xffff;
	_ =	sdelay $0x1  }
0x1c9: {  	v3 =	vor.u32 $0xB, v1;
	_ =	sdelay $0x3  }
0x1ca: {  	[tilespmem:s11+$0xFFFFF400] =	vst v2  }
0x1cb: {  	v2 =	vld.idx.msk [tilespmem:v3+s2+$0x0], $0xffff;
	_ =	sdelay $0x1  }
0x1cc: {  	v3 =	vor.u32 $0xC, v1;
	_ =	sdelay $0x3  }
0x1cd: {  	[tilespmem:s11+$0xFFFFF600] =	vst v2  }
0x1ce: {  	v2 =	vld.idx.msk [tilespmem:v3+s2+$0x0], $0xffff;
	_ =	sdelay $0x1  }
0x1cf: {  	v3 =	vor.u32 $0xD, v1;
	_ =	sdelay $0x3  }
0x1d0: {  	[tilespmem:s11+$0xFFFFF800] =	vst v2  }
0x1d1: {  	v2 =	vld.idx.msk [tilespmem:v3+s2+$0x0], $0xffff;
	_ =	sdelay $0x1  }
0x1d2: {  	v3 =	vor.u32 $0xE, v1;
	_ =	sdelay $0x3  }
0x1d3: {  	[tilespmem:s11+$0xFFFFFA00] =	vst v2  }
0x1d4: {  	v2 =	vld.idx.msk [tilespmem:v3+s2+$0x0], $0xffff;
	_ =	sdelay $0x1  }
0x1d5: {  	v3 =	vor.u32 $0xF, v1;
	_ =	sdelay $0x3  }
0x1d6: {  	[tilespmem:s11+$0xFFFFFC00] =	vst v2  }
0x1d7: {  	v2 =	vld.idx.msk [tilespmem:v3+s2+$0x0], $0xffff;
	_ =	sdelay $0x1  }
0x1d8: {  	v3 =	vor.u32 $0x10, v1;
	_ =	sdelay $0x3  }
0x1d9: {  	[tilespmem:s11+$0xFFFFFE00] =	vst v2  }
0x1da: {  	v2 =	vld.idx.msk [tilespmem:v3+s2+$0x0], $0xffff;
	_ =	sdelay $0x1  }
0x1db: {  	v3 =	vor.u32 $0x11, v1;
	_ =	sdelay $0x3  }
0x1dc: {  	[tilespmem:s11+$0x0] =	vst v2  }
0x1dd: {  	v2 =	vld.idx.msk [tilespmem:v3+s2+$0x0], $0xffff;
	_ =	sdelay $0x1  }
0x1de: {  	v3 =	vor.u32 $0x12, v1;
	_ =	sdelay $0x3  }
0x1df: {  	[tilespmem:s11+$0x200] =	vst v2  }
0x1e0: {  	v2 =	vld.idx.msk [tilespmem:v3+s2+$0x0], $0xffff;
	_ =	sdelay $0x1  }
0x1e1: {  	v3 =	vor.u32 $0x13, v1;
	_ =	sdelay $0x3  }
0x1e2: {  	[tilespmem:s11+$0x400] =	vst v2  }
0x1e3: {  	v2 =	vld.idx.msk [tilespmem:v3+s2+$0x0], $0xffff;
	_ =	sdelay $0x1  }
0x1e4: {  	v3 =	vor.u32 $0x14, v1;
	_ =	sdelay $0x3  }
0x1e5: {  	[tilespmem:s11+$0x600] =	vst v2  }
0x1e6: {  	v2 =	vld.idx.msk [tilespmem:v3+s2+$0x0], $0xffff;
	_ =	sdelay $0x1  }
0x1e7: {  	v3 =	vor.u32 $0x15, v1;
	_ =	sdelay $0x3  }
0x1e8: {  	[tilespmem:s11+$0x800] =	vst v2  }
0x1e9: {  	v2 =	vld.idx.msk [tilespmem:v3+s2+$0x0], $0xffff;
	_ =	sdelay $0x1  }
0x1ea: {  	v3 =	vor.u32 $0x16, v1;
	_ =	sdelay $0x3  }
0x1eb: {  	[tilespmem:s11+$0xA00] =	vst v2  }
0x1ec: {  	v2 =	vld.idx.msk [tilespmem:v3+s2+$0x0], $0xffff;
	_ =	sdelay $0x1  }
0x1ed: {  	v3 =	vor.u32 $0x17, v1;
	_ =	sdelay $0x3  }
0x1ee: {  	[tilespmem:s11+$0xC00] =	vst v2  }
0x1ef: {  	v2 =	vld.idx.msk [tilespmem:v3+s2+$0x0], $0xffff;
	_ =	sdelay $0x1  }
0x1f0: {  	v3 =	vor.u32 $0x18, v1;
	_ =	sdelay $0x3  }
0x1f1: {  	[tilespmem:s11+$0xE00] =	vst v2  }
0x1f2: {  	v2 =	vld.idx.msk [tilespmem:v3+s2+$0x0], $0xffff;
	_ =	sdelay $0x1  }
0x1f3: {  	v3 =	vor.u32 $0x19, v1;
	_ =	sdelay $0x3  }
0x1f4: {  	[tilespmem:s11+$0x1000] =	vst v2  }
0x1f5: {  	v2 =	vld.idx.msk [tilespmem:v3+s2+$0x0], $0xffff;
	_ =	sdelay $0x1  }
0x1f6: {  	v3 =	vor.u32 $0x1A, v1;
	_ =	sdelay $0x3  }
0x1f7: {  	[tilespmem:s11+$0x1200] =	vst v2  }
0x1f8: {  	v2 =	vld.idx.msk [tilespmem:v3+s2+$0x0], $0xffff;
	_ =	sdelay $0x1  }
0x1f9: {  	v3 =	vor.u32 $0x1B, v1;
	_ =	sdelay $0x3  }
0x1fa: {  	[tilespmem:s11+$0x1400] =	vst v2  }
0x1fb: {  	v2 =	vld.idx.msk [tilespmem:v3+s2+$0x0], $0xffff;
	_ =	sdelay $0x1  }
0x1fc: {  	v3 =	vor.u32 $0x1C, v1;
	_ =	sdelay $0x3  }
0x1fd: {  	[tilespmem:s11+$0x1600] =	vst v2  }
0x1fe: {  	v2 =	vld.idx.msk [tilespmem:v3+s2+$0x0], $0xffff;
	_ =	sdelay $0x1  }
0x1ff: {  	v3 =	vor.u32 $0x1D, v1;
	_ =	sdelay $0x3  }
0x200: {  	[tilespmem:s11+$0x1800] =	vst v2  }
0x201: {  	v2 =	vld.idx.msk [tilespmem:v3+s2+$0x0], $0xffff;
	_ =	sdelay $0x1  }
0x202: {  	v3 =	vor.u32 $0x1E, v1;
	_ =	sdelay $0x3  }
0x203: {  	[tilespmem:s11+$0x1A00] =	vst v2  }
0x204: {  	v2 =	vld.idx.msk [tilespmem:v3+s2+$0x0], $0xffff;
	_ =	sdelay $0x1  }
0x205: {  	v3 =	vor.u32 $0x1F, v1  }
.Ltmp0:
0x206: {  	(pc) =	sbr.rel @p0 .LBB2_2-.Ltmp0, $3  }
0x207: {  	_ =	sdelay $0x1  }
0x208: {  	[tilespmem:s11+$0x1C00] =	vst v2  }
0x209: {  	v1 =	vmov s12;
	s12 =	sadd.s32 $0x10, s12;
	v2 =	vld.idx.msk [tilespmem:v3+s2+$0x0], $0xffff  }
0x20a: {  	v1 =	vshll.u32 v1, $0x5  }
0x20b: {  	v1 =	vor.u32 v0, v1;
	_ =	sdelay $0x3  }
0x20c: {  	[tilespmem:s11+$0x1E00] =	vst v2  }
0x20d: {  	v2 =	vld.idx.msk [tilespmem:v1+s2+$0x0], $0xffff  }
0x20e: {  	v3 =	vor.u32 $0x1, v1;
	_ =	sdelay $0x2  }
0x20f: {  	s12 =	sadd.s32 $0x10, s11  }
0x210: {  	[tilespmem:s12+$0xFFFFE000] =	vst v2  }
0x211: {  	v2 =	vld.idx.msk [tilespmem:v3+s2+$0x0], $0xffff  }
0x212: {  	v3 =	vor.u32 $0x2, v1;
	_ =	sdelay $0x3  }
0x213: {  	[tilespmem:s12+$0xFFFFE200] =	vst v2  }
0x214: {  	v2 =	vld.idx.msk [tilespmem:v3+s2+$0x0], $0xffff  }
0x215: {  	v3 =	vor.u32 $0x3, v1;
	_ =	sdelay $0x3  }
0x216: {  	[tilespmem:s12+$0xFFFFE400] =	vst v2  }
0x217: {  	v2 =	vld.idx.msk [tilespmem:v3+s2+$0x0], $0xffff  }
0x218: {  	v3 =	vor.u32 $0x4, v1;
	_ =	sdelay $0x3  }
0x219: {  	[tilespmem:s12+$0xFFFFE600] =	vst v2  }
0x21a: {  	v2 =	vld.idx.msk [tilespmem:v3+s2+$0x0], $0xffff  }
0x21b: {  	v3 =	vor.u32 $0x5, v1;
	_ =	sdelay $0x3  }
0x21c: {  	[tilespmem:s12+$0xFFFFE800] =	vst v2  }
0x21d: {  	v2 =	vld.idx.msk [tilespmem:v3+s2+$0x0], $0xffff  }
0x21e: {  	v3 =	vor.u32 $0x6, v1;
	_ =	sdelay $0x3  }
0x21f: {  	[tilespmem:s12+$0xFFFFEA00] =	vst v2  }
0x220: {  	v2 =	vld.idx.msk [tilespmem:v3+s2+$0x0], $0xffff  }
0x221: {  	v3 =	vor.u32 $0x7, v1;
	_ =	sdelay $0x3  }
0x222: {  	[tilespmem:s12+$0xFFFFEC00] =	vst v2  }
0x223: {  	v2 =	vld.idx.msk [tilespmem:v3+s2+$0x0], $0xffff  }
0x224: {  	v3 =	vor.u32 $0x8, v1;
	_ =	sdelay $0x3  }
0x225: {  	[tilespmem:s12+$0xFFFFEE00] =	vst v2  }
0x226: {  	v2 =	vld.idx.msk [tilespmem:v3+s2+$0x0], $0xffff  }
0x227: {  	v3 =	vor.u32 $0x9, v1;
	_ =	sdelay $0x3  }
0x228: {  	[tilespmem:s12+$0xFFFFF000] =	vst v2  }
0x229: {  	v2 =	vld.idx.msk [tilespmem:v3+s2+$0x0], $0xffff  }
0x22a: {  	v3 =	vor.u32 $0xA, v1;
	_ =	sdelay $0x3  }
0x22b: {  	[tilespmem:s12+$0xFFFFF200] =	vst v2  }
0x22c: {  	v2 =	vld.idx.msk [tilespmem:v3+s2+$0x0], $0xffff  }
0x22d: {  	v3 =	vor.u32 $0xB, v1;
	_ =	sdelay $0x3  }
0x22e: {  	[tilespmem:s12+$0xFFFFF400] =	vst v2  }
0x22f: {  	v2 =	vld.idx.msk [tilespmem:v3+s2+$0x0], $0xffff  }
0x230: {  	v3 =	vor.u32 $0xC, v1;
	_ =	sdelay $0x3  }
0x231: {  	[tilespmem:s12+$0xFFFFF600] =	vst v2  }
0x232: {  	v2 =	vld.idx.msk [tilespmem:v3+s2+$0x0], $0xffff  }
0x233: {  	v3 =	vor.u32 $0xD, v1;
	_ =	sdelay $0x3  }
0x234: {  	[tilespmem:s12+$0xFFFFF800] =	vst v2  }
0x235: {  	v2 =	vld.idx.msk [tilespmem:v3+s2+$0x0], $0xffff  }
0x236: {  	v3 =	vor.u32 $0xE, v1;
	_ =	sdelay $0x3  }
0x237: {  	[tilespmem:s12+$0xFFFFFA00] =	vst v2  }
0x238: {  	v2 =	vld.idx.msk [tilespmem:v3+s2+$0x0], $0xffff  }
0x239: {  	v3 =	vor.u32 $0xF, v1;
	_ =	sdelay $0x3  }
0x23a: {  	[tilespmem:s12+$0xFFFFFC00] =	vst v2  }
0x23b: {  	v2 =	vld.idx.msk [tilespmem:v3+s2+$0x0], $0xffff  }
0x23c: {  	v3 =	vor.u32 $0x10, v1;
	_ =	sdelay $0x3  }
0x23d: {  	[tilespmem:s12+$0xFFFFFE00] =	vst v2  }
0x23e: {  	v2 =	vld.idx.msk [tilespmem:v3+s2+$0x0], $0xffff  }
0x23f: {  	v3 =	vor.u32 $0x11, v1;
	_ =	sdelay $0x3  }
0x240: {  	[tilespmem:s12+$0x0] =	vst v2  }
0x241: {  	v2 =	vld.idx.msk [tilespmem:v3+s2+$0x0], $0xffff  }
0x242: {  	v3 =	vor.u32 $0x12, v1;
	_ =	sdelay $0x3  }
0x243: {  	[tilespmem:s12+$0x200] =	vst v2  }
0x244: {  	v2 =	vld.idx.msk [tilespmem:v3+s2+$0x0], $0xffff  }
0x245: {  	v3 =	vor.u32 $0x13, v1;
	_ =	sdelay $0x3  }
0x246: {  	[tilespmem:s12+$0x400] =	vst v2  }
0x247: {  	v2 =	vld.idx.msk [tilespmem:v3+s2+$0x0], $0xffff  }
0x248: {  	v3 =	vor.u32 $0x14, v1;
	_ =	sdelay $0x3  }
0x249: {  	[tilespmem:s12+$0x600] =	vst v2  }
0x24a: {  	v2 =	vld.idx.msk [tilespmem:v3+s2+$0x0], $0xffff  }
0x24b: {  	v3 =	vor.u32 $0x15, v1;
	_ =	sdelay $0x3  }
0x24c: {  	[tilespmem:s12+$0x800] =	vst v2  }
0x24d: {  	v2 =	vld.idx.msk [tilespmem:v3+s2+$0x0], $0xffff  }
0x24e: {  	v3 =	vor.u32 $0x16, v1;
	_ =	sdelay $0x3  }
0x24f: {  	[tilespmem:s12+$0xA00] =	vst v2  }
0x250: {  	v2 =	vld.idx.msk [tilespmem:v3+s2+$0x0], $0xffff  }
0x251: {  	v3 =	vor.u32 $0x17, v1;
	_ =	sdelay $0x3  }
0x252: {  	[tilespmem:s12+$0xC00] =	vst v2  }
0x253: {  	v2 =	vld.idx.msk [tilespmem:v3+s2+$0x0], $0xffff  }
0x254: {  	v3 =	vor.u32 $0x18, v1;
	_ =	sdelay $0x3  }
0x255: {  	[tilespmem:s12+$0xE00] =	vst v2  }
0x256: {  	v2 =	vld.idx.msk [tilespmem:v3+s2+$0x0], $0xffff  }
0x257: {  	v3 =	vor.u32 $0x19, v1;
	_ =	sdelay $0x3  }
0x258: {  	[tilespmem:s12+$0x1000] =	vst v2  }
0x259: {  	v2 =	vld.idx.msk [tilespmem:v3+s2+$0x0], $0xffff  }
0x25a: {  	v3 =	vor.u32 $0x1A, v1;
	_ =	sdelay $0x3  }
0x25b: {  	[tilespmem:s12+$0x1200] =	vst v2  }
0x25c: {  	v2 =	vld.idx.msk [tilespmem:v3+s2+$0x0], $0xffff  }
0x25d: {  	v3 =	vor.u32 $0x1B, v1;
	_ =	sdelay $0x3  }
0x25e: {  	[tilespmem:s12+$0x1400] =	vst v2  }
0x25f: {  	v2 =	vld.idx.msk [tilespmem:v3+s2+$0x0], $0xffff  }
0x260: {  	v3 =	vor.u32 $0x1C, v1;
	_ =	sdelay $0x3  }
0x261: {  	[tilespmem:s12+$0x1600] =	vst v2  }
0x262: {  	v2 =	vld.idx.msk [tilespmem:v3+s2+$0x0], $0xffff  }
0x263: {  	v3 =	vor.u32 $0x1D, v1;
	_ =	sdelay $0x3  }
0x264: {  	[tilespmem:s12+$0x1800] =	vst v2  }
0x265: {  	v2 =	vld.idx.msk [tilespmem:v3+s2+$0x0], $0xffff  }
0x266: {  	v3 =	vor.u32 $0x1E, v1;
	_ =	sdelay $0x3  }
0x267: {  	[tilespmem:s12+$0x1A00] =	vst v2  }
0x268: {  	v2 =	vld.idx.msk [tilespmem:v3+s2+$0x0], $0xffff  }
0x269: {  	v1 =	vor.u32 $0x1F, v1;
	_ =	sdelay $0x3  }
0x26a: {  	[tilespmem:s12+$0x1C00] =	vst v2  }
0x26b: {  	v1 =	vld.idx.msk [tilespmem:v1+s2+$0x0], $0xffff;
	_ =	sdelay $0x4  }
0x26c: {  	[tilespmem:s12+$0x1E00] =	vst v1;
	s12 =	simm.s32 $0x4400  }
0x26d: {  	[hbm4b:s28+s4] =	stream.linear.scatter [tilespmem:s12], [sflag:$0x2], $0x4000, $0x38;
	[tilespmem:$0xE800] =	vst v63  }
0x26e: {  	_ =	swait.ge [sflag:s3], $0x4000  }
0x26f: {  	[sflag:s3] =	ssyncset.done $0x0  }
0x270: {  	[sflag:s3] =	ssyncadd.s32 $0xFFFFC000  }
0x271: {  	[hbm4b:s29+s4] =	stream.linear.scatter [tilespmem:s5], [sflag:$0x2], $0x4000, $0x38;
	[tilespmem:$0xE800] =	vst v63  }
0x272: {  	_ =	swait.ge [sflag:s3], $0x4000  }
0x273: {  	[sflag:s3] =	ssyncset.done $0x0  }
0x274: {  	[sflag:s3] =	ssyncadd.s32 $0xFFFFC000  }
0x275: {  	[hbm4b:s30+s4] =	stream.linear.scatter [tilespmem:s6], [sflag:$0x2], $0x2000, $0x38;
	[tilespmem:$0xE800] =	vst v63  }
0x276: {  	_ =	swait.ge [sflag:s3], $0x2000  }
0x277: {  	[sflag:s3] =	ssyncset.done $0x0  }
0x278: {  	s12 =	rddreg [dreg:$0x15];
	[sflag:s3] =	ssyncadd.s32 $0xFFFFE000  }
0x279: {  	[hbm4b:s12+s4] =	stream.linear.scatter [tilespmem:s7], [sflag:$0x2], $0x200, $0x38;
	[tilespmem:$0xE800] =	vst v63  }
0x27a: {  	s10 =	sadd.s32 $0x1, s10;
	_ =	swait.ge [sflag:s3], $0x200  }
0x27b: {  	p0 =	sne.s32 s10, s0;
	[sflag:s3] =	ssyncset.done $0x0  }
.Ltmp1:
0x27c: {  	[sflag:s3] =	ssyncadd.s32 $0xFFFFFE00;
	(pc) =	sbr.rel @p0 .LBB2_1-.Ltmp1, $4  }
0x27d: {  	[hbm4b:s31+s4] =	stream.linear.scatter [tilespmem:s8], [sflag:$0x2], $0x200, $0x38;
	[tilespmem:$0xE800] =	vst v63  }
0x27e: {  	_ =	swait.ge [sflag:s3], $0x200  }
0x27f: {  	[sflag:s3] =	ssyncset.done $0x0  }
0x280: {  	[sflag:s3] =	ssyncadd.s32 $0xFFFFFE00  }
0x281: {  	_ =	sfence.sel $0x180000  }
0x282: {  	[bflag:$0x0] =	sbarrier.arrive $0xFFFF  }
0x283: {  	_ =	strace $0x90000047  }
0x284: {  	s0 =	stileid.u32;
	[bflag:$0x2] =	sbarrier.arrive $0xFFFF  }
0x285: {  	p0 =	sne.s32 s0, $0x0;
	s0 =	rddreg [dreg:$0x6]  }
0x286: {  	s0 =	sadd.s32 @!p0 $0x100000, s0  }
0x287: {  	[sflag:s0] =	ssyncadd.tile.s32 @!p0 $0x1;
	_ =	shalt  }
.Lfunc_end2:
_tile_overlayer_lowered:
.L_overlay_start_2:
0x288: {  	(tag) =	ssettag $0x2  }
0x289: {  	s0 =	rddreg [dreg:$0x0];
	s2 =	stileid.u32  }
0x28a: {  	s1 =	rddreg [dreg:$0x1];
	p0 =	sne.s32 s2, $0x0  }
0x28b: {  	s3 =	rddreg [dreg:$0x2];
	[bflag:$0x3] =	sbarrier.arrive $0xFFFF;
	s2 =	simm.s32 @!p0 $0x1C02  }
0x28c: {  	[timem:s3], [sflag:s2] =	dma.local @!p0 [hbm:s0], s1  }
0x28d: {  	s0 =	simm.s32 @!p0 $0x2  }
0x28e: {  	_ =	swait.ge @!p0 [sflag:s0], s1  }
0x28f: {  	s1 =	ssub.s32 @!p0 $0x0, s1;
	[sflag:s0] =	ssyncset.done @!p0 $0x0  }
0x290: {  	[sflag:s0] =	ssyncadd.s32 @!p0 s1  }
0x291: {  	[bflag:$0x3] =	sbarrier.arrive $0xFFFF  }
0x292: {  	_ =	shalt  }

</sc_bundles>
